<compile_context>
chip_gen: v7x
topology: tpu7x:2x2x1
jax: 0.10.2.dev20260603
libtpu: 0.0.44.dev20260713+nightly
codegen_flags: <defaults>
</compile_context>

<pallas_src>
import functools

import jax
import jax.numpy as jnp
from jax import lax
from jax.experimental import pallas as pl
from jax.experimental.pallas import tpu as pltpu
from jax.experimental.pallas import tpu_sc as plsc

N = 10000
E = 320000
H = 128
C = 40
DW = 16

NC = 2
NS = 16
NW = NC * NS

CH = 80
EPW = E // NW
CPW = EPW // CH
PH_A = (CPW + 1) // 2
PH_B = CPW - PH_A
RPS = N // NS


def _make_sc_agg(with_deg):
  mesh = plsc.VectorSubcoreMesh(core_axis_name="c", subcore_axis_name="s")

  out_type = [jax.ShapeDtypeStruct((NC, N, H), jnp.float32)]
  scratch = [
      pltpu.VMEM((PH_A * CH,), jnp.int32),
      pltpu.VMEM((PH_A * CH,), jnp.int32),
      pltpu.VMEM((CH, H), jnp.float32),
      pltpu.VMEM((CH, H), jnp.float32),
      pltpu.VMEM_SHARED((N, H), jnp.float32),
      pltpu.SemaphoreType.DMA,
      pltpu.SemaphoreType.DMA,
      pltpu.SemaphoreType.DMA,
      pltpu.SemaphoreType.DMA,
  ]
  if with_deg:
    out_type.append(jax.ShapeDtypeStruct((NC, N, DW), jnp.float32))
    scratch.append(pltpu.VMEM((CH, DW), jnp.float32))
    scratch.append(pltpu.VMEM_SHARED((N, DW), jnp.float32))

  @functools.partial(
      pl.kernel,
      out_type=tuple(out_type) if with_deg else out_type[0],
      mesh=mesh,
      scratch_types=scratch,
      compiler_params=pltpu.CompilerParams(use_tc_tiling_on_sc=False),
  )
  def sc_agg(ei_hbm, tbl_hbm, *rest):
    if with_deg:
      (out_hbm, outd_hbm, src_v, dst_v, rows_a, rows_b, acc,
       sem_a, sem_b, sem_i, sem_j, ones_v, accd) = rest
    else:
      (out_hbm, src_v, dst_v, rows_a, rows_b, acc,
       sem_a, sem_b, sem_i, sem_j) = rest
    cid = lax.axis_index("c")
    sid = lax.axis_index("s")
    wid = cid * NS + sid
    ebase = wid * EPW

    cp_s = pltpu.async_copy(ei_hbm.at[0, pl.ds(ebase, PH_A * CH)], src_v,
                            sem_i)
    cp_d = pltpu.async_copy(ei_hbm.at[1, pl.ds(ebase, PH_A * CH)], dst_v,
                            sem_j)

    def _zero(r, carry):
      for k in range(H // 16):
        rows_a[r, pl.ds(k * 16, 16)] = jnp.zeros((16,), jnp.float32)
      return carry
    lax.fori_loop(0, CH, _zero, 0)
    for k in range(RPS // CH):
      pltpu.sync_copy(rows_a, acc.at[pl.ds(sid * RPS + k * CH, CH)])
    rem = RPS % CH
    pltpu.sync_copy(rows_a.at[pl.ds(0, rem)],
                    acc.at[pl.ds(sid * RPS + RPS - rem, rem)])
    if with_deg:
      def _zod(r, carry):
        ones_v[r, pl.ds(0, DW)] = jnp.zeros((DW,), jnp.float32)
        return carry
      lax.fori_loop(0, CH, _zod, 0)
      for k in range(RPS // CH):
        pltpu.sync_copy(ones_v, accd.at[pl.ds(sid * RPS + k * CH, CH)])
      pltpu.sync_copy(ones_v.at[pl.ds(0, rem)],
                      accd.at[pl.ds(sid * RPS + RPS - rem, rem)])
      def _ones(r, carry):
        ones_v[r, pl.ds(0, DW)] = jnp.ones((DW,), jnp.float32)
        return carry
      lax.fori_loop(0, CH, _ones, 0)
    plsc.subcore_barrier()
    cp_s.wait()
    cp_d.wait()

    def _gather(j, buf, sem):
      return pltpu.async_copy(tbl_hbm.at[src_v.at[pl.ds(j * CH, CH)]], buf,
                              sem)

    def _gwait(buf, sem):
      pltpu.make_async_copy(tbl_hbm.at[src_v.at[pl.ds(0, CH)]], buf,
                            sem).wait()

    def _scatter(j, buf):
      pltpu.sync_copy(buf, acc.at[dst_v.at[pl.ds(j * CH, CH)]], add=True)
      if with_deg:
        pltpu.sync_copy(ones_v, accd.at[dst_v.at[pl.ds(j * CH, CH)]],
                        add=True)

    def _run_phase(nchunks):
      _gather(0, rows_a, sem_a)

      def _block(k, carry):
        j = 2 * k
        _gather(j + 1, rows_b, sem_b)
        _gwait(rows_a, sem_a)
        _scatter(j, rows_a)
        _gather(j + 2, rows_a, sem_a)
        _gwait(rows_b, sem_b)
        _scatter(j + 1, rows_b)
        return carry
      lax.fori_loop(0, (nchunks - 1) // 2, _block, 0)
      if nchunks % 2:
        _gwait(rows_a, sem_a)
        _scatter(nchunks - 1, rows_a)
      else:
        _gather(nchunks - 1, rows_b, sem_b)
        _gwait(rows_a, sem_a)
        _scatter(nchunks - 2, rows_a)
        _gwait(rows_b, sem_b)
        _scatter(nchunks - 1, rows_b)

    _run_phase(PH_A)
    pltpu.sync_copy(ei_hbm.at[0, pl.ds(ebase + PH_A * CH, PH_B * CH)],
                    src_v.at[pl.ds(0, PH_B * CH)])
    pltpu.sync_copy(ei_hbm.at[1, pl.ds(ebase + PH_A * CH, PH_B * CH)],
                    dst_v.at[pl.ds(0, PH_B * CH)])
    _run_phase(PH_B)

    plsc.subcore_barrier()
    pltpu.sync_copy(acc.at[pl.ds(sid * RPS, RPS)],
                    out_hbm.at[cid, pl.ds(sid * RPS, RPS)])
    if with_deg:
      pltpu.sync_copy(accd.at[pl.ds(sid * RPS, RPS)],
                      outd_hbm.at[cid, pl.ds(sid * RPS, RPS)])

  return sc_agg


_sc_agg_deg = _make_sc_agg(True)
_sc_agg = _make_sc_agg(False)


def _tc1_body(x_ref, aggp_ref, degp_ref, ws_ref, wn_ref, b_ref, h_ref,
              inv_ref):
  deg = degp_ref[0, :, 0:1] + degp_ref[1, :, 0:1]
  inv = 1.0 / jnp.maximum(deg, 1.0)
  hn = (aggp_ref[0] + aggp_ref[1]) * inv
  h = (jnp.dot(x_ref[...], ws_ref[...], preferred_element_type=jnp.float32)
       + jnp.dot(hn, wn_ref[...], preferred_element_type=jnp.float32)
       + b_ref[...])
  h_ref[...] = jnp.maximum(h, 0.0)
  inv_ref[...] = inv


_tc1 = pl.pallas_call(
    _tc1_body,
    out_shape=(jax.ShapeDtypeStruct((N, H), jnp.float32),
               jax.ShapeDtypeStruct((N, 1), jnp.float32)),
)


def _tc2_body(h_ref, aggp_ref, inv_ref, ws_ref, wn_ref, b_ref, wfc_ref,
              bfc_ref, out_ref):
  hn = (aggp_ref[0] + aggp_ref[1]) * inv_ref[...]
  z = (jnp.dot(h_ref[...], ws_ref[...], preferred_element_type=jnp.float32)
       + jnp.dot(hn, wn_ref[...], preferred_element_type=jnp.float32)
       + b_ref[...])
  out_ref[...] = (jnp.dot(z, wfc_ref[...], preferred_element_type=jnp.float32)
                  + bfc_ref[...])


_tc2 = pl.pallas_call(
    _tc2_body,
    out_shape=jax.ShapeDtypeStruct((N, C), jnp.float32),
)


def kernel(x, edge_index, W_self1, W_neigh1, b1, W_self2, W_neigh2, b2,
           W_fc, b_fc):
  agg1p, degp = _sc_agg_deg(edge_index, x)
  h, inv = _tc1(x, agg1p, degp, W_self1, W_neigh1, b1)
  agg2p = _sc_agg(edge_index, h)
  return _tc2(h, agg2p, inv, W_self2, W_neigh2, b2, W_fc, b_fc)

# --- scband reference (transcript-rebuilt; emitter-appended) ---
"""Pipeline reference for scband-sage-8710193676594 (READ-ONLY COPY).

The authoritative reference and input builder live on the scoring server;
editing this copy changes nothing except your own understanding.
"""

import jax, jax.numpy as jnp
import numpy as np

N = 10000
E = 320000
F_IN = 128
H = 128
C = 40


def setup_inputs(seed: int = 0) -> dict:
    key = jax.random.key(seed)
    ks = jax.random.split(key, 12)
    x = jax.random.normal(ks[0], (N, F_IN), dtype=jnp.float32)
    edge_index = jax.random.randint(ks[1], (2, E), 0, N, dtype=jnp.int32)
    s_in = 1.0 / np.sqrt(F_IN)
    s_h = 1.0 / np.sqrt(H)
    W_self1 = jax.random.normal(ks[2], (F_IN, H), dtype=jnp.float32) * s_in
    W_neigh1 = jax.random.normal(ks[3], (F_IN, H), dtype=jnp.float32) * s_in
    b1 = jnp.zeros((H,), dtype=jnp.float32)
    W_self2 = jax.random.normal(ks[4], (H, H), dtype=jnp.float32) * s_h
    W_neigh2 = jax.random.normal(ks[5], (H, H), dtype=jnp.float32) * s_h
    b2 = jnp.zeros((H,), dtype=jnp.float32)
    W_fc = jax.random.normal(ks[6], (H, C), dtype=jnp.float32) * s_h
    b_fc = jnp.zeros((C,), dtype=jnp.float32)
    return {
        "x": x, "edge_index": edge_index,
        "W_self1": W_self1, "W_neigh1": W_neigh1, "b1": b1,
        "W_self2": W_self2, "W_neigh2": W_neigh2, "b2": b2,
        "W_fc": W_fc, "b_fc": b_fc,
    }


def _sage_conv(x, src, dst, W_neigh, W_self, b):
    # DGL SAGEConv with 'mean' aggregator:
    # h_neigh = mean_{u in N(v)} x[u]; out = x @ W_self + h_neigh @ W_neigh + b
    msgs = x[src]
    agg = jax.ops.segment_sum(msgs, dst, num_segments=N)
    deg = jax.ops.segment_sum(jnp.ones((src.shape[0],), jnp.float32), dst, num_segments=N)
    deg = jnp.clip(deg, 1.0, None)
    h_neigh = agg / deg[:, None]
    return x @ W_self + h_neigh @ W_neigh + b


def reference(x, edge_index, W_self1, W_neigh1, b1, W_self2, W_neigh2, b2, W_fc, b_fc):
    src = edge_index[0]
    dst = edge_index[1]
    h = _sage_conv(x, src, dst, W_neigh1, W_self1, b1)
    h = jax.nn.relu(h)
    # dropout rate = 0.0 -> identity (eval-mode faithful)
    h = _sage_conv(h, src, dst, W_neigh2, W_self2, b2)
    out = h @ W_fc + b_fc
    return out

if __name__ == "__main__":
    import jax
    _d = setup_inputs()
    print(jax.jit(kernel)(*tuple(_d.values())))

</pallas_src>

<mosaic_0001>
#map = affine_map<(d0, d1) -> (0, 0)>
#map1 = affine_map<(d0, d1) -> (0, 0, 0)>
module attributes {stable_mosaic.version = 14 : i64} {
  func.func @sc_agg(%arg0: i32, %arg1: i32, %arg2: memref<2x320000xi32, #tpu.memory_space<hbm>>, %arg3: memref<10000x128xf32, #tpu.memory_space<hbm>>, %arg4: memref<2x10000x128xf32, #tpu.memory_space<hbm>>, %arg5: memref<2x10000x16xf32, #tpu.memory_space<hbm>>, %arg6: memref<5040xi32, #tpu.memory_space<vmem>>, %arg7: memref<5040xi32, #tpu.memory_space<vmem>>, %arg8: memref<80x128xf32, #tpu.memory_space<vmem>>, %arg9: memref<80x128xf32, #tpu.memory_space<vmem>>, %arg10: memref<10000x128xf32, #tpu.memory_space<vmem_shared>>, %arg11: memref<!tpu.dma_semaphore, #tpu.memory_space<semaphore_mem>>, %arg12: memref<!tpu.dma_semaphore, #tpu.memory_space<semaphore_mem>>, %arg13: memref<!tpu.dma_semaphore, #tpu.memory_space<semaphore_mem>>, %arg14: memref<!tpu.dma_semaphore, #tpu.memory_space<semaphore_mem>>, %arg15: memref<80x16xf32, #tpu.memory_space<vmem>>, %arg16: memref<10000x16xf32, #tpu.memory_space<vmem_shared>>) attributes {dimension_semantics = [#tpu.dimension_semantics<core_parallel>, #tpu.dimension_semantics<subcore_parallel>], iteration_bounds = array<i64: 2, 16>, scalar_prefetch = 0 : i64, scratch_operands = 11 : i64, tpu.core_type = #tpu.core_type<sc_vector_subcore>, window_params = [{transform_indices = #map}, {transform_indices = #map}, {transform_indices = #map1}, {transform_indices = #map1}]} {
    %mul3A = arith.constant 16 : i32
    %mul3A_0 = arith.muli %arg0, %mul3A : i32
    %add3A = arith.addi %mul3A_0, %arg1 : i32
    %mul3A_1 = arith.constant 10000 : i32
    %mul3A_2 = arith.muli %add3A, %mul3A_1 : i32
    %dma_start3A = arith.constant 0 : i32
    %dma_start3A_3 = tpu.memref_slice %arg2[%dma_start3A, %mul3A_2] : memref<2x320000xi32, #tpu.memory_space<hbm>> -> memref<1x5040xi32, #tpu.memory_space<hbm>>
    %dma_start3A_4 = tpu.memref_squeeze %dma_start3A_3 : memref<1x5040xi32, #tpu.memory_space<hbm>> -> memref<5040xi32, #tpu.memory_space<hbm>>
    %dma_start3A_5 = tpu.memref_slice %arg2[%dma_start3A, %mul3A_2] : memref<2x320000xi32, #tpu.memory_space<hbm>> -> memref<1x5040xi32, #tpu.memory_space<hbm>>
    %dma_start3A_6 = tpu.memref_squeeze %dma_start3A_5 : memref<1x5040xi32, #tpu.memory_space<hbm>> -> memref<5040xi32, #tpu.memory_space<hbm>>
    tpu.enqueue_dma source(%dma_start3A_6 : memref<5040xi32, #tpu.memory_space<hbm>>) target(%arg6 : memref<5040xi32, #tpu.memory_space<vmem>>) target_semaphore(%arg13 : memref<!tpu.dma_semaphore, #tpu.memory_space<semaphore_mem>>)
    %dma_start3A_7 = arith.constant 1 : i32
    %dma_start3A_8 = tpu.memref_slice %arg2[%dma_start3A_7, %mul3A_2] : memref<2x320000xi32, #tpu.memory_space<hbm>> -> memref<1x5040xi32, #tpu.memory_space<hbm>>
    %dma_start3A_9 = tpu.memref_squeeze %dma_start3A_8 : memref<1x5040xi32, #tpu.memory_space<hbm>> -> memref<5040xi32, #tpu.memory_space<hbm>>
    %dma_start3A_10 = tpu.memref_slice %arg2[%dma_start3A_7, %mul3A_2] : memref<2x320000xi32, #tpu.memory_space<hbm>> -> memref<1x5040xi32, #tpu.memory_space<hbm>>
    %dma_start3A_11 = tpu.memref_squeeze %dma_start3A_10 : memref<1x5040xi32, #tpu.memory_space<hbm>> -> memref<5040xi32, #tpu.memory_space<hbm>>
    tpu.enqueue_dma source(%dma_start3A_11 : memref<5040xi32, #tpu.memory_space<hbm>>) target(%arg7 : memref<5040xi32, #tpu.memory_space<vmem>>) target_semaphore(%arg14 : memref<!tpu.dma_semaphore, #tpu.memory_space<semaphore_mem>>)
    %scan3A = arith.constant 0 : i32
    %scan3A_12 = arith.constant 0 : i32
    %scan3A_13 = arith.constant 80 : i32
    %scan3A_14 = arith.addi %scan3A_12, %scan3A_13 : i32
    %scan3A_15 = arith.constant 1 : i32
    scf.for %scan3A_161 = %scan3A_12 to %scan3A_14 step %scan3A_15  : i32 {
      %broadcast_in_dim3A = arith.constant 0.000000e+00 : f32
      %broadcast_in_dim3A_162 = vector.broadcast %broadcast_in_dim3A : f32 to vector<16xf32>
      %swap3A = arith.index_cast %scan3A_161 : i32 to index
      %swap3A_163 = arith.constant 0 : index
      %swap3A_164 = tpu.vector_load %arg8[%swap3A, %swap3A_163] {strides = array<i32>} : memref<80x128xf32, #tpu.memory_space<vmem>>, vector<1x16xf32>,
      %swap3A_165 = vector.shape_cast %swap3A_164 : vector<1x16xf32> to vector<16xf32>
      %swap3A_166 = vector.shape_cast %broadcast_in_dim3A_162 : vector<16xf32> to vector<1x16xf32>
      tpu.vector_store %arg8[%swap3A, %swap3A_163], %swap3A_166 {strides = array<i32>} : memref<80x128xf32, #tpu.memory_space<vmem>>, vector<1x16xf32>,
      %broadcast_in_dim3A_167 = arith.constant 0.000000e+00 : f32
      %broadcast_in_dim3A_168 = vector.broadcast %broadcast_in_dim3A_167 : f32 to vector<16xf32>
      %swap3A_169 = arith.index_cast %scan3A_161 : i32 to index
      %swap3A_170 = arith.constant 16 : index
      %swap3A_171 = tpu.vector_load %arg8[%swap3A_169, %swap3A_170] {strides = array<i32>} : memref<80x128xf32, #tpu.memory_space<vmem>>, vector<1x16xf32>,
      %swap3A_172 = vector.shape_cast %swap3A_171 : vector<1x16xf32> to vector<16xf32>
      %swap3A_173 = vector.shape_cast %broadcast_in_dim3A_168 : vector<16xf32> to vector<1x16xf32>
      tpu.vector_store %arg8[%swap3A_169, %swap3A_170], %swap3A_173 {strides = array<i32>} : memref<80x128xf32, #tpu.memory_space<vmem>>, vector<1x16xf32>,
      %broadcast_in_dim3A_174 = arith.constant 0.000000e+00 : f32
      %broadcast_in_dim3A_175 = vector.broadcast %broadcast_in_dim3A_174 : f32 to vector<16xf32>
      %swap3A_176 = arith.index_cast %scan3A_161 : i32 to index
      %swap3A_177 = arith.constant 32 : index
      %swap3A_178 = tpu.vector_load %arg8[%swap3A_176, %swap3A_177] {strides = array<i32>} : memref<80x128xf32, #tpu.memory_space<vmem>>, vector<1x16xf32>,
      %swap3A_179 = vector.shape_cast %swap3A_178 : vector<1x16xf32> to vector<16xf32>
      %swap3A_180 = vector.shape_cast %broadcast_in_dim3A_175 : vector<16xf32> to vector<1x16xf32>
      tpu.vector_store %arg8[%swap3A_176, %swap3A_177], %swap3A_180 {strides = array<i32>} : memref<80x128xf32, #tpu.memory_space<vmem>>, vector<1x16xf32>,
      %broadcast_in_dim3A_181 = arith.constant 0.000000e+00 : f32
      %broadcast_in_dim3A_182 = vector.broadcast %broadcast_in_dim3A_181 : f32 to vector<16xf32>
      %swap3A_183 = arith.index_cast %scan3A_161 : i32 to index
      %swap3A_184 = arith.constant 48 : index
      %swap3A_185 = tpu.vector_load %arg8[%swap3A_183, %swap3A_184] {strides = array<i32>} : memref<80x128xf32, #tpu.memory_space<vmem>>, vector<1x16xf32>,
      %swap3A_186 = vector.shape_cast %swap3A_185 : vector<1x16xf32> to vector<16xf32>
      %swap3A_187 = vector.shape_cast %broadcast_in_dim3A_182 : vector<16xf32> to vector<1x16xf32>
      tpu.vector_store %arg8[%swap3A_183, %swap3A_184], %swap3A_187 {strides = array<i32>} : memref<80x128xf32, #tpu.memory_space<vmem>>, vector<1x16xf32>,
      %broadcast_in_dim3A_188 = arith.constant 0.000000e+00 : f32
      %broadcast_in_dim3A_189 = vector.broadcast %broadcast_in_dim3A_188 : f32 to vector<16xf32>
      %swap3A_190 = arith.index_cast %scan3A_161 : i32 to index
      %swap3A_191 = arith.constant 64 : index
      %swap3A_192 = tpu.vector_load %arg8[%swap3A_190, %swap3A_191] {strides = array<i32>} : memref<80x128xf32, #tpu.memory_space<vmem>>, vector<1x16xf32>,
      %swap3A_193 = vector.shape_cast %swap3A_192 : vector<1x16xf32> to vector<16xf32>
      %swap3A_194 = vector.shape_cast %broadcast_in_dim3A_189 : vector<16xf32> to vector<1x16xf32>
      tpu.vector_store %arg8[%swap3A_190, %swap3A_191], %swap3A_194 {strides = array<i32>} : memref<80x128xf32, #tpu.memory_space<vmem>>, vector<1x16xf32>,
      %broadcast_in_dim3A_195 = arith.constant 0.000000e+00 : f32
      %broadcast_in_dim3A_196 = vector.broadcast %broadcast_in_dim3A_195 : f32 to vector<16xf32>
      %swap3A_197 = arith.index_cast %scan3A_161 : i32 to index
      %swap3A_198 = arith.constant 80 : index
      %swap3A_199 = tpu.vector_load %arg8[%swap3A_197, %swap3A_198] {strides = array<i32>} : memref<80x128xf32, #tpu.memory_space<vmem>>, vector<1x16xf32>,
      %swap3A_200 = vector.shape_cast %swap3A_199 : vector<1x16xf32> to vector<16xf32>
      %swap3A_201 = vector.shape_cast %broadcast_in_dim3A_196 : vector<16xf32> to vector<1x16xf32>
      tpu.vector_store %arg8[%swap3A_197, %swap3A_198], %swap3A_201 {strides = array<i32>} : memref<80x128xf32, #tpu.memory_space<vmem>>, vector<1x16xf32>,
      %broadcast_in_dim3A_202 = arith.constant 0.000000e+00 : f32
      %broadcast_in_dim3A_203 = vector.broadcast %broadcast_in_dim3A_202 : f32 to vector<16xf32>
      %swap3A_204 = arith.index_cast %scan3A_161 : i32 to index
      %swap3A_205 = arith.constant 96 : index
      %swap3A_206 = tpu.vector_load %arg8[%swap3A_204, %swap3A_205] {strides = array<i32>} : memref<80x128xf32, #tpu.memory_space<vmem>>, vector<1x16xf32>,
      %swap3A_207 = vector.shape_cast %swap3A_206 : vector<1x16xf32> to vector<16xf32>
      %swap3A_208 = vector.shape_cast %broadcast_in_dim3A_203 : vector<16xf32> to vector<1x16xf32>
      tpu.vector_store %arg8[%swap3A_204, %swap3A_205], %swap3A_208 {strides = array<i32>} : memref<80x128xf32, #tpu.memory_space<vmem>>, vector<1x16xf32>,
      %broadcast_in_dim3A_209 = arith.constant 0.000000e+00 : f32
      %broadcast_in_dim3A_210 = vector.broadcast %broadcast_in_dim3A_209 : f32 to vector<16xf32>
      %swap3A_211 = arith.index_cast %scan3A_161 : i32 to index
      %swap3A_212 = arith.constant 112 : index
      %swap3A_213 = tpu.vector_load %arg8[%swap3A_211, %swap3A_212] {strides = array<i32>} : memref<80x128xf32, #tpu.memory_space<vmem>>, vector<1x16xf32>,
      %swap3A_214 = vector.shape_cast %swap3A_213 : vector<1x16xf32> to vector<16xf32>
      %swap3A_215 = vector.shape_cast %broadcast_in_dim3A_210 : vector<16xf32> to vector<1x16xf32>
      tpu.vector_store %arg8[%swap3A_211, %swap3A_212], %swap3A_215 {strides = array<i32>} : memref<80x128xf32, #tpu.memory_space<vmem>>, vector<1x16xf32>,
    }
    %scan3A_16 = arith.constant 80 : i32
    %mul3A_17 = arith.constant 625 : i32
    %mul3A_18 = arith.muli %arg1, %mul3A_17 : i32
    %add3A_19 = arith.constant 0 : i32
    %add3A_20 = arith.addi %mul3A_18, %add3A_19 : i32
    "tpu.region"() ({
      %run_scoped3A_161 = tpu.sem_alloc : memref<!tpu.dma_semaphore, #tpu.memory_space<semaphore_mem>>
      %dma_start3A_162 = arith.constant 0 : i32
      %dma_start3A_163 = tpu.memref_slice %arg10[%add3A_20, %dma_start3A_162] : memref<10000x128xf32, #tpu.memory_space<vmem_shared>> -> memref<80x128xf32, #tpu.memory_space<vmem_shared>>
      %dma_start3A_164 = arith.constant 0 : i32
      %dma_start3A_165 = tpu.memref_slice %arg10[%add3A_20, %dma_start3A_164] : memref<10000x128xf32, #tpu.memory_space<vmem_shared>> -> memref<80x128xf32, #tpu.memory_space<vmem_shared>>
      tpu.enqueue_dma source(%arg8 : memref<80x128xf32, #tpu.memory_space<vmem>>) target(%dma_start3A_165 : memref<80x128xf32, #tpu.memory_space<vmem_shared>>) target_semaphore(%run_scoped3A_161 : memref<!tpu.dma_semaphore, #tpu.memory_space<semaphore_mem>>)
      %dma_wait3A_166 = arith.constant 0 : i32
      %dma_wait3A_167 = tpu.memref_slice %arg10[%add3A_20, %dma_wait3A_166] : memref<10000x128xf32, #tpu.memory_space<vmem_shared>> -> memref<80x128xf32, #tpu.memory_space<vmem_shared>>
      %dma_wait3A_168 = arith.constant 0 : i32
      %dma_wait3A_169 = tpu.memref_slice %arg10[%add3A_20, %dma_wait3A_168] : memref<10000x128xf32, #tpu.memory_space<vmem_shared>> -> memref<80x128xf32, #tpu.memory_space<vmem_shared>>
      tpu.wait_dma2 semaphore(%run_scoped3A_161 : memref<!tpu.dma_semaphore, #tpu.memory_space<semaphore_mem>>) src(%arg8 : memref<80x128xf32, #tpu.memory_space<vmem>>) dst(%dma_wait3A_169 : memref<80x128xf32, #tpu.memory_space<vmem_shared>>)
      tpu.yield
    }) : () -> ()
    %mul3A_21 = arith.constant 625 : i32
    %mul3A_22 = arith.muli %arg1, %mul3A_21 : i32
    %add3A_23 = arith.constant 80 : i32
    %add3A_24 = arith.addi %mul3A_22, %add3A_23 : i32
    "tpu.region"() ({
      %run_scoped3A_161 = tpu.sem_alloc : memref<!tpu.dma_semaphore, #tpu.memory_space<semaphore_mem>>
      %dma_start3A_162 = arith.constant 0 : i32
      %dma_start3A_163 = tpu.memref_slice %arg10[%add3A_24, %dma_start3A_162] : memref<10000x128xf32, #tpu.memory_space<vmem_shared>> -> memref<80x128xf32, #tpu.memory_space<vmem_shared>>
      %dma_start3A_164 = arith.constant 0 : i32
      %dma_start3A_165 = tpu.memref_slice %arg10[%add3A_24, %dma_start3A_164] : memref<10000x128xf32, #tpu.memory_space<vmem_shared>> -> memref<80x128xf32, #tpu.memory_space<vmem_shared>>
      tpu.enqueue_dma source(%arg8 : memref<80x128xf32, #tpu.memory_space<vmem>>) target(%dma_start3A_165 : memref<80x128xf32, #tpu.memory_space<vmem_shared>>) target_semaphore(%run_scoped3A_161 : memref<!tpu.dma_semaphore, #tpu.memory_space<semaphore_mem>>)
      %dma_wait3A_166 = arith.constant 0 : i32
      %dma_wait3A_167 = tpu.memref_slice %arg10[%add3A_24, %dma_wait3A_166] : memref<10000x128xf32, #tpu.memory_space<vmem_shared>> -> memref<80x128xf32, #tpu.memory_space<vmem_shared>>
      %dma_wait3A_168 = arith.constant 0 : i32
      %dma_wait3A_169 = tpu.memref_slice %arg10[%add3A_24, %dma_wait3A_168] : memref<10000x128xf32, #tpu.memory_space<vmem_shared>> -> memref<80x128xf32, #tpu.memory_space<vmem_shared>>
      tpu.wait_dma2 semaphore(%run_scoped3A_161 : memref<!tpu.dma_semaphore, #tpu.memory_space<semaphore_mem>>) src(%arg8 : memref<80x128xf32, #tpu.memory_space<vmem>>) dst(%dma_wait3A_169 : memref<80x128xf32, #tpu.memory_space<vmem_shared>>)
      tpu.yield
    }) : () -> ()
    %mul3A_25 = arith.constant 625 : i32
    %mul3A_26 = arith.muli %arg1, %mul3A_25 : i32
    %add3A_27 = arith.constant 160 : i32
    %add3A_28 = arith.addi %mul3A_26, %add3A_27 : i32
    "tpu.region"() ({
      %run_scoped3A_161 = tpu.sem_alloc : memref<!tpu.dma_semaphore, #tpu.memory_space<semaphore_mem>>
      %dma_start3A_162 = arith.constant 0 : i32
      %dma_start3A_163 = tpu.memref_slice %arg10[%add3A_28, %dma_start3A_162] : memref<10000x128xf32, #tpu.memory_space<vmem_shared>> -> memref<80x128xf32, #tpu.memory_space<vmem_shared>>
      %dma_start3A_164 = arith.constant 0 : i32
      %dma_start3A_165 = tpu.memref_slice %arg10[%add3A_28, %dma_start3A_164] : memref<10000x128xf32, #tpu.memory_space<vmem_shared>> -> memref<80x128xf32, #tpu.memory_space<vmem_shared>>
      tpu.enqueue_dma source(%arg8 : memref<80x128xf32, #tpu.memory_space<vmem>>) target(%dma_start3A_165 : memref<80x128xf32, #tpu.memory_space<vmem_shared>>) target_semaphore(%run_scoped3A_161 : memref<!tpu.dma_semaphore, #tpu.memory_space<semaphore_mem>>)
      %dma_wait3A_166 = arith.constant 0 : i32
      %dma_wait3A_167 = tpu.memref_slice %arg10[%add3A_28, %dma_wait3A_166] : memref<10000x128xf32, #tpu.memory_space<vmem_shared>> -> memref<80x128xf32, #tpu.memory_space<vmem_shared>>
      %dma_wait3A_168 = arith.constant 0 : i32
      %dma_wait3A_169 = tpu.memref_slice %arg10[%add3A_28, %dma_wait3A_168] : memref<10000x128xf32, #tpu.memory_space<vmem_shared>> -> memref<80x128xf32, #tpu.memory_space<vmem_shared>>
      tpu.wait_dma2 semaphore(%run_scoped3A_161 : memref<!tpu.dma_semaphore, #tpu.memory_space<semaphore_mem>>) src(%arg8 : memref<80x128xf32, #tpu.memory_space<vmem>>) dst(%dma_wait3A_169 : memref<80x128xf32, #tpu.memory_space<vmem_shared>>)
      tpu.yield
    }) : () -> ()
    %mul3A_29 = arith.constant 625 : i32
    %mul3A_30 = arith.muli %arg1, %mul3A_29 : i32
    %add3A_31 = arith.constant 240 : i32
    %add3A_32 = arith.addi %mul3A_30, %add3A_31 : i32
    "tpu.region"() ({
      %run_scoped3A_161 = tpu.sem_alloc : memref<!tpu.dma_semaphore, #tpu.memory_space<semaphore_mem>>
      %dma_start3A_162 = arith.constant 0 : i32
      %dma_start3A_163 = tpu.memref_slice %arg10[%add3A_32, %dma_start3A_162] : memref<10000x128xf32, #tpu.memory_space<vmem_shared>> -> memref<80x128xf32, #tpu.memory_space<vmem_shared>>
      %dma_start3A_164 = arith.constant 0 : i32
      %dma_start3A_165 = tpu.memref_slice %arg10[%add3A_32, %dma_start3A_164] : memref<10000x128xf32, #tpu.memory_space<vmem_shared>> -> memref<80x128xf32, #tpu.memory_space<vmem_shared>>
      tpu.enqueue_dma source(%arg8 : memref<80x128xf32, #tpu.memory_space<vmem>>) target(%dma_start3A_165 : memref<80x128xf32, #tpu.memory_space<vmem_shared>>) target_semaphore(%run_scoped3A_161 : memref<!tpu.dma_semaphore, #tpu.memory_space<semaphore_mem>>)
      %dma_wait3A_166 = arith.constant 0 : i32
      %dma_wait3A_167 = tpu.memref_slice %arg10[%add3A_32, %dma_wait3A_166] : memref<10000x128xf32, #tpu.memory_space<vmem_shared>> -> memref<80x128xf32, #tpu.memory_space<vmem_shared>>
      %dma_wait3A_168 = arith.constant 0 : i32
      %dma_wait3A_169 = tpu.memref_slice %arg10[%add3A_32, %dma_wait3A_168] : memref<10000x128xf32, #tpu.memory_space<vmem_shared>> -> memref<80x128xf32, #tpu.memory_space<vmem_shared>>
      tpu.wait_dma2 semaphore(%run_scoped3A_161 : memref<!tpu.dma_semaphore, #tpu.memory_space<semaphore_mem>>) src(%arg8 : memref<80x128xf32, #tpu.memory_space<vmem>>) dst(%dma_wait3A_169 : memref<80x128xf32, #tpu.memory_space<vmem_shared>>)
      tpu.yield
    }) : () -> ()
    %mul3A_33 = arith.constant 625 : i32
    %mul3A_34 = arith.muli %arg1, %mul3A_33 : i32
    %add3A_35 = arith.constant 320 : i32
    %add3A_36 = arith.addi %mul3A_34, %add3A_35 : i32
    "tpu.region"() ({
      %run_scoped3A_161 = tpu.sem_alloc : memref<!tpu.dma_semaphore, #tpu.memory_space<semaphore_mem>>
      %dma_start3A_162 = arith.constant 0 : i32
      %dma_start3A_163 = tpu.memref_slice %arg10[%add3A_36, %dma_start3A_162] : memref<10000x128xf32, #tpu.memory_space<vmem_shared>> -> memref<80x128xf32, #tpu.memory_space<vmem_shared>>
      %dma_start3A_164 = arith.constant 0 : i32
      %dma_start3A_165 = tpu.memref_slice %arg10[%add3A_36, %dma_start3A_164] : memref<10000x128xf32, #tpu.memory_space<vmem_shared>> -> memref<80x128xf32, #tpu.memory_space<vmem_shared>>
      tpu.enqueue_dma source(%arg8 : memref<80x128xf32, #tpu.memory_space<vmem>>) target(%dma_start3A_165 : memref<80x128xf32, #tpu.memory_space<vmem_shared>>) target_semaphore(%run_scoped3A_161 : memref<!tpu.dma_semaphore, #tpu.memory_space<semaphore_mem>>)
      %dma_wait3A_166 = arith.constant 0 : i32
      %dma_wait3A_167 = tpu.memref_slice %arg10[%add3A_36, %dma_wait3A_166] : memref<10000x128xf32, #tpu.memory_space<vmem_shared>> -> memref<80x128xf32, #tpu.memory_space<vmem_shared>>
      %dma_wait3A_168 = arith.constant 0 : i32
      %dma_wait3A_169 = tpu.memref_slice %arg10[%add3A_36, %dma_wait3A_168] : memref<10000x128xf32, #tpu.memory_space<vmem_shared>> -> memref<80x128xf32, #tpu.memory_space<vmem_shared>>
      tpu.wait_dma2 semaphore(%run_scoped3A_161 : memref<!tpu.dma_semaphore, #tpu.memory_space<semaphore_mem>>) src(%arg8 : memref<80x128xf32, #tpu.memory_space<vmem>>) dst(%dma_wait3A_169 : memref<80x128xf32, #tpu.memory_space<vmem_shared>>)
      tpu.yield
    }) : () -> ()
    %mul3A_37 = arith.constant 625 : i32
    %mul3A_38 = arith.muli %arg1, %mul3A_37 : i32
    %add3A_39 = arith.constant 400 : i32
    %add3A_40 = arith.addi %mul3A_38, %add3A_39 : i32
    "tpu.region"() ({
      %run_scoped3A_161 = tpu.sem_alloc : memref<!tpu.dma_semaphore, #tpu.memory_space<semaphore_mem>>
      %dma_start3A_162 = arith.constant 0 : i32
      %dma_start3A_163 = tpu.memref_slice %arg10[%add3A_40, %dma_start3A_162] : memref<10000x128xf32, #tpu.memory_space<vmem_shared>> -> memref<80x128xf32, #tpu.memory_space<vmem_shared>>
      %dma_start3A_164 = arith.constant 0 : i32
      %dma_start3A_165 = tpu.memref_slice %arg10[%add3A_40, %dma_start3A_164] : memref<10000x128xf32, #tpu.memory_space<vmem_shared>> -> memref<80x128xf32, #tpu.memory_space<vmem_shared>>
      tpu.enqueue_dma source(%arg8 : memref<80x128xf32, #tpu.memory_space<vmem>>) target(%dma_start3A_165 : memref<80x128xf32, #tpu.memory_space<vmem_shared>>) target_semaphore(%run_scoped3A_161 : memref<!tpu.dma_semaphore, #tpu.memory_space<semaphore_mem>>)
      %dma_wait3A_166 = arith.constant 0 : i32
      %dma_wait3A_167 = tpu.memref_slice %arg10[%add3A_40, %dma_wait3A_166] : memref<10000x128xf32, #tpu.memory_space<vmem_shared>> -> memref<80x128xf32, #tpu.memory_space<vmem_shared>>
      %dma_wait3A_168 = arith.constant 0 : i32
      %dma_wait3A_169 = tpu.memref_slice %arg10[%add3A_40, %dma_wait3A_168] : memref<10000x128xf32, #tpu.memory_space<vmem_shared>> -> memref<80x128xf32, #tpu.memory_space<vmem_shared>>
      tpu.wait_dma2 semaphore(%run_scoped3A_161 : memref<!tpu.dma_semaphore, #tpu.memory_space<semaphore_mem>>) src(%arg8 : memref<80x128xf32, #tpu.memory_space<vmem>>) dst(%dma_wait3A_169 : memref<80x128xf32, #tpu.memory_space<vmem_shared>>)
      tpu.yield
    }) : () -> ()
    %mul3A_41 = arith.constant 625 : i32
    %mul3A_42 = arith.muli %arg1, %mul3A_41 : i32
    %add3A_43 = arith.constant 480 : i32
    %add3A_44 = arith.addi %mul3A_42, %add3A_43 : i32
    "tpu.region"() ({
      %run_scoped3A_161 = tpu.sem_alloc : memref<!tpu.dma_semaphore, #tpu.memory_space<semaphore_mem>>
      %dma_start3A_162 = arith.constant 0 : i32
      %dma_start3A_163 = tpu.memref_slice %arg10[%add3A_44, %dma_start3A_162] : memref<10000x128xf32, #tpu.memory_space<vmem_shared>> -> memref<80x128xf32, #tpu.memory_space<vmem_shared>>
      %dma_start3A_164 = arith.constant 0 : i32
      %dma_start3A_165 = tpu.memref_slice %arg10[%add3A_44, %dma_start3A_164] : memref<10000x128xf32, #tpu.memory_space<vmem_shared>> -> memref<80x128xf32, #tpu.memory_space<vmem_shared>>
      tpu.enqueue_dma source(%arg8 : memref<80x128xf32, #tpu.memory_space<vmem>>) target(%dma_start3A_165 : memref<80x128xf32, #tpu.memory_space<vmem_shared>>) target_semaphore(%run_scoped3A_161 : memref<!tpu.dma_semaphore, #tpu.memory_space<semaphore_mem>>)
      %dma_wait3A_166 = arith.constant 0 : i32
      %dma_wait3A_167 = tpu.memref_slice %arg10[%add3A_44, %dma_wait3A_166] : memref<10000x128xf32, #tpu.memory_space<vmem_shared>> -> memref<80x128xf32, #tpu.memory_space<vmem_shared>>
      %dma_wait3A_168 = arith.constant 0 : i32
      %dma_wait3A_169 = tpu.memref_slice %arg10[%add3A_44, %dma_wait3A_168] : memref<10000x128xf32, #tpu.memory_space<vmem_shared>> -> memref<80x128xf32, #tpu.memory_space<vmem_shared>>
      tpu.wait_dma2 semaphore(%run_scoped3A_161 : memref<!tpu.dma_semaphore, #tpu.memory_space<semaphore_mem>>) src(%arg8 : memref<80x128xf32, #tpu.memory_space<vmem>>) dst(%dma_wait3A_169 : memref<80x128xf32, #tpu.memory_space<vmem_shared>>)
      tpu.yield
    }) : () -> ()
    %mul3A_45 = arith.constant 625 : i32
    %mul3A_46 = arith.muli %arg1, %mul3A_45 : i32
    %add3A_47 = arith.constant 625 : i32
    %add3A_48 = arith.addi %mul3A_46, %add3A_47 : i32
    %sub3A = arith.constant 65 : i32
    %sub3A_49 = arith.subi %add3A_48, %sub3A : i32
    "tpu.region"() ({
      %run_scoped3A_161 = tpu.sem_alloc : memref<!tpu.dma_semaphore, #tpu.memory_space<semaphore_mem>>
      %dma_start3A_162 = arith.constant 0 : i32
      %dma_start3A_163 = arith.constant 0 : i32
      %dma_start3A_164 = tpu.memref_slice %arg8[%dma_start3A_162, %dma_start3A_163] : memref<80x128xf32, #tpu.memory_space<vmem>> -> memref<65x128xf32, #tpu.memory_space<vmem>>
      %dma_start3A_165 = arith.constant 0 : i32
      %dma_start3A_166 = tpu.memref_slice %arg10[%sub3A_49, %dma_start3A_165] : memref<10000x128xf32, #tpu.memory_space<vmem_shared>> -> memref<65x128xf32, #tpu.memory_space<vmem_shared>>
      %dma_start3A_167 = arith.constant 0 : i32
      %dma_start3A_168 = tpu.memref_slice %arg10[%sub3A_49, %dma_start3A_167] : memref<10000x128xf32, #tpu.memory_space<vmem_shared>> -> memref<65x128xf32, #tpu.memory_space<vmem_shared>>
      %dma_start3A_169 = arith.constant 0 : i32
      %dma_start3A_170 = arith.constant 0 : i32
      %dma_start3A_171 = tpu.memref_slice %arg8[%dma_start3A_169, %dma_start3A_170] : memref<80x128xf32, #tpu.memory_space<vmem>> -> memref<65x128xf32, #tpu.memory_space<vmem>>
      tpu.enqueue_dma source(%dma_start3A_171 : memref<65x128xf32, #tpu.memory_space<vmem>>) target(%dma_start3A_168 : memref<65x128xf32, #tpu.memory_space<vmem_shared>>) target_semaphore(%run_scoped3A_161 : memref<!tpu.dma_semaphore, #tpu.memory_space<semaphore_mem>>)
      %dma_wait3A_172 = arith.constant 0 : i32
      %dma_wait3A_173 = arith.constant 0 : i32
      %dma_wait3A_174 = tpu.memref_slice %arg8[%dma_wait3A_172, %dma_wait3A_173] : memref<80x128xf32, #tpu.memory_space<vmem>> -> memref<65x128xf32, #tpu.memory_space<vmem>>
      %dma_wait3A_175 = arith.constant 0 : i32
      %dma_wait3A_176 = tpu.memref_slice %arg10[%sub3A_49, %dma_wait3A_175] : memref<10000x128xf32, #tpu.memory_space<vmem_shared>> -> memref<65x128xf32, #tpu.memory_space<vmem_shared>>
      %dma_wait3A_177 = arith.constant 0 : i32
      %dma_wait3A_178 = tpu.memref_slice %arg10[%sub3A_49, %dma_wait3A_177] : memref<10000x128xf32, #tpu.memory_space<vmem_shared>> -> memref<65x128xf32, #tpu.memory_space<vmem_shared>>
      %dma_wait3A_179 = arith.constant 0 : i32
      %dma_wait3A_180 = arith.constant 0 : i32
      %dma_wait3A_181 = tpu.memref_slice %arg8[%dma_wait3A_179, %dma_wait3A_180] : memref<80x128xf32, #tpu.memory_space<vmem>> -> memref<65x128xf32, #tpu.memory_space<vmem>>
      tpu.wait_dma2 semaphore(%run_scoped3A_161 : memref<!tpu.dma_semaphore, #tpu.memory_space<semaphore_mem>>) src(%dma_wait3A_181 : memref<65x128xf32, #tpu.memory_space<vmem>>) dst(%dma_wait3A_178 : memref<65x128xf32, #tpu.memory_space<vmem_shared>>)
      tpu.yield
    }) : () -> ()
    %scan3A_50 = arith.constant 0 : i32
    %scan3A_51 = arith.constant 0 : i32
    %scan3A_52 = arith.constant 80 : i32
    %scan3A_53 = arith.addi %scan3A_51, %scan3A_52 : i32
    %scan3A_54 = arith.constant 1 : i32
    scf.for %scan3A_161 = %scan3A_51 to %scan3A_53 step %scan3A_54  : i32 {
      %broadcast_in_dim3A = arith.constant 0.000000e+00 : f32
      %broadcast_in_dim3A_162 = vector.broadcast %broadcast_in_dim3A : f32 to vector<16xf32>
      %swap3A = arith.index_cast %scan3A_161 : i32 to index
      %swap3A_163 = arith.constant 0 : index
      %swap3A_164 = tpu.vector_load %arg15[%swap3A, %swap3A_163] {strides = array<i32>} : memref<80x16xf32, #tpu.memory_space<vmem>>, vector<1x16xf32>,
      %swap3A_165 = vector.shape_cast %swap3A_164 : vector<1x16xf32> to vector<16xf32>
      %swap3A_166 = vector.shape_cast %broadcast_in_dim3A_162 : vector<16xf32> to vector<1x16xf32>
      tpu.vector_store %arg15[%swap3A, %swap3A_163], %swap3A_166 {strides = array<i32>} : memref<80x16xf32, #tpu.memory_space<vmem>>, vector<1x16xf32>,
    }
    %scan3A_55 = arith.constant 80 : i32
    %mul3A_56 = arith.constant 625 : i32
    %mul3A_57 = arith.muli %arg1, %mul3A_56 : i32
    %add3A_58 = arith.constant 0 : i32
    %add3A_59 = arith.addi %mul3A_57, %add3A_58 : i32
    "tpu.region"() ({
      %run_scoped3A_161 = tpu.sem_alloc : memref<!tpu.dma_semaphore, #tpu.memory_space<semaphore_mem>>
      %dma_start3A_162 = arith.constant 0 : i32
      %dma_start3A_163 = tpu.memref_slice %arg16[%add3A_59, %dma_start3A_162] : memref<10000x16xf32, #tpu.memory_space<vmem_shared>> -> memref<80x16xf32, #tpu.memory_space<vmem_shared>>
      %dma_start3A_164 = arith.constant 0 : i32
      %dma_start3A_165 = tpu.memref_slice %arg16[%add3A_59, %dma_start3A_164] : memref<10000x16xf32, #tpu.memory_space<vmem_shared>> -> memref<80x16xf32, #tpu.memory_space<vmem_shared>>
      tpu.enqueue_dma source(%arg15 : memref<80x16xf32, #tpu.memory_space<vmem>>) target(%dma_start3A_165 : memref<80x16xf32, #tpu.memory_space<vmem_shared>>) target_semaphore(%run_scoped3A_161 : memref<!tpu.dma_semaphore, #tpu.memory_space<semaphore_mem>>)
      %dma_wait3A_166 = arith.constant 0 : i32
      %dma_wait3A_167 = tpu.memref_slice %arg16[%add3A_59, %dma_wait3A_166] : memref<10000x16xf32, #tpu.memory_space<vmem_shared>> -> memref<80x16xf32, #tpu.memory_space<vmem_shared>>
      %dma_wait3A_168 = arith.constant 0 : i32
      %dma_wait3A_169 = tpu.memref_slice %arg16[%add3A_59, %dma_wait3A_168] : memref<10000x16xf32, #tpu.memory_space<vmem_shared>> -> memref<80x16xf32, #tpu.memory_space<vmem_shared>>
      tpu.wait_dma2 semaphore(%run_scoped3A_161 : memref<!tpu.dma_semaphore, #tpu.memory_space<semaphore_mem>>) src(%arg15 : memref<80x16xf32, #tpu.memory_space<vmem>>) dst(%dma_wait3A_169 : memref<80x16xf32, #tpu.memory_space<vmem_shared>>)
      tpu.yield
    }) : () -> ()
    %mul3A_60 = arith.constant 625 : i32
    %mul3A_61 = arith.muli %arg1, %mul3A_60 : i32
    %add3A_62 = arith.constant 80 : i32
    %add3A_63 = arith.addi %mul3A_61, %add3A_62 : i32
    "tpu.region"() ({
      %run_scoped3A_161 = tpu.sem_alloc : memref<!tpu.dma_semaphore, #tpu.memory_space<semaphore_mem>>
      %dma_start3A_162 = arith.constant 0 : i32
      %dma_start3A_163 = tpu.memref_slice %arg16[%add3A_63, %dma_start3A_162] : memref<10000x16xf32, #tpu.memory_space<vmem_shared>> -> memref<80x16xf32, #tpu.memory_space<vmem_shared>>
      %dma_start3A_164 = arith.constant 0 : i32
      %dma_start3A_165 = tpu.memref_slice %arg16[%add3A_63, %dma_start3A_164] : memref<10000x16xf32, #tpu.memory_space<vmem_shared>> -> memref<80x16xf32, #tpu.memory_space<vmem_shared>>
      tpu.enqueue_dma source(%arg15 : memref<80x16xf32, #tpu.memory_space<vmem>>) target(%dma_start3A_165 : memref<80x16xf32, #tpu.memory_space<vmem_shared>>) target_semaphore(%run_scoped3A_161 : memref<!tpu.dma_semaphore, #tpu.memory_space<semaphore_mem>>)
      %dma_wait3A_166 = arith.constant 0 : i32
      %dma_wait3A_167 = tpu.memref_slice %arg16[%add3A_63, %dma_wait3A_166] : memref<10000x16xf32, #tpu.memory_space<vmem_shared>> -> memref<80x16xf32, #tpu.memory_space<vmem_shared>>
      %dma_wait3A_168 = arith.constant 0 : i32
      %dma_wait3A_169 = tpu.memref_slice %arg16[%add3A_63, %dma_wait3A_168] : memref<10000x16xf32, #tpu.memory_space<vmem_shared>> -> memref<80x16xf32, #tpu.memory_space<vmem_shared>>
      tpu.wait_dma2 semaphore(%run_scoped3A_161 : memref<!tpu.dma_semaphore, #tpu.memory_space<semaphore_mem>>) src(%arg15 : memref<80x16xf32, #tpu.memory_space<vmem>>) dst(%dma_wait3A_169 : memref<80x16xf32, #tpu.memory_space<vmem_shared>>)
      tpu.yield
    }) : () -> ()
    %mul3A_64 = arith.constant 625 : i32
    %mul3A_65 = arith.muli %arg1, %mul3A_64 : i32
    %add3A_66 = arith.constant 160 : i32
    %add3A_67 = arith.addi %mul3A_65, %add3A_66 : i32
    "tpu.region"() ({
      %run_scoped3A_161 = tpu.sem_alloc : memref<!tpu.dma_semaphore, #tpu.memory_space<semaphore_mem>>
      %dma_start3A_162 = arith.constant 0 : i32
      %dma_start3A_163 = tpu.memref_slice %arg16[%add3A_67, %dma_start3A_162] : memref<10000x16xf32, #tpu.memory_space<vmem_shared>> -> memref<80x16xf32, #tpu.memory_space<vmem_shared>>
      %dma_start3A_164 = arith.constant 0 : i32
      %dma_start3A_165 = tpu.memref_slice %arg16[%add3A_67, %dma_start3A_164] : memref<10000x16xf32, #tpu.memory_space<vmem_shared>> -> memref<80x16xf32, #tpu.memory_space<vmem_shared>>
      tpu.enqueue_dma source(%arg15 : memref<80x16xf32, #tpu.memory_space<vmem>>) target(%dma_start3A_165 : memref<80x16xf32, #tpu.memory_space<vmem_shared>>) target_semaphore(%run_scoped3A_161 : memref<!tpu.dma_semaphore, #tpu.memory_space<semaphore_mem>>)
      %dma_wait3A_166 = arith.constant 0 : i32
      %dma_wait3A_167 = tpu.memref_slice %arg16[%add3A_67, %dma_wait3A_166] : memref<10000x16xf32, #tpu.memory_space<vmem_shared>> -> memref<80x16xf32, #tpu.memory_space<vmem_shared>>
      %dma_wait3A_168 = arith.constant 0 : i32
      %dma_wait3A_169 = tpu.memref_slice %arg16[%add3A_67, %dma_wait3A_168] : memref<10000x16xf32, #tpu.memory_space<vmem_shared>> -> memref<80x16xf32, #tpu.memory_space<vmem_shared>>
      tpu.wait_dma2 semaphore(%run_scoped3A_161 : memref<!tpu.dma_semaphore, #tpu.memory_space<semaphore_mem>>) src(%arg15 : memref<80x16xf32, #tpu.memory_space<vmem>>) dst(%dma_wait3A_169 : memref<80x16xf32, #tpu.memory_space<vmem_shared>>)
      tpu.yield
    }) : () -> ()
    %mul3A_68 = arith.constant 625 : i32
    %mul3A_69 = arith.muli %arg1, %mul3A_68 : i32
    %add3A_70 = arith.constant 240 : i32
    %add3A_71 = arith.addi %mul3A_69, %add3A_70 : i32
    "tpu.region"() ({
      %run_scoped3A_161 = tpu.sem_alloc : memref<!tpu.dma_semaphore, #tpu.memory_space<semaphore_mem>>
      %dma_start3A_162 = arith.constant 0 : i32
      %dma_start3A_163 = tpu.memref_slice %arg16[%add3A_71, %dma_start3A_162] : memref<10000x16xf32, #tpu.memory_space<vmem_shared>> -> memref<80x16xf32, #tpu.memory_space<vmem_shared>>
      %dma_start3A_164 = arith.constant 0 : i32
      %dma_start3A_165 = tpu.memref_slice %arg16[%add3A_71, %dma_start3A_164] : memref<10000x16xf32, #tpu.memory_space<vmem_shared>> -> memref<80x16xf32, #tpu.memory_space<vmem_shared>>
      tpu.enqueue_dma source(%arg15 : memref<80x16xf32, #tpu.memory_space<vmem>>) target(%dma_start3A_165 : memref<80x16xf32, #tpu.memory_space<vmem_shared>>) target_semaphore(%run_scoped3A_161 : memref<!tpu.dma_semaphore, #tpu.memory_space<semaphore_mem>>)
      %dma_wait3A_166 = arith.constant 0 : i32
      %dma_wait3A_167 = tpu.memref_slice %arg16[%add3A_71, %dma_wait3A_166] : memref<10000x16xf32, #tpu.memory_space<vmem_shared>> -> memref<80x16xf32, #tpu.memory_space<vmem_shared>>
      %dma_wait3A_168 = arith.constant 0 : i32
      %dma_wait3A_169 = tpu.memref_slice %arg16[%add3A_71, %dma_wait3A_168] : memref<10000x16xf32, #tpu.memory_space<vmem_shared>> -> memref<80x16xf32, #tpu.memory_space<vmem_shared>>
      tpu.wait_dma2 semaphore(%run_scoped3A_161 : memref<!tpu.dma_semaphore, #tpu.memory_space<semaphore_mem>>) src(%arg15 : memref<80x16xf32, #tpu.memory_space<vmem>>) dst(%dma_wait3A_169 : memref<80x16xf32, #tpu.memory_space<vmem_shared>>)
      tpu.yield
    }) : () -> ()
    %mul3A_72 = arith.constant 625 : i32
    %mul3A_73 = arith.muli %arg1, %mul3A_72 : i32
    %add3A_74 = arith.constant 320 : i32
    %add3A_75 = arith.addi %mul3A_73, %add3A_74 : i32
    "tpu.region"() ({
      %run_scoped3A_161 = tpu.sem_alloc : memref<!tpu.dma_semaphore, #tpu.memory_space<semaphore_mem>>
      %dma_start3A_162 = arith.constant 0 : i32
      %dma_start3A_163 = tpu.memref_slice %arg16[%add3A_75, %dma_start3A_162] : memref<10000x16xf32, #tpu.memory_space<vmem_shared>> -> memref<80x16xf32, #tpu.memory_space<vmem_shared>>
      %dma_start3A_164 = arith.constant 0 : i32
      %dma_start3A_165 = tpu.memref_slice %arg16[%add3A_75, %dma_start3A_164] : memref<10000x16xf32, #tpu.memory_space<vmem_shared>> -> memref<80x16xf32, #tpu.memory_space<vmem_shared>>
      tpu.enqueue_dma source(%arg15 : memref<80x16xf32, #tpu.memory_space<vmem>>) target(%dma_start3A_165 : memref<80x16xf32, #tpu.memory_space<vmem_shared>>) target_semaphore(%run_scoped3A_161 : memref<!tpu.dma_semaphore, #tpu.memory_space<semaphore_mem>>)
      %dma_wait3A_166 = arith.constant 0 : i32
      %dma_wait3A_167 = tpu.memref_slice %arg16[%add3A_75, %dma_wait3A_166] : memref<10000x16xf32, #tpu.memory_space<vmem_shared>> -> memref<80x16xf32, #tpu.memory_space<vmem_shared>>
      %dma_wait3A_168 = arith.constant 0 : i32
      %dma_wait3A_169 = tpu.memref_slice %arg16[%add3A_75, %dma_wait3A_168] : memref<10000x16xf32, #tpu.memory_space<vmem_shared>> -> memref<80x16xf32, #tpu.memory_space<vmem_shared>>
      tpu.wait_dma2 semaphore(%run_scoped3A_161 : memref<!tpu.dma_semaphore, #tpu.memory_space<semaphore_mem>>) src(%arg15 : memref<80x16xf32, #tpu.memory_space<vmem>>) dst(%dma_wait3A_169 : memref<80x16xf32, #tpu.memory_space<vmem_shared>>)
      tpu.yield
    }) : () -> ()
    %mul3A_76 = arith.constant 625 : i32
    %mul3A_77 = arith.muli %arg1, %mul3A_76 : i32
    %add3A_78 = arith.constant 400 : i32
    %add3A_79 = arith.addi %mul3A_77, %add3A_78 : i32
    "tpu.region"() ({
      %run_scoped3A_161 = tpu.sem_alloc : memref<!tpu.dma_semaphore, #tpu.memory_space<semaphore_mem>>
      %dma_start3A_162 = arith.constant 0 : i32
      %dma_start3A_163 = tpu.memref_slice %arg16[%add3A_79, %dma_start3A_162] : memref<10000x16xf32, #tpu.memory_space<vmem_shared>> -> memref<80x16xf32, #tpu.memory_space<vmem_shared>>
      %dma_start3A_164 = arith.constant 0 : i32
      %dma_start3A_165 = tpu.memref_slice %arg16[%add3A_79, %dma_start3A_164] : memref<10000x16xf32, #tpu.memory_space<vmem_shared>> -> memref<80x16xf32, #tpu.memory_space<vmem_shared>>
      tpu.enqueue_dma source(%arg15 : memref<80x16xf32, #tpu.memory_space<vmem>>) target(%dma_start3A_165 : memref<80x16xf32, #tpu.memory_space<vmem_shared>>) target_semaphore(%run_scoped3A_161 : memref<!tpu.dma_semaphore, #tpu.memory_space<semaphore_mem>>)
      %dma_wait3A_166 = arith.constant 0 : i32
      %dma_wait3A_167 = tpu.memref_slice %arg16[%add3A_79, %dma_wait3A_166] : memref<10000x16xf32, #tpu.memory_space<vmem_shared>> -> memref<80x16xf32, #tpu.memory_space<vmem_shared>>
      %dma_wait3A_168 = arith.constant 0 : i32
      %dma_wait3A_169 = tpu.memref_slice %arg16[%add3A_79, %dma_wait3A_168] : memref<10000x16xf32, #tpu.memory_space<vmem_shared>> -> memref<80x16xf32, #tpu.memory_space<vmem_shared>>
      tpu.wait_dma2 semaphore(%run_scoped3A_161 : memref<!tpu.dma_semaphore, #tpu.memory_space<semaphore_mem>>) src(%arg15 : memref<80x16xf32, #tpu.memory_space<vmem>>) dst(%dma_wait3A_169 : memref<80x16xf32, #tpu.memory_space<vmem_shared>>)
      tpu.yield
    }) : () -> ()
    %mul3A_80 = arith.constant 625 : i32
    %mul3A_81 = arith.muli %arg1, %mul3A_80 : i32
    %add3A_82 = arith.constant 480 : i32
    %add3A_83 = arith.addi %mul3A_81, %add3A_82 : i32
    "tpu.region"() ({
      %run_scoped3A_161 = tpu.sem_alloc : memref<!tpu.dma_semaphore, #tpu.memory_space<semaphore_mem>>
      %dma_start3A_162 = arith.constant 0 : i32
      %dma_start3A_163 = tpu.memref_slice %arg16[%add3A_83, %dma_start3A_162] : memref<10000x16xf32, #tpu.memory_space<vmem_shared>> -> memref<80x16xf32, #tpu.memory_space<vmem_shared>>
      %dma_start3A_164 = arith.constant 0 : i32
      %dma_start3A_165 = tpu.memref_slice %arg16[%add3A_83, %dma_start3A_164] : memref<10000x16xf32, #tpu.memory_space<vmem_shared>> -> memref<80x16xf32, #tpu.memory_space<vmem_shared>>
      tpu.enqueue_dma source(%arg15 : memref<80x16xf32, #tpu.memory_space<vmem>>) target(%dma_start3A_165 : memref<80x16xf32, #tpu.memory_space<vmem_shared>>) target_semaphore(%run_scoped3A_161 : memref<!tpu.dma_semaphore, #tpu.memory_space<semaphore_mem>>)
      %dma_wait3A_166 = arith.constant 0 : i32
      %dma_wait3A_167 = tpu.memref_slice %arg16[%add3A_83, %dma_wait3A_166] : memref<10000x16xf32, #tpu.memory_space<vmem_shared>> -> memref<80x16xf32, #tpu.memory_space<vmem_shared>>
      %dma_wait3A_168 = arith.constant 0 : i32
      %dma_wait3A_169 = tpu.memref_slice %arg16[%add3A_83, %dma_wait3A_168] : memref<10000x16xf32, #tpu.memory_space<vmem_shared>> -> memref<80x16xf32, #tpu.memory_space<vmem_shared>>
      tpu.wait_dma2 semaphore(%run_scoped3A_161 : memref<!tpu.dma_semaphore, #tpu.memory_space<semaphore_mem>>) src(%arg15 : memref<80x16xf32, #tpu.memory_space<vmem>>) dst(%dma_wait3A_169 : memref<80x16xf32, #tpu.memory_space<vmem_shared>>)
      tpu.yield
    }) : () -> ()
    %mul3A_84 = arith.constant 625 : i32
    %mul3A_85 = arith.muli %arg1, %mul3A_84 : i32
    %add3A_86 = arith.constant 625 : i32
    %add3A_87 = arith.addi %mul3A_85, %add3A_86 : i32
    %sub3A_88 = arith.constant 65 : i32
    %sub3A_89 = arith.subi %add3A_87, %sub3A_88 : i32
    "tpu.region"() ({
      %run_scoped3A_161 = tpu.sem_alloc : memref<!tpu.dma_semaphore, #tpu.memory_space<semaphore_mem>>
      %dma_start3A_162 = arith.constant 0 : i32
      %dma_start3A_163 = arith.constant 0 : i32
      %dma_start3A_164 = tpu.memref_slice %arg15[%dma_start3A_162, %dma_start3A_163] : memref<80x16xf32, #tpu.memory_space<vmem>> -> memref<65x16xf32, #tpu.memory_space<vmem>>
      %dma_start3A_165 = arith.constant 0 : i32
      %dma_start3A_166 = tpu.memref_slice %arg16[%sub3A_89, %dma_start3A_165] : memref<10000x16xf32, #tpu.memory_space<vmem_shared>> -> memref<65x16xf32, #tpu.memory_space<vmem_shared>>
      %dma_start3A_167 = arith.constant 0 : i32
      %dma_start3A_168 = tpu.memref_slice %arg16[%sub3A_89, %dma_start3A_167] : memref<10000x16xf32, #tpu.memory_space<vmem_shared>> -> memref<65x16xf32, #tpu.memory_space<vmem_shared>>
      %dma_start3A_169 = arith.constant 0 : i32
      %dma_start3A_170 = arith.constant 0 : i32
      %dma_start3A_171 = tpu.memref_slice %arg15[%dma_start3A_169, %dma_start3A_170] : memref<80x16xf32, #tpu.memory_space<vmem>> -> memref<65x16xf32, #tpu.memory_space<vmem>>
      tpu.enqueue_dma source(%dma_start3A_171 : memref<65x16xf32, #tpu.memory_space<vmem>>) target(%dma_start3A_168 : memref<65x16xf32, #tpu.memory_space<vmem_shared>>) target_semaphore(%run_scoped3A_161 : memref<!tpu.dma_semaphore, #tpu.memory_space<semaphore_mem>>)
      %dma_wait3A_172 = arith.constant 0 : i32
      %dma_wait3A_173 = arith.constant 0 : i32
      %dma_wait3A_174 = tpu.memref_slice %arg15[%dma_wait3A_172, %dma_wait3A_173] : memref<80x16xf32, #tpu.memory_space<vmem>> -> memref<65x16xf32, #tpu.memory_space<vmem>>
      %dma_wait3A_175 = arith.constant 0 : i32
      %dma_wait3A_176 = tpu.memref_slice %arg16[%sub3A_89, %dma_wait3A_175] : memref<10000x16xf32, #tpu.memory_space<vmem_shared>> -> memref<65x16xf32, #tpu.memory_space<vmem_shared>>
      %dma_wait3A_177 = arith.constant 0 : i32
      %dma_wait3A_178 = tpu.memref_slice %arg16[%sub3A_89, %dma_wait3A_177] : memref<10000x16xf32, #tpu.memory_space<vmem_shared>> -> memref<65x16xf32, #tpu.memory_space<vmem_shared>>
      %dma_wait3A_179 = arith.constant 0 : i32
      %dma_wait3A_180 = arith.constant 0 : i32
      %dma_wait3A_181 = tpu.memref_slice %arg15[%dma_wait3A_179, %dma_wait3A_180] : memref<80x16xf32, #tpu.memory_space<vmem>> -> memref<65x16xf32, #tpu.memory_space<vmem>>
      tpu.wait_dma2 semaphore(%run_scoped3A_161 : memref<!tpu.dma_semaphore, #tpu.memory_space<semaphore_mem>>) src(%dma_wait3A_181 : memref<65x16xf32, #tpu.memory_space<vmem>>) dst(%dma_wait3A_178 : memref<65x16xf32, #tpu.memory_space<vmem_shared>>)
      tpu.yield
    }) : () -> ()
    %scan3A_90 = arith.constant 0 : i32
    %scan3A_91 = arith.constant 0 : i32
    %scan3A_92 = arith.constant 80 : i32
    %scan3A_93 = arith.addi %scan3A_91, %scan3A_92 : i32
    %scan3A_94 = arith.constant 1 : i32
    scf.for %scan3A_161 = %scan3A_91 to %scan3A_93 step %scan3A_94  : i32 {
      %broadcast_in_dim3A = arith.constant 1.000000e+00 : f32
      %broadcast_in_dim3A_162 = vector.broadcast %broadcast_in_dim3A : f32 to vector<16xf32>
      %swap3A = arith.index_cast %scan3A_161 : i32 to index
      %swap3A_163 = arith.constant 0 : index
      %swap3A_164 = tpu.vector_load %arg15[%swap3A, %swap3A_163] {strides = array<i32>} : memref<80x16xf32, #tpu.memory_space<vmem>>, vector<1x16xf32>,
      %swap3A_165 = vector.shape_cast %swap3A_164 : vector<1x16xf32> to vector<16xf32>
      %swap3A_166 = vector.shape_cast %broadcast_in_dim3A_162 : vector<16xf32> to vector<1x16xf32>
      tpu.vector_store %arg15[%swap3A, %swap3A_163], %swap3A_166 {strides = array<i32>} : memref<80x16xf32, #tpu.memory_space<vmem>>, vector<1x16xf32>,
    }
    %scan3A_95 = arith.constant 80 : i32
    %barrier3A = arith.constant 0 : index
    tpu.barrier barrier_id(%barrier3A)
    %dma_wait3A = arith.constant 0 : i32
    %dma_wait3A_96 = tpu.memref_slice %arg2[%dma_wait3A, %mul3A_2] : memref<2x320000xi32, #tpu.memory_space<hbm>> -> memref<1x5040xi32, #tpu.memory_space<hbm>>
    %dma_wait3A_97 = tpu.memref_squeeze %dma_wait3A_96 : memref<1x5040xi32, #tpu.memory_space<hbm>> -> memref<5040xi32, #tpu.memory_space<hbm>>
    %dma_wait3A_98 = tpu.memref_slice %arg2[%dma_wait3A, %mul3A_2] : memref<2x320000xi32, #tpu.memory_space<hbm>> -> memref<1x5040xi32, #tpu.memory_space<hbm>>
    %dma_wait3A_99 = tpu.memref_squeeze %dma_wait3A_98 : memref<1x5040xi32, #tpu.memory_space<hbm>> -> memref<5040xi32, #tpu.memory_space<hbm>>
    tpu.wait_dma2 semaphore(%arg13 : memref<!tpu.dma_semaphore, #tpu.memory_space<semaphore_mem>>) src(%dma_wait3A_99 : memref<5040xi32, #tpu.memory_space<hbm>>) dst(%arg6 : memref<5040xi32, #tpu.memory_space<vmem>>)
    %dma_wait3A_100 = arith.constant 1 : i32
    %dma_wait3A_101 = tpu.memref_slice %arg2[%dma_wait3A_100, %mul3A_2] : memref<2x320000xi32, #tpu.memory_space<hbm>> -> memref<1x5040xi32, #tpu.memory_space<hbm>>
    %dma_wait3A_102 = tpu.memref_squeeze %dma_wait3A_101 : memref<1x5040xi32, #tpu.memory_space<hbm>> -> memref<5040xi32, #tpu.memory_space<hbm>>
    %dma_wait3A_103 = tpu.memref_slice %arg2[%dma_wait3A_100, %mul3A_2] : memref<2x320000xi32, #tpu.memory_space<hbm>> -> memref<1x5040xi32, #tpu.memory_space<hbm>>
    %dma_wait3A_104 = tpu.memref_squeeze %dma_wait3A_103 : memref<1x5040xi32, #tpu.memory_space<hbm>> -> memref<5040xi32, #tpu.memory_space<hbm>>
    tpu.wait_dma2 semaphore(%arg14 : memref<!tpu.dma_semaphore, #tpu.memory_space<semaphore_mem>>) src(%dma_wait3A_104 : memref<5040xi32, #tpu.memory_space<hbm>>) dst(%arg7 : memref<5040xi32, #tpu.memory_space<vmem>>)
    %dma_start3A_105 = arith.constant 0 : i32
    %dma_start3A_106 = tpu.memref_slice %arg6[%dma_start3A_105] : memref<5040xi32, #tpu.memory_space<vmem>> -> memref<80xi32, #tpu.memory_space<vmem>>
    %dma_start3A_107 = arith.constant 0 : i32
    %dma_start3A_108 = arith.constant 0 : i32
    %dma_start3A_109 = tpu.memref_slice %arg3[%dma_start3A_107, %dma_start3A_108] : memref<10000x128xf32, #tpu.memory_space<hbm>> -> memref<10000x128xf32, #tpu.memory_space<hbm>>
    tpu.enqueue_indirect_dma source(%dma_start3A_109 : memref<10000x128xf32, #tpu.memory_space<hbm>>) target(%arg8 : memref<80x128xf32, #tpu.memory_space<vmem>>) offsets(%dma_start3A_106 : memref<80xi32, #tpu.memory_space<vmem>>) semaphore(%arg11 : memref<!tpu.dma_semaphore, #tpu.memory_space<semaphore_mem>>)
    %scan3A_110 = arith.constant 0 : i32
    %scan3A_111 = arith.constant 0 : i32
    %scan3A_112 = arith.constant 31 : i32
    %scan3A_113 = arith.addi %scan3A_111, %scan3A_112 : i32
    %scan3A_114 = arith.constant 1 : i32
    scf.for %scan3A_161 = %scan3A_111 to %scan3A_113 step %scan3A_114  : i32 {
      %mul3A_162 = arith.constant 2 : i32
      %mul3A_163 = arith.muli %mul3A_162, %scan3A_161 : i32
      %add3A_164 = arith.constant 1 : i32
      %add3A_165 = arith.addi %mul3A_163, %add3A_164 : i32
      %mul3A_166 = arith.constant 80 : i32
      %mul3A_167 = arith.muli %add3A_165, %mul3A_166 : i32
      %dma_start3A_168 = tpu.memref_slice %arg6[%mul3A_167] : memref<5040xi32, #tpu.memory_space<vmem>> -> memref<80xi32, #tpu.memory_space<vmem>>
      %dma_start3A_169 = arith.constant 0 : i32
      %dma_start3A_170 = arith.constant 0 : i32
      %dma_start3A_171 = tpu.memref_slice %arg3[%dma_start3A_169, %dma_start3A_170] : memref<10000x128xf32, #tpu.memory_space<hbm>> -> memref<10000x128xf32, #tpu.memory_space<hbm>>
      tpu.enqueue_indirect_dma source(%dma_start3A_171 : memref<10000x128xf32, #tpu.memory_space<hbm>>) target(%arg9 : memref<80x128xf32, #tpu.memory_space<vmem>>) offsets(%dma_start3A_168 : memref<80xi32, #tpu.memory_space<vmem>>) semaphore(%arg12 : memref<!tpu.dma_semaphore, #tpu.memory_space<semaphore_mem>>)
      %dma_wait3A_172 = arith.constant 0 : i32
      %dma_wait3A_173 = tpu.memref_slice %arg6[%dma_wait3A_172] : memref<5040xi32, #tpu.memory_space<vmem>> -> memref<80xi32, #tpu.memory_space<vmem>>
      %dma_wait3A_174 = arith.constant 0 : i32
      %dma_wait3A_175 = arith.constant 0 : i32
      %dma_wait3A_176 = tpu.memref_slice %arg3[%dma_wait3A_174, %dma_wait3A_175] : memref<10000x128xf32, #tpu.memory_space<hbm>> -> memref<10000x128xf32, #tpu.memory_space<hbm>>
      tpu.wait_indirect_dma semaphore(%arg11 : memref<!tpu.dma_semaphore, #tpu.memory_space<semaphore_mem>>) src(%dma_wait3A_176 : memref<10000x128xf32, #tpu.memory_space<hbm>>) dst(%arg8 : memref<80x128xf32, #tpu.memory_space<vmem>>)
      %mul3A_177 = arith.constant 80 : i32
      %mul3A_178 = arith.muli %mul3A_163, %mul3A_177 : i32
      "tpu.region"() ({
        %run_scoped3A_200 = tpu.sem_alloc : memref<!tpu.dma_semaphore, #tpu.memory_space<semaphore_mem>>
        %dma_start3A_201 = tpu.memref_slice %arg7[%mul3A_178] : memref<5040xi32, #tpu.memory_space<vmem>> -> memref<80xi32, #tpu.memory_space<vmem>>
        %dma_start3A_202 = arith.constant 0 : i32
        %dma_start3A_203 = arith.constant 0 : i32
        %dma_start3A_204 = tpu.memref_slice %arg10[%dma_start3A_202, %dma_start3A_203] : memref<10000x128xf32, #tpu.memory_space<vmem_shared>> -> memref<10000x128xf32, #tpu.memory_space<vmem_shared>>
        tpu.enqueue_indirect_dma source(%arg8 : memref<80x128xf32, #tpu.memory_space<vmem>>) target(%dma_start3A_204 : memref<10000x128xf32, #tpu.memory_space<vmem_shared>>) offsets(%dma_start3A_201 : memref<80xi32, #tpu.memory_space<vmem>>) semaphore(%run_scoped3A_200 : memref<!tpu.dma_semaphore, #tpu.memory_space<semaphore_mem>>) {add = true}
        %dma_wait3A_205 = tpu.memref_slice %arg7[%mul3A_178] : memref<5040xi32, #tpu.memory_space<vmem>> -> memref<80xi32, #tpu.memory_space<vmem>>
        %dma_wait3A_206 = arith.constant 0 : i32
        %dma_wait3A_207 = arith.constant 0 : i32
        %dma_wait3A_208 = tpu.memref_slice %arg10[%dma_wait3A_206, %dma_wait3A_207] : memref<10000x128xf32, #tpu.memory_space<vmem_shared>> -> memref<10000x128xf32, #tpu.memory_space<vmem_shared>>
        tpu.wait_indirect_dma semaphore(%run_scoped3A_200 : memref<!tpu.dma_semaphore, #tpu.memory_space<semaphore_mem>>) src(%arg8 : memref<80x128xf32, #tpu.memory_space<vmem>>) dst(%dma_wait3A_208 : memref<10000x128xf32, #tpu.memory_space<vmem_shared>>)
        tpu.yield
      }) : () -> ()
      %mul3A_179 = arith.constant 80 : i32
      %mul3A_180 = arith.muli %mul3A_163, %mul3A_179 : i32
      "tpu.region"() ({
        %run_scoped3A_200 = tpu.sem_alloc : memref<!tpu.dma_semaphore, #tpu.memory_space<semaphore_mem>>
        %dma_start3A_201 = tpu.memref_slice %arg7[%mul3A_180] : memref<5040xi32, #tpu.memory_space<vmem>> -> memref<80xi32, #tpu.memory_space<vmem>>
        %dma_start3A_202 = arith.constant 0 : i32
        %dma_start3A_203 = arith.constant 0 : i32
        %dma_start3A_204 = tpu.memref_slice %arg16[%dma_start3A_202, %dma_start3A_203] : memref<10000x16xf32, #tpu.memory_space<vmem_shared>> -> memref<10000x16xf32, #tpu.memory_space<vmem_shared>>
        tpu.enqueue_indirect_dma source(%arg15 : memref<80x16xf32, #tpu.memory_space<vmem>>) target(%dma_start3A_204 : memref<10000x16xf32, #tpu.memory_space<vmem_shared>>) offsets(%dma_start3A_201 : memref<80xi32, #tpu.memory_space<vmem>>) semaphore(%run_scoped3A_200 : memref<!tpu.dma_semaphore, #tpu.memory_space<semaphore_mem>>) {add = true}
        %dma_wait3A_205 = tpu.memref_slice %arg7[%mul3A_180] : memref<5040xi32, #tpu.memory_space<vmem>> -> memref<80xi32, #tpu.memory_space<vmem>>
        %dma_wait3A_206 = arith.constant 0 : i32
        %dma_wait3A_207 = arith.constant 0 : i32
        %dma_wait3A_208 = tpu.memref_slice %arg16[%dma_wait3A_206, %dma_wait3A_207] : memref<10000x16xf32, #tpu.memory_space<vmem_shared>> -> memref<10000x16xf32, #tpu.memory_space<vmem_shared>>
        tpu.wait_indirect_dma semaphore(%run_scoped3A_200 : memref<!tpu.dma_semaphore, #tpu.memory_space<semaphore_mem>>) src(%arg15 : memref<80x16xf32, #tpu.memory_space<vmem>>) dst(%dma_wait3A_208 : memref<10000x16xf32, #tpu.memory_space<vmem_shared>>)
        tpu.yield
      }) : () -> ()
      %add3A_181 = arith.constant 2 : i32
      %add3A_182 = arith.addi %mul3A_163, %add3A_181 : i32
      %mul3A_183 = arith.constant 80 : i32
      %mul3A_184 = arith.muli %add3A_182, %mul3A_183 : i32
      %dma_start3A_185 = tpu.memref_slice %arg6[%mul3A_184] : memref<5040xi32, #tpu.memory_space<vmem>> -> memref<80xi32, #tpu.memory_space<vmem>>
      %dma_start3A_186 = arith.constant 0 : i32
      %dma_start3A_187 = arith.constant 0 : i32
      %dma_start3A_188 = tpu.memref_slice %arg3[%dma_start3A_186, %dma_start3A_187] : memref<10000x128xf32, #tpu.memory_space<hbm>> -> memref<10000x128xf32, #tpu.memory_space<hbm>>
      tpu.enqueue_indirect_dma source(%dma_start3A_188 : memref<10000x128xf32, #tpu.memory_space<hbm>>) target(%arg8 : memref<80x128xf32, #tpu.memory_space<vmem>>) offsets(%dma_start3A_185 : memref<80xi32, #tpu.memory_space<vmem>>) semaphore(%arg11 : memref<!tpu.dma_semaphore, #tpu.memory_space<semaphore_mem>>)
      %dma_wait3A_189 = arith.constant 0 : i32
      %dma_wait3A_190 = tpu.memref_slice %arg6[%dma_wait3A_189] : memref<5040xi32, #tpu.memory_space<vmem>> -> memref<80xi32, #tpu.memory_space<vmem>>
      %dma_wait3A_191 = arith.constant 0 : i32
      %dma_wait3A_192 = arith.constant 0 : i32
      %dma_wait3A_193 = tpu.memref_slice %arg3[%dma_wait3A_191, %dma_wait3A_192] : memref<10000x128xf32, #tpu.memory_space<hbm>> -> memref<10000x128xf32, #tpu.memory_space<hbm>>
      tpu.wait_indirect_dma semaphore(%arg12 : memref<!tpu.dma_semaphore, #tpu.memory_space<semaphore_mem>>) src(%dma_wait3A_193 : memref<10000x128xf32, #tpu.memory_space<hbm>>) dst(%arg9 : memref<80x128xf32, #tpu.memory_space<vmem>>)
      %add3A_194 = arith.constant 1 : i32
      %add3A_195 = arith.addi %mul3A_163, %add3A_194 : i32
      %mul3A_196 = arith.constant 80 : i32
      %mul3A_197 = arith.muli %add3A_195, %mul3A_196 : i32
      "tpu.region"() ({
        %run_scoped3A_200 = tpu.sem_alloc : memref<!tpu.dma_semaphore, #tpu.memory_space<semaphore_mem>>
        %dma_start3A_201 = tpu.memref_slice %arg7[%mul3A_197] : memref<5040xi32, #tpu.memory_space<vmem>> -> memref<80xi32, #tpu.memory_space<vmem>>
        %dma_start3A_202 = arith.constant 0 : i32
        %dma_start3A_203 = arith.constant 0 : i32
        %dma_start3A_204 = tpu.memref_slice %arg10[%dma_start3A_202, %dma_start3A_203] : memref<10000x128xf32, #tpu.memory_space<vmem_shared>> -> memref<10000x128xf32, #tpu.memory_space<vmem_shared>>
        tpu.enqueue_indirect_dma source(%arg9 : memref<80x128xf32, #tpu.memory_space<vmem>>) target(%dma_start3A_204 : memref<10000x128xf32, #tpu.memory_space<vmem_shared>>) offsets(%dma_start3A_201 : memref<80xi32, #tpu.memory_space<vmem>>) semaphore(%run_scoped3A_200 : memref<!tpu.dma_semaphore, #tpu.memory_space<semaphore_mem>>) {add = true}
        %dma_wait3A_205 = tpu.memref_slice %arg7[%mul3A_197] : memref<5040xi32, #tpu.memory_space<vmem>> -> memref<80xi32, #tpu.memory_space<vmem>>
        %dma_wait3A_206 = arith.constant 0 : i32
        %dma_wait3A_207 = arith.constant 0 : i32
        %dma_wait3A_208 = tpu.memref_slice %arg10[%dma_wait3A_206, %dma_wait3A_207] : memref<10000x128xf32, #tpu.memory_space<vmem_shared>> -> memref<10000x128xf32, #tpu.memory_space<vmem_shared>>
        tpu.wait_indirect_dma semaphore(%run_scoped3A_200 : memref<!tpu.dma_semaphore, #tpu.memory_space<semaphore_mem>>) src(%arg9 : memref<80x128xf32, #tpu.memory_space<vmem>>) dst(%dma_wait3A_208 : memref<10000x128xf32, #tpu.memory_space<vmem_shared>>)
        tpu.yield
      }) : () -> ()
      %mul3A_198 = arith.constant 80 : i32
      %mul3A_199 = arith.muli %add3A_195, %mul3A_198 : i32
      "tpu.region"() ({
        %run_scoped3A_200 = tpu.sem_alloc : memref<!tpu.dma_semaphore, #tpu.memory_space<semaphore_mem>>
        %dma_start3A_201 = tpu.memref_slice %arg7[%mul3A_199] : memref<5040xi32, #tpu.memory_space<vmem>> -> memref<80xi32, #tpu.memory_space<vmem>>
        %dma_start3A_202 = arith.constant 0 : i32
        %dma_start3A_203 = arith.constant 0 : i32
        %dma_start3A_204 = tpu.memref_slice %arg16[%dma_start3A_202, %dma_start3A_203] : memref<10000x16xf32, #tpu.memory_space<vmem_shared>> -> memref<10000x16xf32, #tpu.memory_space<vmem_shared>>
        tpu.enqueue_indirect_dma source(%arg15 : memref<80x16xf32, #tpu.memory_space<vmem>>) target(%dma_start3A_204 : memref<10000x16xf32, #tpu.memory_space<vmem_shared>>) offsets(%dma_start3A_201 : memref<80xi32, #tpu.memory_space<vmem>>) semaphore(%run_scoped3A_200 : memref<!tpu.dma_semaphore, #tpu.memory_space<semaphore_mem>>) {add = true}
        %dma_wait3A_205 = tpu.memref_slice %arg7[%mul3A_199] : memref<5040xi32, #tpu.memory_space<vmem>> -> memref<80xi32, #tpu.memory_space<vmem>>
        %dma_wait3A_206 = arith.constant 0 : i32
        %dma_wait3A_207 = arith.constant 0 : i32
        %dma_wait3A_208 = tpu.memref_slice %arg16[%dma_wait3A_206, %dma_wait3A_207] : memref<10000x16xf32, #tpu.memory_space<vmem_shared>> -> memref<10000x16xf32, #tpu.memory_space<vmem_shared>>
        tpu.wait_indirect_dma semaphore(%run_scoped3A_200 : memref<!tpu.dma_semaphore, #tpu.memory_space<semaphore_mem>>) src(%arg15 : memref<80x16xf32, #tpu.memory_space<vmem>>) dst(%dma_wait3A_208 : memref<10000x16xf32, #tpu.memory_space<vmem_shared>>)
        tpu.yield
      }) : () -> ()
    }
    %scan3A_115 = arith.constant 31 : i32
    %dma_wait3A_116 = arith.constant 0 : i32
    %dma_wait3A_117 = tpu.memref_slice %arg6[%dma_wait3A_116] : memref<5040xi32, #tpu.memory_space<vmem>> -> memref<80xi32, #tpu.memory_space<vmem>>
    %dma_wait3A_118 = arith.constant 0 : i32
    %dma_wait3A_119 = arith.constant 0 : i32
    %dma_wait3A_120 = tpu.memref_slice %arg3[%dma_wait3A_118, %dma_wait3A_119] : memref<10000x128xf32, #tpu.memory_space<hbm>> -> memref<10000x128xf32, #tpu.memory_space<hbm>>
    tpu.wait_indirect_dma semaphore(%arg11 : memref<!tpu.dma_semaphore, #tpu.memory_space<semaphore_mem>>) src(%dma_wait3A_120 : memref<10000x128xf32, #tpu.memory_space<hbm>>) dst(%arg8 : memref<80x128xf32, #tpu.memory_space<vmem>>)
    "tpu.region"() ({
      %run_scoped3A_161 = tpu.sem_alloc : memref<!tpu.dma_semaphore, #tpu.memory_space<semaphore_mem>>
      %dma_start3A_162 = arith.constant 4960 : i32
      %dma_start3A_163 = tpu.memref_slice %arg7[%dma_start3A_162] : memref<5040xi32, #tpu.memory_space<vmem>> -> memref<80xi32, #tpu.memory_space<vmem>>
      %dma_start3A_164 = arith.constant 0 : i32
      %dma_start3A_165 = arith.constant 0 : i32
      %dma_start3A_166 = tpu.memref_slice %arg10[%dma_start3A_164, %dma_start3A_165] : memref<10000x128xf32, #tpu.memory_space<vmem_shared>> -> memref<10000x128xf32, #tpu.memory_space<vmem_shared>>
      tpu.enqueue_indirect_dma source(%arg8 : memref<80x128xf32, #tpu.memory_space<vmem>>) target(%dma_start3A_166 : memref<10000x128xf32, #tpu.memory_space<vmem_shared>>) offsets(%dma_start3A_163 : memref<80xi32, #tpu.memory_space<vmem>>) semaphore(%run_scoped3A_161 : memref<!tpu.dma_semaphore, #tpu.memory_space<semaphore_mem>>) {add = true}
      %dma_wait3A_167 = arith.constant 4960 : i32
      %dma_wait3A_168 = tpu.memref_slice %arg7[%dma_wait3A_167] : memref<5040xi32, #tpu.memory_space<vmem>> -> memref<80xi32, #tpu.memory_space<vmem>>
      %dma_wait3A_169 = arith.constant 0 : i32
      %dma_wait3A_170 = arith.constant 0 : i32
      %dma_wait3A_171 = tpu.memref_slice %arg10[%dma_wait3A_169, %dma_wait3A_170] : memref<10000x128xf32, #tpu.memory_space<vmem_shared>> -> memref<10000x128xf32, #tpu.memory_space<vmem_shared>>
      tpu.wait_indirect_dma semaphore(%run_scoped3A_161 : memref<!tpu.dma_semaphore, #tpu.memory_space<semaphore_mem>>) src(%arg8 : memref<80x128xf32, #tpu.memory_space<vmem>>) dst(%dma_wait3A_171 : memref<10000x128xf32, #tpu.memory_space<vmem_shared>>)
      tpu.yield
    }) : () -> ()
    "tpu.region"() ({
      %run_scoped3A_161 = tpu.sem_alloc : memref<!tpu.dma_semaphore, #tpu.memory_space<semaphore_mem>>
      %dma_start3A_162 = arith.constant 4960 : i32
      %dma_start3A_163 = tpu.memref_slice %arg7[%dma_start3A_162] : memref<5040xi32, #tpu.memory_space<vmem>> -> memref<80xi32, #tpu.memory_space<vmem>>
      %dma_start3A_164 = arith.constant 0 : i32
      %dma_start3A_165 = arith.constant 0 : i32
      %dma_start3A_166 = tpu.memref_slice %arg16[%dma_start3A_164, %dma_start3A_165] : memref<10000x16xf32, #tpu.memory_space<vmem_shared>> -> memref<10000x16xf32, #tpu.memory_space<vmem_shared>>
      tpu.enqueue_indirect_dma source(%arg15 : memref<80x16xf32, #tpu.memory_space<vmem>>) target(%dma_start3A_166 : memref<10000x16xf32, #tpu.memory_space<vmem_shared>>) offsets(%dma_start3A_163 : memref<80xi32, #tpu.memory_space<vmem>>) semaphore(%run_scoped3A_161 : memref<!tpu.dma_semaphore, #tpu.memory_space<semaphore_mem>>) {add = true}
      %dma_wait3A_167 = arith.constant 4960 : i32
      %dma_wait3A_168 = tpu.memref_slice %arg7[%dma_wait3A_167] : memref<5040xi32, #tpu.memory_space<vmem>> -> memref<80xi32, #tpu.memory_space<vmem>>
      %dma_wait3A_169 = arith.constant 0 : i32
      %dma_wait3A_170 = arith.constant 0 : i32
      %dma_wait3A_171 = tpu.memref_slice %arg16[%dma_wait3A_169, %dma_wait3A_170] : memref<10000x16xf32, #tpu.memory_space<vmem_shared>> -> memref<10000x16xf32, #tpu.memory_space<vmem_shared>>
      tpu.wait_indirect_dma semaphore(%run_scoped3A_161 : memref<!tpu.dma_semaphore, #tpu.memory_space<semaphore_mem>>) src(%arg15 : memref<80x16xf32, #tpu.memory_space<vmem>>) dst(%dma_wait3A_171 : memref<10000x16xf32, #tpu.memory_space<vmem_shared>>)
      tpu.yield
    }) : () -> ()
    %add3A_121 = arith.constant 5040 : i32
    %add3A_122 = arith.addi %mul3A_2, %add3A_121 : i32
    %run_scoped3A = arith.constant 0 : i32
    "tpu.region"() ({
      %run_scoped3A_161 = tpu.sem_alloc : memref<!tpu.dma_semaphore, #tpu.memory_space<semaphore_mem>>
      %dma_start3A_162 = arith.constant 0 : i32
      %dma_start3A_163 = tpu.memref_slice %arg6[%dma_start3A_162] : memref<5040xi32, #tpu.memory_space<vmem>> -> memref<4960xi32, #tpu.memory_space<vmem>>
      %dma_start3A_164 = tpu.memref_slice %arg2[%run_scoped3A, %add3A_122] : memref<2x320000xi32, #tpu.memory_space<hbm>> -> memref<1x4960xi32, #tpu.memory_space<hbm>>
      %dma_start3A_165 = tpu.memref_squeeze %dma_start3A_164 : memref<1x4960xi32, #tpu.memory_space<hbm>> -> memref<4960xi32, #tpu.memory_space<hbm>>
      %dma_start3A_166 = arith.constant 0 : i32
      %dma_start3A_167 = tpu.memref_slice %arg6[%dma_start3A_166] : memref<5040xi32, #tpu.memory_space<vmem>> -> memref<4960xi32, #tpu.memory_space<vmem>>
      %dma_start3A_168 = tpu.memref_slice %arg2[%run_scoped3A, %add3A_122] : memref<2x320000xi32, #tpu.memory_space<hbm>> -> memref<1x4960xi32, #tpu.memory_space<hbm>>
      %dma_start3A_169 = tpu.memref_squeeze %dma_start3A_168 : memref<1x4960xi32, #tpu.memory_space<hbm>> -> memref<4960xi32, #tpu.memory_space<hbm>>
      tpu.enqueue_dma source(%dma_start3A_169 : memref<4960xi32, #tpu.memory_space<hbm>>) target(%dma_start3A_167 : memref<4960xi32, #tpu.memory_space<vmem>>) target_semaphore(%run_scoped3A_161 : memref<!tpu.dma_semaphore, #tpu.memory_space<semaphore_mem>>)
      %dma_wait3A_170 = arith.constant 0 : i32
      %dma_wait3A_171 = tpu.memref_slice %arg6[%dma_wait3A_170] : memref<5040xi32, #tpu.memory_space<vmem>> -> memref<4960xi32, #tpu.memory_space<vmem>>
      %dma_wait3A_172 = tpu.memref_slice %arg2[%run_scoped3A, %add3A_122] : memref<2x320000xi32, #tpu.memory_space<hbm>> -> memref<1x4960xi32, #tpu.memory_space<hbm>>
      %dma_wait3A_173 = tpu.memref_squeeze %dma_wait3A_172 : memref<1x4960xi32, #tpu.memory_space<hbm>> -> memref<4960xi32, #tpu.memory_space<hbm>>
      %dma_wait3A_174 = arith.constant 0 : i32
      %dma_wait3A_175 = tpu.memref_slice %arg6[%dma_wait3A_174] : memref<5040xi32, #tpu.memory_space<vmem>> -> memref<4960xi32, #tpu.memory_space<vmem>>
      %dma_wait3A_176 = tpu.memref_slice %arg2[%run_scoped3A, %add3A_122] : memref<2x320000xi32, #tpu.memory_space<hbm>> -> memref<1x4960xi32, #tpu.memory_space<hbm>>
      %dma_wait3A_177 = tpu.memref_squeeze %dma_wait3A_176 : memref<1x4960xi32, #tpu.memory_space<hbm>> -> memref<4960xi32, #tpu.memory_space<hbm>>
      tpu.wait_dma2 semaphore(%run_scoped3A_161 : memref<!tpu.dma_semaphore, #tpu.memory_space<semaphore_mem>>) src(%dma_wait3A_177 : memref<4960xi32, #tpu.memory_space<hbm>>) dst(%dma_wait3A_175 : memref<4960xi32, #tpu.memory_space<vmem>>)
      tpu.yield
    }) : () -> ()
    %add3A_123 = arith.constant 5040 : i32
    %add3A_124 = arith.addi %mul3A_2, %add3A_123 : i32
    %run_scoped3A_125 = arith.constant 1 : i32
    "tpu.region"() ({
      %run_scoped3A_161 = tpu.sem_alloc : memref<!tpu.dma_semaphore, #tpu.memory_space<semaphore_mem>>
      %dma_start3A_162 = arith.constant 0 : i32
      %dma_start3A_163 = tpu.memref_slice %arg7[%dma_start3A_162] : memref<5040xi32, #tpu.memory_space<vmem>> -> memref<4960xi32, #tpu.memory_space<vmem>>
      %dma_start3A_164 = tpu.memref_slice %arg2[%run_scoped3A_125, %add3A_124] : memref<2x320000xi32, #tpu.memory_space<hbm>> -> memref<1x4960xi32, #tpu.memory_space<hbm>>
      %dma_start3A_165 = tpu.memref_squeeze %dma_start3A_164 : memref<1x4960xi32, #tpu.memory_space<hbm>> -> memref<4960xi32, #tpu.memory_space<hbm>>
      %dma_start3A_166 = arith.constant 0 : i32
      %dma_start3A_167 = tpu.memref_slice %arg7[%dma_start3A_166] : memref<5040xi32, #tpu.memory_space<vmem>> -> memref<4960xi32, #tpu.memory_space<vmem>>
      %dma_start3A_168 = tpu.memref_slice %arg2[%run_scoped3A_125, %add3A_124] : memref<2x320000xi32, #tpu.memory_space<hbm>> -> memref<1x4960xi32, #tpu.memory_space<hbm>>
      %dma_start3A_169 = tpu.memref_squeeze %dma_start3A_168 : memref<1x4960xi32, #tpu.memory_space<hbm>> -> memref<4960xi32, #tpu.memory_space<hbm>>
      tpu.enqueue_dma source(%dma_start3A_169 : memref<4960xi32, #tpu.memory_space<hbm>>) target(%dma_start3A_167 : memref<4960xi32, #tpu.memory_space<vmem>>) target_semaphore(%run_scoped3A_161 : memref<!tpu.dma_semaphore, #tpu.memory_space<semaphore_mem>>)
      %dma_wait3A_170 = arith.constant 0 : i32
      %dma_wait3A_171 = tpu.memref_slice %arg7[%dma_wait3A_170] : memref<5040xi32, #tpu.memory_space<vmem>> -> memref<4960xi32, #tpu.memory_space<vmem>>
      %dma_wait3A_172 = tpu.memref_slice %arg2[%run_scoped3A_125, %add3A_124] : memref<2x320000xi32, #tpu.memory_space<hbm>> -> memref<1x4960xi32, #tpu.memory_space<hbm>>
      %dma_wait3A_173 = tpu.memref_squeeze %dma_wait3A_172 : memref<1x4960xi32, #tpu.memory_space<hbm>> -> memref<4960xi32, #tpu.memory_space<hbm>>
      %dma_wait3A_174 = arith.constant 0 : i32
      %dma_wait3A_175 = tpu.memref_slice %arg7[%dma_wait3A_174] : memref<5040xi32, #tpu.memory_space<vmem>> -> memref<4960xi32, #tpu.memory_space<vmem>>
      %dma_wait3A_176 = tpu.memref_slice %arg2[%run_scoped3A_125, %add3A_124] : memref<2x320000xi32, #tpu.memory_space<hbm>> -> memref<1x4960xi32, #tpu.memory_space<hbm>>
      %dma_wait3A_177 = tpu.memref_squeeze %dma_wait3A_176 : memref<1x4960xi32, #tpu.memory_space<hbm>> -> memref<4960xi32, #tpu.memory_space<hbm>>
      tpu.wait_dma2 semaphore(%run_scoped3A_161 : memref<!tpu.dma_semaphore, #tpu.memory_space<semaphore_mem>>) src(%dma_wait3A_177 : memref<4960xi32, #tpu.memory_space<hbm>>) dst(%dma_wait3A_175 : memref<4960xi32, #tpu.memory_space<vmem>>)
      tpu.yield
    }) : () -> ()
    %dma_start3A_126 = arith.constant 0 : i32
    %dma_start3A_127 = tpu.memref_slice %arg6[%dma_start3A_126] : memref<5040xi32, #tpu.memory_space<vmem>> -> memref<80xi32, #tpu.memory_space<vmem>>
    %dma_start3A_128 = arith.constant 0 : i32
    %dma_start3A_129 = arith.constant 0 : i32
    %dma_start3A_130 = tpu.memref_slice %arg3[%dma_start3A_128, %dma_start3A_129] : memref<10000x128xf32, #tpu.memory_space<hbm>> -> memref<10000x128xf32, #tpu.memory_space<hbm>>
    tpu.enqueue_indirect_dma source(%dma_start3A_130 : memref<10000x128xf32, #tpu.memory_space<hbm>>) target(%arg8 : memref<80x128xf32, #tpu.memory_space<vmem>>) offsets(%dma_start3A_127 : memref<80xi32, #tpu.memory_space<vmem>>) semaphore(%arg11 : memref<!tpu.dma_semaphore, #tpu.memory_space<semaphore_mem>>)
    %scan3A_131 = arith.constant 0 : i32
    %scan3A_132 = arith.constant 0 : i32
    %scan3A_133 = arith.constant 30 : i32
    %scan3A_134 = arith.addi %scan3A_132, %scan3A_133 : i32
    %scan3A_135 = arith.constant 1 : i32
    scf.for %scan3A_161 = %scan3A_132 to %scan3A_134 step %scan3A_135  : i32 {
      %mul3A_162 = arith.constant 2 : i32
      %mul3A_163 = arith.muli %mul3A_162, %scan3A_161 : i32
      %add3A_164 = arith.constant 1 : i32
      %add3A_165 = arith.addi %mul3A_163, %add3A_164 : i32
      %mul3A_166 = arith.constant 80 : i32
      %mul3A_167 = arith.muli %add3A_165, %mul3A_166 : i32
      %dma_start3A_168 = tpu.memref_slice %arg6[%mul3A_167] : memref<5040xi32, #tpu.memory_space<vmem>> -> memref<80xi32, #tpu.memory_space<vmem>>
      %dma_start3A_169 = arith.constant 0 : i32
      %dma_start3A_170 = arith.constant 0 : i32
      %dma_start3A_171 = tpu.memref_slice %arg3[%dma_start3A_169, %dma_start3A_170] : memref<10000x128xf32, #tpu.memory_space<hbm>> -> memref<10000x128xf32, #tpu.memory_space<hbm>>
      tpu.enqueue_indirect_dma source(%dma_start3A_171 : memref<10000x128xf32, #tpu.memory_space<hbm>>) target(%arg9 : memref<80x128xf32, #tpu.memory_space<vmem>>) offsets(%dma_start3A_168 : memref<80xi32, #tpu.memory_space<vmem>>) semaphore(%arg12 : memref<!tpu.dma_semaphore, #tpu.memory_space<semaphore_mem>>)
      %dma_wait3A_172 = arith.constant 0 : i32
      %dma_wait3A_173 = tpu.memref_slice %arg6[%dma_wait3A_172] : memref<5040xi32, #tpu.memory_space<vmem>> -> memref<80xi32, #tpu.memory_space<vmem>>
      %dma_wait3A_174 = arith.constant 0 : i32
      %dma_wait3A_175 = arith.constant 0 : i32
      %dma_wait3A_176 = tpu.memref_slice %arg3[%dma_wait3A_174, %dma_wait3A_175] : memref<10000x128xf32, #tpu.memory_space<hbm>> -> memref<10000x128xf32, #tpu.memory_space<hbm>>
      tpu.wait_indirect_dma semaphore(%arg11 : memref<!tpu.dma_semaphore, #tpu.memory_space<semaphore_mem>>) src(%dma_wait3A_176 : memref<10000x128xf32, #tpu.memory_space<hbm>>) dst(%arg8 : memref<80x128xf32, #tpu.memory_space<vmem>>)
      %mul3A_177 = arith.constant 80 : i32
      %mul3A_178 = arith.muli %mul3A_163, %mul3A_177 : i32
      "tpu.region"() ({
        %run_scoped3A_200 = tpu.sem_alloc : memref<!tpu.dma_semaphore, #tpu.memory_space<semaphore_mem>>
        %dma_start3A_201 = tpu.memref_slice %arg7[%mul3A_178] : memref<5040xi32, #tpu.memory_space<vmem>> -> memref<80xi32, #tpu.memory_space<vmem>>
        %dma_start3A_202 = arith.constant 0 : i32
        %dma_start3A_203 = arith.constant 0 : i32
        %dma_start3A_204 = tpu.memref_slice %arg10[%dma_start3A_202, %dma_start3A_203] : memref<10000x128xf32, #tpu.memory_space<vmem_shared>> -> memref<10000x128xf32, #tpu.memory_space<vmem_shared>>
        tpu.enqueue_indirect_dma source(%arg8 : memref<80x128xf32, #tpu.memory_space<vmem>>) target(%dma_start3A_204 : memref<10000x128xf32, #tpu.memory_space<vmem_shared>>) offsets(%dma_start3A_201 : memref<80xi32, #tpu.memory_space<vmem>>) semaphore(%run_scoped3A_200 : memref<!tpu.dma_semaphore, #tpu.memory_space<semaphore_mem>>) {add = true}
        %dma_wait3A_205 = tpu.memref_slice %arg7[%mul3A_178] : memref<5040xi32, #tpu.memory_space<vmem>> -> memref<80xi32, #tpu.memory_space<vmem>>
        %dma_wait3A_206 = arith.constant 0 : i32
        %dma_wait3A_207 = arith.constant 0 : i32
        %dma_wait3A_208 = tpu.memref_slice %arg10[%dma_wait3A_206, %dma_wait3A_207] : memref<10000x128xf32, #tpu.memory_space<vmem_shared>> -> memref<10000x128xf32, #tpu.memory_space<vmem_shared>>
        tpu.wait_indirect_dma semaphore(%run_scoped3A_200 : memref<!tpu.dma_semaphore, #tpu.memory_space<semaphore_mem>>) src(%arg8 : memref<80x128xf32, #tpu.memory_space<vmem>>) dst(%dma_wait3A_208 : memref<10000x128xf32, #tpu.memory_space<vmem_shared>>)
        tpu.yield
      }) : () -> ()
      %mul3A_179 = arith.constant 80 : i32
      %mul3A_180 = arith.muli %mul3A_163, %mul3A_179 : i32
      "tpu.region"() ({
        %run_scoped3A_200 = tpu.sem_alloc : memref<!tpu.dma_semaphore, #tpu.memory_space<semaphore_mem>>
        %dma_start3A_201 = tpu.memref_slice %arg7[%mul3A_180] : memref<5040xi32, #tpu.memory_space<vmem>> -> memref<80xi32, #tpu.memory_space<vmem>>
        %dma_start3A_202 = arith.constant 0 : i32
        %dma_start3A_203 = arith.constant 0 : i32
        %dma_start3A_204 = tpu.memref_slice %arg16[%dma_start3A_202, %dma_start3A_203] : memref<10000x16xf32, #tpu.memory_space<vmem_shared>> -> memref<10000x16xf32, #tpu.memory_space<vmem_shared>>
        tpu.enqueue_indirect_dma source(%arg15 : memref<80x16xf32, #tpu.memory_space<vmem>>) target(%dma_start3A_204 : memref<10000x16xf32, #tpu.memory_space<vmem_shared>>) offsets(%dma_start3A_201 : memref<80xi32, #tpu.memory_space<vmem>>) semaphore(%run_scoped3A_200 : memref<!tpu.dma_semaphore, #tpu.memory_space<semaphore_mem>>) {add = true}
        %dma_wait3A_205 = tpu.memref_slice %arg7[%mul3A_180] : memref<5040xi32, #tpu.memory_space<vmem>> -> memref<80xi32, #tpu.memory_space<vmem>>
        %dma_wait3A_206 = arith.constant 0 : i32
        %dma_wait3A_207 = arith.constant 0 : i32
        %dma_wait3A_208 = tpu.memref_slice %arg16[%dma_wait3A_206, %dma_wait3A_207] : memref<10000x16xf32, #tpu.memory_space<vmem_shared>> -> memref<10000x16xf32, #tpu.memory_space<vmem_shared>>
        tpu.wait_indirect_dma semaphore(%run_scoped3A_200 : memref<!tpu.dma_semaphore, #tpu.memory_space<semaphore_mem>>) src(%arg15 : memref<80x16xf32, #tpu.memory_space<vmem>>) dst(%dma_wait3A_208 : memref<10000x16xf32, #tpu.memory_space<vmem_shared>>)
        tpu.yield
      }) : () -> ()
      %add3A_181 = arith.constant 2 : i32
      %add3A_182 = arith.addi %mul3A_163, %add3A_181 : i32
      %mul3A_183 = arith.constant 80 : i32
      %mul3A_184 = arith.muli %add3A_182, %mul3A_183 : i32
      %dma_start3A_185 = tpu.memref_slice %arg6[%mul3A_184] : memref<5040xi32, #tpu.memory_space<vmem>> -> memref<80xi32, #tpu.memory_space<vmem>>
      %dma_start3A_186 = arith.constant 0 : i32
      %dma_start3A_187 = arith.constant 0 : i32
      %dma_start3A_188 = tpu.memref_slice %arg3[%dma_start3A_186, %dma_start3A_187] : memref<10000x128xf32, #tpu.memory_space<hbm>> -> memref<10000x128xf32, #tpu.memory_space<hbm>>
      tpu.enqueue_indirect_dma source(%dma_start3A_188 : memref<10000x128xf32, #tpu.memory_space<hbm>>) target(%arg8 : memref<80x128xf32, #tpu.memory_space<vmem>>) offsets(%dma_start3A_185 : memref<80xi32, #tpu.memory_space<vmem>>) semaphore(%arg11 : memref<!tpu.dma_semaphore, #tpu.memory_space<semaphore_mem>>)
      %dma_wait3A_189 = arith.constant 0 : i32
      %dma_wait3A_190 = tpu.memref_slice %arg6[%dma_wait3A_189] : memref<5040xi32, #tpu.memory_space<vmem>> -> memref<80xi32, #tpu.memory_space<vmem>>
      %dma_wait3A_191 = arith.constant 0 : i32
      %dma_wait3A_192 = arith.constant 0 : i32
      %dma_wait3A_193 = tpu.memref_slice %arg3[%dma_wait3A_191, %dma_wait3A_192] : memref<10000x128xf32, #tpu.memory_space<hbm>> -> memref<10000x128xf32, #tpu.memory_space<hbm>>
      tpu.wait_indirect_dma semaphore(%arg12 : memref<!tpu.dma_semaphore, #tpu.memory_space<semaphore_mem>>) src(%dma_wait3A_193 : memref<10000x128xf32, #tpu.memory_space<hbm>>) dst(%arg9 : memref<80x128xf32, #tpu.memory_space<vmem>>)
      %add3A_194 = arith.constant 1 : i32
      %add3A_195 = arith.addi %mul3A_163, %add3A_194 : i32
      %mul3A_196 = arith.constant 80 : i32
      %mul3A_197 = arith.muli %add3A_195, %mul3A_196 : i32
      "tpu.region"() ({
        %run_scoped3A_200 = tpu.sem_alloc : memref<!tpu.dma_semaphore, #tpu.memory_space<semaphore_mem>>
        %dma_start3A_201 = tpu.memref_slice %arg7[%mul3A_197] : memref<5040xi32, #tpu.memory_space<vmem>> -> memref<80xi32, #tpu.memory_space<vmem>>
        %dma_start3A_202 = arith.constant 0 : i32
        %dma_start3A_203 = arith.constant 0 : i32
        %dma_start3A_204 = tpu.memref_slice %arg10[%dma_start3A_202, %dma_start3A_203] : memref<10000x128xf32, #tpu.memory_space<vmem_shared>> -> memref<10000x128xf32, #tpu.memory_space<vmem_shared>>
        tpu.enqueue_indirect_dma source(%arg9 : memref<80x128xf32, #tpu.memory_space<vmem>>) target(%dma_start3A_204 : memref<10000x128xf32, #tpu.memory_space<vmem_shared>>) offsets(%dma_start3A_201 : memref<80xi32, #tpu.memory_space<vmem>>) semaphore(%run_scoped3A_200 : memref<!tpu.dma_semaphore, #tpu.memory_space<semaphore_mem>>) {add = true}
        %dma_wait3A_205 = tpu.memref_slice %arg7[%mul3A_197] : memref<5040xi32, #tpu.memory_space<vmem>> -> memref<80xi32, #tpu.memory_space<vmem>>
        %dma_wait3A_206 = arith.constant 0 : i32
        %dma_wait3A_207 = arith.constant 0 : i32
        %dma_wait3A_208 = tpu.memref_slice %arg10[%dma_wait3A_206, %dma_wait3A_207] : memref<10000x128xf32, #tpu.memory_space<vmem_shared>> -> memref<10000x128xf32, #tpu.memory_space<vmem_shared>>
        tpu.wait_indirect_dma semaphore(%run_scoped3A_200 : memref<!tpu.dma_semaphore, #tpu.memory_space<semaphore_mem>>) src(%arg9 : memref<80x128xf32, #tpu.memory_space<vmem>>) dst(%dma_wait3A_208 : memref<10000x128xf32, #tpu.memory_space<vmem_shared>>)
        tpu.yield
      }) : () -> ()
      %mul3A_198 = arith.constant 80 : i32
      %mul3A_199 = arith.muli %add3A_195, %mul3A_198 : i32
      "tpu.region"() ({
        %run_scoped3A_200 = tpu.sem_alloc : memref<!tpu.dma_semaphore, #tpu.memory_space<semaphore_mem>>
        %dma_start3A_201 = tpu.memref_slice %arg7[%mul3A_199] : memref<5040xi32, #tpu.memory_space<vmem>> -> memref<80xi32, #tpu.memory_space<vmem>>
        %dma_start3A_202 = arith.constant 0 : i32
        %dma_start3A_203 = arith.constant 0 : i32
        %dma_start3A_204 = tpu.memref_slice %arg16[%dma_start3A_202, %dma_start3A_203] : memref<10000x16xf32, #tpu.memory_space<vmem_shared>> -> memref<10000x16xf32, #tpu.memory_space<vmem_shared>>
        tpu.enqueue_indirect_dma source(%arg15 : memref<80x16xf32, #tpu.memory_space<vmem>>) target(%dma_start3A_204 : memref<10000x16xf32, #tpu.memory_space<vmem_shared>>) offsets(%dma_start3A_201 : memref<80xi32, #tpu.memory_space<vmem>>) semaphore(%run_scoped3A_200 : memref<!tpu.dma_semaphore, #tpu.memory_space<semaphore_mem>>) {add = true}
        %dma_wait3A_205 = tpu.memref_slice %arg7[%mul3A_199] : memref<5040xi32, #tpu.memory_space<vmem>> -> memref<80xi32, #tpu.memory_space<vmem>>
        %dma_wait3A_206 = arith.constant 0 : i32
        %dma_wait3A_207 = arith.constant 0 : i32
        %dma_wait3A_208 = tpu.memref_slice %arg16[%dma_wait3A_206, %dma_wait3A_207] : memref<10000x16xf32, #tpu.memory_space<vmem_shared>> -> memref<10000x16xf32, #tpu.memory_space<vmem_shared>>
        tpu.wait_indirect_dma semaphore(%run_scoped3A_200 : memref<!tpu.dma_semaphore, #tpu.memory_space<semaphore_mem>>) src(%arg15 : memref<80x16xf32, #tpu.memory_space<vmem>>) dst(%dma_wait3A_208 : memref<10000x16xf32, #tpu.memory_space<vmem_shared>>)
        tpu.yield
      }) : () -> ()
    }
    %scan3A_136 = arith.constant 30 : i32
    %dma_start3A_137 = arith.constant 4880 : i32
    %dma_start3A_138 = tpu.memref_slice %arg6[%dma_start3A_137] : memref<5040xi32, #tpu.memory_space<vmem>> -> memref<80xi32, #tpu.memory_space<vmem>>
    %dma_start3A_139 = arith.constant 0 : i32
    %dma_start3A_140 = arith.constant 0 : i32
    %dma_start3A_141 = tpu.memref_slice %arg3[%dma_start3A_139, %dma_start3A_140] : memref<10000x128xf32, #tpu.memory_space<hbm>> -> memref<10000x128xf32, #tpu.memory_space<hbm>>
    tpu.enqueue_indirect_dma source(%dma_start3A_141 : memref<10000x128xf32, #tpu.memory_space<hbm>>) target(%arg9 : memref<80x128xf32, #tpu.memory_space<vmem>>) offsets(%dma_start3A_138 : memref<80xi32, #tpu.memory_space<vmem>>) semaphore(%arg12 : memref<!tpu.dma_semaphore, #tpu.memory_space<semaphore_mem>>)
    %dma_wait3A_142 = arith.constant 0 : i32
    %dma_wait3A_143 = tpu.memref_slice %arg6[%dma_wait3A_142] : memref<5040xi32, #tpu.memory_space<vmem>> -> memref<80xi32, #tpu.memory_space<vmem>>
    %dma_wait3A_144 = arith.constant 0 : i32
    %dma_wait3A_145 = arith.constant 0 : i32
    %dma_wait3A_146 = tpu.memref_slice %arg3[%dma_wait3A_144, %dma_wait3A_145] : memref<10000x128xf32, #tpu.memory_space<hbm>> -> memref<10000x128xf32, #tpu.memory_space<hbm>>
    tpu.wait_indirect_dma semaphore(%arg11 : memref<!tpu.dma_semaphore, #tpu.memory_space<semaphore_mem>>) src(%dma_wait3A_146 : memref<10000x128xf32, #tpu.memory_space<hbm>>) dst(%arg8 : memref<80x128xf32, #tpu.memory_space<vmem>>)
    "tpu.region"() ({
      %run_scoped3A_161 = tpu.sem_alloc : memref<!tpu.dma_semaphore, #tpu.memory_space<semaphore_mem>>
      %dma_start3A_162 = arith.constant 4800 : i32
      %dma_start3A_163 = tpu.memref_slice %arg7[%dma_start3A_162] : memref<5040xi32, #tpu.memory_space<vmem>> -> memref<80xi32, #tpu.memory_space<vmem>>
      %dma_start3A_164 = arith.constant 0 : i32
      %dma_start3A_165 = arith.constant 0 : i32
      %dma_start3A_166 = tpu.memref_slice %arg10[%dma_start3A_164, %dma_start3A_165] : memref<10000x128xf32, #tpu.memory_space<vmem_shared>> -> memref<10000x128xf32, #tpu.memory_space<vmem_shared>>
      tpu.enqueue_indirect_dma source(%arg8 : memref<80x128xf32, #tpu.memory_space<vmem>>) target(%dma_start3A_166 : memref<10000x128xf32, #tpu.memory_space<vmem_shared>>) offsets(%dma_start3A_163 : memref<80xi32, #tpu.memory_space<vmem>>) semaphore(%run_scoped3A_161 : memref<!tpu.dma_semaphore, #tpu.memory_space<semaphore_mem>>) {add = true}
      %dma_wait3A_167 = arith.constant 4800 : i32
      %dma_wait3A_168 = tpu.memref_slice %arg7[%dma_wait3A_167] : memref<5040xi32, #tpu.memory_space<vmem>> -> memref<80xi32, #tpu.memory_space<vmem>>
      %dma_wait3A_169 = arith.constant 0 : i32
      %dma_wait3A_170 = arith.constant 0 : i32
      %dma_wait3A_171 = tpu.memref_slice %arg10[%dma_wait3A_169, %dma_wait3A_170] : memref<10000x128xf32, #tpu.memory_space<vmem_shared>> -> memref<10000x128xf32, #tpu.memory_space<vmem_shared>>
      tpu.wait_indirect_dma semaphore(%run_scoped3A_161 : memref<!tpu.dma_semaphore, #tpu.memory_space<semaphore_mem>>) src(%arg8 : memref<80x128xf32, #tpu.memory_space<vmem>>) dst(%dma_wait3A_171 : memref<10000x128xf32, #tpu.memory_space<vmem_shared>>)
      tpu.yield
    }) : () -> ()
    "tpu.region"() ({
      %run_scoped3A_161 = tpu.sem_alloc : memref<!tpu.dma_semaphore, #tpu.memory_space<semaphore_mem>>
      %dma_start3A_162 = arith.constant 4800 : i32
      %dma_start3A_163 = tpu.memref_slice %arg7[%dma_start3A_162] : memref<5040xi32, #tpu.memory_space<vmem>> -> memref<80xi32, #tpu.memory_space<vmem>>
      %dma_start3A_164 = arith.constant 0 : i32
      %dma_start3A_165 = arith.constant 0 : i32
      %dma_start3A_166 = tpu.memref_slice %arg16[%dma_start3A_164, %dma_start3A_165] : memref<10000x16xf32, #tpu.memory_space<vmem_shared>> -> memref<10000x16xf32, #tpu.memory_space<vmem_shared>>
      tpu.enqueue_indirect_dma source(%arg15 : memref<80x16xf32, #tpu.memory_space<vmem>>) target(%dma_start3A_166 : memref<10000x16xf32, #tpu.memory_space<vmem_shared>>) offsets(%dma_start3A_163 : memref<80xi32, #tpu.memory_space<vmem>>) semaphore(%run_scoped3A_161 : memref<!tpu.dma_semaphore, #tpu.memory_space<semaphore_mem>>) {add = true}
      %dma_wait3A_167 = arith.constant 4800 : i32
      %dma_wait3A_168 = tpu.memref_slice %arg7[%dma_wait3A_167] : memref<5040xi32, #tpu.memory_space<vmem>> -> memref<80xi32, #tpu.memory_space<vmem>>
      %dma_wait3A_169 = arith.constant 0 : i32
      %dma_wait3A_170 = arith.constant 0 : i32
      %dma_wait3A_171 = tpu.memref_slice %arg16[%dma_wait3A_169, %dma_wait3A_170] : memref<10000x16xf32, #tpu.memory_space<vmem_shared>> -> memref<10000x16xf32, #tpu.memory_space<vmem_shared>>
      tpu.wait_indirect_dma semaphore(%run_scoped3A_161 : memref<!tpu.dma_semaphore, #tpu.memory_space<semaphore_mem>>) src(%arg15 : memref<80x16xf32, #tpu.memory_space<vmem>>) dst(%dma_wait3A_171 : memref<10000x16xf32, #tpu.memory_space<vmem_shared>>)
      tpu.yield
    }) : () -> ()
    %dma_wait3A_147 = arith.constant 0 : i32
    %dma_wait3A_148 = tpu.memref_slice %arg6[%dma_wait3A_147] : memref<5040xi32, #tpu.memory_space<vmem>> -> memref<80xi32, #tpu.memory_space<vmem>>
    %dma_wait3A_149 = arith.constant 0 : i32
    %dma_wait3A_150 = arith.constant 0 : i32
    %dma_wait3A_151 = tpu.memref_slice %arg3[%dma_wait3A_149, %dma_wait3A_150] : memref<10000x128xf32, #tpu.memory_space<hbm>> -> memref<10000x128xf32, #tpu.memory_space<hbm>>
    tpu.wait_indirect_dma semaphore(%arg12 : memref<!tpu.dma_semaphore, #tpu.memory_space<semaphore_mem>>) src(%dma_wait3A_151 : memref<10000x128xf32, #tpu.memory_space<hbm>>) dst(%arg9 : memref<80x128xf32, #tpu.memory_space<vmem>>)
    "tpu.region"() ({
      %run_scoped3A_161 = tpu.sem_alloc : memref<!tpu.dma_semaphore, #tpu.memory_space<semaphore_mem>>
      %dma_start3A_162 = arith.constant 4880 : i32
      %dma_start3A_163 = tpu.memref_slice %arg7[%dma_start3A_162] : memref<5040xi32, #tpu.memory_space<vmem>> -> memref<80xi32, #tpu.memory_space<vmem>>
      %dma_start3A_164 = arith.constant 0 : i32
      %dma_start3A_165 = arith.constant 0 : i32
      %dma_start3A_166 = tpu.memref_slice %arg10[%dma_start3A_164, %dma_start3A_165] : memref<10000x128xf32, #tpu.memory_space<vmem_shared>> -> memref<10000x128xf32, #tpu.memory_space<vmem_shared>>
      tpu.enqueue_indirect_dma source(%arg9 : memref<80x128xf32, #tpu.memory_space<vmem>>) target(%dma_start3A_166 : memref<10000x128xf32, #tpu.memory_space<vmem_shared>>) offsets(%dma_start3A_163 : memref<80xi32, #tpu.memory_space<vmem>>) semaphore(%run_scoped3A_161 : memref<!tpu.dma_semaphore, #tpu.memory_space<semaphore_mem>>) {add = true}
      %dma_wait3A_167 = arith.constant 4880 : i32
      %dma_wait3A_168 = tpu.memref_slice %arg7[%dma_wait3A_167] : memref<5040xi32, #tpu.memory_space<vmem>> -> memref<80xi32, #tpu.memory_space<vmem>>
      %dma_wait3A_169 = arith.constant 0 : i32
      %dma_wait3A_170 = arith.constant 0 : i32
      %dma_wait3A_171 = tpu.memref_slice %arg10[%dma_wait3A_169, %dma_wait3A_170] : memref<10000x128xf32, #tpu.memory_space<vmem_shared>> -> memref<10000x128xf32, #tpu.memory_space<vmem_shared>>
      tpu.wait_indirect_dma semaphore(%run_scoped3A_161 : memref<!tpu.dma_semaphore, #tpu.memory_space<semaphore_mem>>) src(%arg9 : memref<80x128xf32, #tpu.memory_space<vmem>>) dst(%dma_wait3A_171 : memref<10000x128xf32, #tpu.memory_space<vmem_shared>>)
      tpu.yield
    }) : () -> ()
    "tpu.region"() ({
      %run_scoped3A_161 = tpu.sem_alloc : memref<!tpu.dma_semaphore, #tpu.memory_space<semaphore_mem>>
      %dma_start3A_162 = arith.constant 4880 : i32
      %dma_start3A_163 = tpu.memref_slice %arg7[%dma_start3A_162] : memref<5040xi32, #tpu.memory_space<vmem>> -> memref<80xi32, #tpu.memory_space<vmem>>
      %dma_start3A_164 = arith.constant 0 : i32
      %dma_start3A_165 = arith.constant 0 : i32
      %dma_start3A_166 = tpu.memref_slice %arg16[%dma_start3A_164, %dma_start3A_165] : memref<10000x16xf32, #tpu.memory_space<vmem_shared>> -> memref<10000x16xf32, #tpu.memory_space<vmem_shared>>
      tpu.enqueue_indirect_dma source(%arg15 : memref<80x16xf32, #tpu.memory_space<vmem>>) target(%dma_start3A_166 : memref<10000x16xf32, #tpu.memory_space<vmem_shared>>) offsets(%dma_start3A_163 : memref<80xi32, #tpu.memory_space<vmem>>) semaphore(%run_scoped3A_161 : memref<!tpu.dma_semaphore, #tpu.memory_space<semaphore_mem>>) {add = true}
      %dma_wait3A_167 = arith.constant 4880 : i32
      %dma_wait3A_168 = tpu.memref_slice %arg7[%dma_wait3A_167] : memref<5040xi32, #tpu.memory_space<vmem>> -> memref<80xi32, #tpu.memory_space<vmem>>
      %dma_wait3A_169 = arith.constant 0 : i32
      %dma_wait3A_170 = arith.constant 0 : i32
      %dma_wait3A_171 = tpu.memref_slice %arg16[%dma_wait3A_169, %dma_wait3A_170] : memref<10000x16xf32, #tpu.memory_space<vmem_shared>> -> memref<10000x16xf32, #tpu.memory_space<vmem_shared>>
      tpu.wait_indirect_dma semaphore(%run_scoped3A_161 : memref<!tpu.dma_semaphore, #tpu.memory_space<semaphore_mem>>) src(%arg15 : memref<80x16xf32, #tpu.memory_space<vmem>>) dst(%dma_wait3A_171 : memref<10000x16xf32, #tpu.memory_space<vmem_shared>>)
      tpu.yield
    }) : () -> ()
    %barrier3A_152 = arith.constant 0 : index
    tpu.barrier barrier_id(%barrier3A_152)
    %mul3A_153 = arith.constant 625 : i32
    %mul3A_154 = arith.muli %arg1, %mul3A_153 : i32
    %mul3A_155 = arith.constant 625 : i32
    %mul3A_156 = arith.muli %arg1, %mul3A_155 : i32
    "tpu.region"() ({
      %run_scoped3A_161 = tpu.sem_alloc : memref<!tpu.dma_semaphore, #tpu.memory_space<semaphore_mem>>
      %dma_start3A_162 = arith.constant 0 : i32
      %dma_start3A_163 = tpu.memref_slice %arg4[%arg0, %mul3A_156, %dma_start3A_162] : memref<2x10000x128xf32, #tpu.memory_space<hbm>> -> memref<1x625x128xf32, #tpu.memory_space<hbm>>
      %dma_start3A_164 = tpu.memref_squeeze %dma_start3A_163 : memref<1x625x128xf32, #tpu.memory_space<hbm>> -> memref<625x128xf32, #tpu.memory_space<hbm>>
      %dma_start3A_165 = arith.constant 0 : i32
      %dma_start3A_166 = tpu.memref_slice %arg10[%mul3A_154, %dma_start3A_165] : memref<10000x128xf32, #tpu.memory_space<vmem_shared>> -> memref<625x128xf32, #tpu.memory_space<vmem_shared>>
      tpu.enqueue_dma source(%dma_start3A_166 : memref<625x128xf32, #tpu.memory_space<vmem_shared>>) target(%dma_start3A_164 : memref<625x128xf32, #tpu.memory_space<hbm>>) target_semaphore(%run_scoped3A_161 : memref<!tpu.dma_semaphore, #tpu.memory_space<semaphore_mem>>)
      %dma_wait3A_167 = arith.constant 0 : i32
      %dma_wait3A_168 = tpu.memref_slice %arg4[%arg0, %mul3A_156, %dma_wait3A_167] : memref<2x10000x128xf32, #tpu.memory_space<hbm>> -> memref<1x625x128xf32, #tpu.memory_space<hbm>>
      %dma_wait3A_169 = tpu.memref_squeeze %dma_wait3A_168 : memref<1x625x128xf32, #tpu.memory_space<hbm>> -> memref<625x128xf32, #tpu.memory_space<hbm>>
      %dma_wait3A_170 = arith.constant 0 : i32
      %dma_wait3A_171 = tpu.memref_slice %arg10[%mul3A_154, %dma_wait3A_170] : memref<10000x128xf32, #tpu.memory_space<vmem_shared>> -> memref<625x128xf32, #tpu.memory_space<vmem_shared>>
      tpu.wait_dma2 semaphore(%run_scoped3A_161 : memref<!tpu.dma_semaphore, #tpu.memory_space<semaphore_mem>>) src(%dma_wait3A_171 : memref<625x128xf32, #tpu.memory_space<vmem_shared>>) dst(%dma_wait3A_169 : memref<625x128xf32, #tpu.memory_space<hbm>>)
      tpu.yield
    }) : () -> ()
    %mul3A_157 = arith.constant 625 : i32
    %mul3A_158 = arith.muli %arg1, %mul3A_157 : i32
    %mul3A_159 = arith.constant 625 : i32
    %mul3A_160 = arith.muli %arg1, %mul3A_159 : i32
    "tpu.region"() ({
      %run_scoped3A_161 = tpu.sem_alloc : memref<!tpu.dma_semaphore, #tpu.memory_space<semaphore_mem>>
      %dma_start3A_162 = arith.constant 0 : i32
      %dma_start3A_163 = tpu.memref_slice %arg5[%arg0, %mul3A_160, %dma_start3A_162] : memref<2x10000x16xf32, #tpu.memory_space<hbm>> -> memref<1x625x16xf32, #tpu.memory_space<hbm>>
      %dma_start3A_164 = tpu.memref_squeeze %dma_start3A_163 : memref<1x625x16xf32, #tpu.memory_space<hbm>> -> memref<625x16xf32, #tpu.memory_space<hbm>>
      %dma_start3A_165 = arith.constant 0 : i32
      %dma_start3A_166 = tpu.memref_slice %arg16[%mul3A_158, %dma_start3A_165] : memref<10000x16xf32, #tpu.memory_space<vmem_shared>> -> memref<625x16xf32, #tpu.memory_space<vmem_shared>>
      tpu.enqueue_dma source(%dma_start3A_166 : memref<625x16xf32, #tpu.memory_space<vmem_shared>>) target(%dma_start3A_164 : memref<625x16xf32, #tpu.memory_space<hbm>>) target_semaphore(%run_scoped3A_161 : memref<!tpu.dma_semaphore, #tpu.memory_space<semaphore_mem>>)
      %dma_wait3A_167 = arith.constant 0 : i32
      %dma_wait3A_168 = tpu.memref_slice %arg5[%arg0, %mul3A_160, %dma_wait3A_167] : memref<2x10000x16xf32, #tpu.memory_space<hbm>> -> memref<1x625x16xf32, #tpu.memory_space<hbm>>
      %dma_wait3A_169 = tpu.memref_squeeze %dma_wait3A_168 : memref<1x625x16xf32, #tpu.memory_space<hbm>> -> memref<625x16xf32, #tpu.memory_space<hbm>>
      %dma_wait3A_170 = arith.constant 0 : i32
      %dma_wait3A_171 = tpu.memref_slice %arg16[%mul3A_158, %dma_wait3A_170] : memref<10000x16xf32, #tpu.memory_space<vmem_shared>> -> memref<625x16xf32, #tpu.memory_space<vmem_shared>>
      tpu.wait_dma2 semaphore(%run_scoped3A_161 : memref<!tpu.dma_semaphore, #tpu.memory_space<semaphore_mem>>) src(%dma_wait3A_171 : memref<625x16xf32, #tpu.memory_space<vmem_shared>>) dst(%dma_wait3A_169 : memref<625x16xf32, #tpu.memory_space<hbm>>)
      tpu.yield
    }) : () -> ()
    return
  }
}

#map = affine_map<(d0, d1) -> (0, 0)>
#map1 = affine_map<(d0, d1) -> (0, 0, 0)>
module attributes {stable_mosaic.version = 14 : i64} {
  func.func @sc_agg(%arg0: i32, %arg1: i32, %arg2: memref<2x320000xi32, #tpu.memory_space<hbm>>, %arg3: memref<10000x128xf32, #tpu.memory_space<hbm>>, %arg4: memref<2x10000x128xf32, #tpu.memory_space<hbm>>, %arg5: memref<5040xi32, #tpu.memory_space<vmem>>, %arg6: memref<5040xi32, #tpu.memory_space<vmem>>, %arg7: memref<80x128xf32, #tpu.memory_space<vmem>>, %arg8: memref<80x128xf32, #tpu.memory_space<vmem>>, %arg9: memref<10000x128xf32, #tpu.memory_space<vmem_shared>>, %arg10: memref<!tpu.dma_semaphore, #tpu.memory_space<semaphore_mem>>, %arg11: memref<!tpu.dma_semaphore, #tpu.memory_space<semaphore_mem>>, %arg12: memref<!tpu.dma_semaphore, #tpu.memory_space<semaphore_mem>>, %arg13: memref<!tpu.dma_semaphore, #tpu.memory_space<semaphore_mem>>) attributes {dimension_semantics = [#tpu.dimension_semantics<core_parallel>, #tpu.dimension_semantics<subcore_parallel>], iteration_bounds = array<i64: 2, 16>, scalar_prefetch = 0 : i64, scratch_operands = 9 : i64, tpu.core_type = #tpu.core_type<sc_vector_subcore>, window_params = [{transform_indices = #map}, {transform_indices = #map}, {transform_indices = #map1}]} {
    %mul3A = arith.constant 16 : i32
    %mul3A_0 = arith.muli %arg0, %mul3A : i32
    %add3A = arith.addi %mul3A_0, %arg1 : i32
    %mul3A_1 = arith.constant 10000 : i32
    %mul3A_2 = arith.muli %add3A, %mul3A_1 : i32
    %dma_start3A = arith.constant 0 : i32
    %dma_start3A_3 = tpu.memref_slice %arg2[%dma_start3A, %mul3A_2] : memref<2x320000xi32, #tpu.memory_space<hbm>> -> memref<1x5040xi32, #tpu.memory_space<hbm>>
    %dma_start3A_4 = tpu.memref_squeeze %dma_start3A_3 : memref<1x5040xi32, #tpu.memory_space<hbm>> -> memref<5040xi32, #tpu.memory_space<hbm>>
    %dma_start3A_5 = tpu.memref_slice %arg2[%dma_start3A, %mul3A_2] : memref<2x320000xi32, #tpu.memory_space<hbm>> -> memref<1x5040xi32, #tpu.memory_space<hbm>>
    %dma_start3A_6 = tpu.memref_squeeze %dma_start3A_5 : memref<1x5040xi32, #tpu.memory_space<hbm>> -> memref<5040xi32, #tpu.memory_space<hbm>>
    tpu.enqueue_dma source(%dma_start3A_6 : memref<5040xi32, #tpu.memory_space<hbm>>) target(%arg5 : memref<5040xi32, #tpu.memory_space<vmem>>) target_semaphore(%arg12 : memref<!tpu.dma_semaphore, #tpu.memory_space<semaphore_mem>>)
    %dma_start3A_7 = arith.constant 1 : i32
    %dma_start3A_8 = tpu.memref_slice %arg2[%dma_start3A_7, %mul3A_2] : memref<2x320000xi32, #tpu.memory_space<hbm>> -> memref<1x5040xi32, #tpu.memory_space<hbm>>
    %dma_start3A_9 = tpu.memref_squeeze %dma_start3A_8 : memref<1x5040xi32, #tpu.memory_space<hbm>> -> memref<5040xi32, #tpu.memory_space<hbm>>
    %dma_start3A_10 = tpu.memref_slice %arg2[%dma_start3A_7, %mul3A_2] : memref<2x320000xi32, #tpu.memory_space<hbm>> -> memref<1x5040xi32, #tpu.memory_space<hbm>>
    %dma_start3A_11 = tpu.memref_squeeze %dma_start3A_10 : memref<1x5040xi32, #tpu.memory_space<hbm>> -> memref<5040xi32, #tpu.memory_space<hbm>>
    tpu.enqueue_dma source(%dma_start3A_11 : memref<5040xi32, #tpu.memory_space<hbm>>) target(%arg6 : memref<5040xi32, #tpu.memory_space<vmem>>) target_semaphore(%arg13 : memref<!tpu.dma_semaphore, #tpu.memory_space<semaphore_mem>>)
    %scan3A = arith.constant 0 : i32
    %scan3A_12 = arith.constant 0 : i32
    %scan3A_13 = arith.constant 80 : i32
    %scan3A_14 = arith.addi %scan3A_12, %scan3A_13 : i32
    %scan3A_15 = arith.constant 1 : i32
    scf.for %scan3A_111 = %scan3A_12 to %scan3A_14 step %scan3A_15  : i32 {
      %broadcast_in_dim3A = arith.constant 0.000000e+00 : f32
      %broadcast_in_dim3A_112 = vector.broadcast %broadcast_in_dim3A : f32 to vector<16xf32>
      %swap3A = arith.index_cast %scan3A_111 : i32 to index
      %swap3A_113 = arith.constant 0 : index
      %swap3A_114 = tpu.vector_load %arg7[%swap3A, %swap3A_113] {strides = array<i32>} : memref<80x128xf32, #tpu.memory_space<vmem>>, vector<1x16xf32>,
      %swap3A_115 = vector.shape_cast %swap3A_114 : vector<1x16xf32> to vector<16xf32>
      %swap3A_116 = vector.shape_cast %broadcast_in_dim3A_112 : vector<16xf32> to vector<1x16xf32>
      tpu.vector_store %arg7[%swap3A, %swap3A_113], %swap3A_116 {strides = array<i32>} : memref<80x128xf32, #tpu.memory_space<vmem>>, vector<1x16xf32>,
      %broadcast_in_dim3A_117 = arith.constant 0.000000e+00 : f32
      %broadcast_in_dim3A_118 = vector.broadcast %broadcast_in_dim3A_117 : f32 to vector<16xf32>
      %swap3A_119 = arith.index_cast %scan3A_111 : i32 to index
      %swap3A_120 = arith.constant 16 : index
      %swap3A_121 = tpu.vector_load %arg7[%swap3A_119, %swap3A_120] {strides = array<i32>} : memref<80x128xf32, #tpu.memory_space<vmem>>, vector<1x16xf32>,
      %swap3A_122 = vector.shape_cast %swap3A_121 : vector<1x16xf32> to vector<16xf32>
      %swap3A_123 = vector.shape_cast %broadcast_in_dim3A_118 : vector<16xf32> to vector<1x16xf32>
      tpu.vector_store %arg7[%swap3A_119, %swap3A_120], %swap3A_123 {strides = array<i32>} : memref<80x128xf32, #tpu.memory_space<vmem>>, vector<1x16xf32>,
      %broadcast_in_dim3A_124 = arith.constant 0.000000e+00 : f32
      %broadcast_in_dim3A_125 = vector.broadcast %broadcast_in_dim3A_124 : f32 to vector<16xf32>
      %swap3A_126 = arith.index_cast %scan3A_111 : i32 to index
      %swap3A_127 = arith.constant 32 : index
      %swap3A_128 = tpu.vector_load %arg7[%swap3A_126, %swap3A_127] {strides = array<i32>} : memref<80x128xf32, #tpu.memory_space<vmem>>, vector<1x16xf32>,
      %swap3A_129 = vector.shape_cast %swap3A_128 : vector<1x16xf32> to vector<16xf32>
      %swap3A_130 = vector.shape_cast %broadcast_in_dim3A_125 : vector<16xf32> to vector<1x16xf32>
      tpu.vector_store %arg7[%swap3A_126, %swap3A_127], %swap3A_130 {strides = array<i32>} : memref<80x128xf32, #tpu.memory_space<vmem>>, vector<1x16xf32>,
      %broadcast_in_dim3A_131 = arith.constant 0.000000e+00 : f32
      %broadcast_in_dim3A_132 = vector.broadcast %broadcast_in_dim3A_131 : f32 to vector<16xf32>
      %swap3A_133 = arith.index_cast %scan3A_111 : i32 to index
      %swap3A_134 = arith.constant 48 : index
      %swap3A_135 = tpu.vector_load %arg7[%swap3A_133, %swap3A_134] {strides = array<i32>} : memref<80x128xf32, #tpu.memory_space<vmem>>, vector<1x16xf32>,
      %swap3A_136 = vector.shape_cast %swap3A_135 : vector<1x16xf32> to vector<16xf32>
      %swap3A_137 = vector.shape_cast %broadcast_in_dim3A_132 : vector<16xf32> to vector<1x16xf32>
      tpu.vector_store %arg7[%swap3A_133, %swap3A_134], %swap3A_137 {strides = array<i32>} : memref<80x128xf32, #tpu.memory_space<vmem>>, vector<1x16xf32>,
      %broadcast_in_dim3A_138 = arith.constant 0.000000e+00 : f32
      %broadcast_in_dim3A_139 = vector.broadcast %broadcast_in_dim3A_138 : f32 to vector<16xf32>
      %swap3A_140 = arith.index_cast %scan3A_111 : i32 to index
      %swap3A_141 = arith.constant 64 : index
      %swap3A_142 = tpu.vector_load %arg7[%swap3A_140, %swap3A_141] {strides = array<i32>} : memref<80x128xf32, #tpu.memory_space<vmem>>, vector<1x16xf32>,
      %swap3A_143 = vector.shape_cast %swap3A_142 : vector<1x16xf32> to vector<16xf32>
      %swap3A_144 = vector.shape_cast %broadcast_in_dim3A_139 : vector<16xf32> to vector<1x16xf32>
      tpu.vector_store %arg7[%swap3A_140, %swap3A_141], %swap3A_144 {strides = array<i32>} : memref<80x128xf32, #tpu.memory_space<vmem>>, vector<1x16xf32>,
      %broadcast_in_dim3A_145 = arith.constant 0.000000e+00 : f32
      %broadcast_in_dim3A_146 = vector.broadcast %broadcast_in_dim3A_145 : f32 to vector<16xf32>
      %swap3A_147 = arith.index_cast %scan3A_111 : i32 to index
      %swap3A_148 = arith.constant 80 : index
      %swap3A_149 = tpu.vector_load %arg7[%swap3A_147, %swap3A_148] {strides = array<i32>} : memref<80x128xf32, #tpu.memory_space<vmem>>, vector<1x16xf32>,
      %swap3A_150 = vector.shape_cast %swap3A_149 : vector<1x16xf32> to vector<16xf32>
      %swap3A_151 = vector.shape_cast %broadcast_in_dim3A_146 : vector<16xf32> to vector<1x16xf32>
      tpu.vector_store %arg7[%swap3A_147, %swap3A_148], %swap3A_151 {strides = array<i32>} : memref<80x128xf32, #tpu.memory_space<vmem>>, vector<1x16xf32>,
      %broadcast_in_dim3A_152 = arith.constant 0.000000e+00 : f32
      %broadcast_in_dim3A_153 = vector.broadcast %broadcast_in_dim3A_152 : f32 to vector<16xf32>
      %swap3A_154 = arith.index_cast %scan3A_111 : i32 to index
      %swap3A_155 = arith.constant 96 : index
      %swap3A_156 = tpu.vector_load %arg7[%swap3A_154, %swap3A_155] {strides = array<i32>} : memref<80x128xf32, #tpu.memory_space<vmem>>, vector<1x16xf32>,
      %swap3A_157 = vector.shape_cast %swap3A_156 : vector<1x16xf32> to vector<16xf32>
      %swap3A_158 = vector.shape_cast %broadcast_in_dim3A_153 : vector<16xf32> to vector<1x16xf32>
      tpu.vector_store %arg7[%swap3A_154, %swap3A_155], %swap3A_158 {strides = array<i32>} : memref<80x128xf32, #tpu.memory_space<vmem>>, vector<1x16xf32>,
      %broadcast_in_dim3A_159 = arith.constant 0.000000e+00 : f32
      %broadcast_in_dim3A_160 = vector.broadcast %broadcast_in_dim3A_159 : f32 to vector<16xf32>
      %swap3A_161 = arith.index_cast %scan3A_111 : i32 to index
      %swap3A_162 = arith.constant 112 : index
      %swap3A_163 = tpu.vector_load %arg7[%swap3A_161, %swap3A_162] {strides = array<i32>} : memref<80x128xf32, #tpu.memory_space<vmem>>, vector<1x16xf32>,
      %swap3A_164 = vector.shape_cast %swap3A_163 : vector<1x16xf32> to vector<16xf32>
      %swap3A_165 = vector.shape_cast %broadcast_in_dim3A_160 : vector<16xf32> to vector<1x16xf32>
      tpu.vector_store %arg7[%swap3A_161, %swap3A_162], %swap3A_165 {strides = array<i32>} : memref<80x128xf32, #tpu.memory_space<vmem>>, vector<1x16xf32>,
    }
    %scan3A_16 = arith.constant 80 : i32
    %mul3A_17 = arith.constant 625 : i32
    %mul3A_18 = arith.muli %arg1, %mul3A_17 : i32
    %add3A_19 = arith.constant 0 : i32
    %add3A_20 = arith.addi %mul3A_18, %add3A_19 : i32
    "tpu.region"() ({
      %run_scoped3A_111 = tpu.sem_alloc : memref<!tpu.dma_semaphore, #tpu.memory_space<semaphore_mem>>
      %dma_start3A_112 = arith.constant 0 : i32
      %dma_start3A_113 = tpu.memref_slice %arg9[%add3A_20, %dma_start3A_112] : memref<10000x128xf32, #tpu.memory_space<vmem_shared>> -> memref<80x128xf32, #tpu.memory_space<vmem_shared>>
      %dma_start3A_114 = arith.constant 0 : i32
      %dma_start3A_115 = tpu.memref_slice %arg9[%add3A_20, %dma_start3A_114] : memref<10000x128xf32, #tpu.memory_space<vmem_shared>> -> memref<80x128xf32, #tpu.memory_space<vmem_shared>>
      tpu.enqueue_dma source(%arg7 : memref<80x128xf32, #tpu.memory_space<vmem>>) target(%dma_start3A_115 : memref<80x128xf32, #tpu.memory_space<vmem_shared>>) target_semaphore(%run_scoped3A_111 : memref<!tpu.dma_semaphore, #tpu.memory_space<semaphore_mem>>)
      %dma_wait3A_116 = arith.constant 0 : i32
      %dma_wait3A_117 = tpu.memref_slice %arg9[%add3A_20, %dma_wait3A_116] : memref<10000x128xf32, #tpu.memory_space<vmem_shared>> -> memref<80x128xf32, #tpu.memory_space<vmem_shared>>
      %dma_wait3A_118 = arith.constant 0 : i32
      %dma_wait3A_119 = tpu.memref_slice %arg9[%add3A_20, %dma_wait3A_118] : memref<10000x128xf32, #tpu.memory_space<vmem_shared>> -> memref<80x128xf32, #tpu.memory_space<vmem_shared>>
      tpu.wait_dma2 semaphore(%run_scoped3A_111 : memref<!tpu.dma_semaphore, #tpu.memory_space<semaphore_mem>>) src(%arg7 : memref<80x128xf32, #tpu.memory_space<vmem>>) dst(%dma_wait3A_119 : memref<80x128xf32, #tpu.memory_space<vmem_shared>>)
      tpu.yield
    }) : () -> ()
    %mul3A_21 = arith.constant 625 : i32
    %mul3A_22 = arith.muli %arg1, %mul3A_21 : i32
    %add3A_23 = arith.constant 80 : i32
    %add3A_24 = arith.addi %mul3A_22, %add3A_23 : i32
    "tpu.region"() ({
      %run_scoped3A_111 = tpu.sem_alloc : memref<!tpu.dma_semaphore, #tpu.memory_space<semaphore_mem>>
      %dma_start3A_112 = arith.constant 0 : i32
      %dma_start3A_113 = tpu.memref_slice %arg9[%add3A_24, %dma_start3A_112] : memref<10000x128xf32, #tpu.memory_space<vmem_shared>> -> memref<80x128xf32, #tpu.memory_space<vmem_shared>>
      %dma_start3A_114 = arith.constant 0 : i32
      %dma_start3A_115 = tpu.memref_slice %arg9[%add3A_24, %dma_start3A_114] : memref<10000x128xf32, #tpu.memory_space<vmem_shared>> -> memref<80x128xf32, #tpu.memory_space<vmem_shared>>
      tpu.enqueue_dma source(%arg7 : memref<80x128xf32, #tpu.memory_space<vmem>>) target(%dma_start3A_115 : memref<80x128xf32, #tpu.memory_space<vmem_shared>>) target_semaphore(%run_scoped3A_111 : memref<!tpu.dma_semaphore, #tpu.memory_space<semaphore_mem>>)
      %dma_wait3A_116 = arith.constant 0 : i32
      %dma_wait3A_117 = tpu.memref_slice %arg9[%add3A_24, %dma_wait3A_116] : memref<10000x128xf32, #tpu.memory_space<vmem_shared>> -> memref<80x128xf32, #tpu.memory_space<vmem_shared>>
      %dma_wait3A_118 = arith.constant 0 : i32
      %dma_wait3A_119 = tpu.memref_slice %arg9[%add3A_24, %dma_wait3A_118] : memref<10000x128xf32, #tpu.memory_space<vmem_shared>> -> memref<80x128xf32, #tpu.memory_space<vmem_shared>>
      tpu.wait_dma2 semaphore(%run_scoped3A_111 : memref<!tpu.dma_semaphore, #tpu.memory_space<semaphore_mem>>) src(%arg7 : memref<80x128xf32, #tpu.memory_space<vmem>>) dst(%dma_wait3A_119 : memref<80x128xf32, #tpu.memory_space<vmem_shared>>)
      tpu.yield
    }) : () -> ()
    %mul3A_25 = arith.constant 625 : i32
    %mul3A_26 = arith.muli %arg1, %mul3A_25 : i32
    %add3A_27 = arith.constant 160 : i32
    %add3A_28 = arith.addi %mul3A_26, %add3A_27 : i32
    "tpu.region"() ({
      %run_scoped3A_111 = tpu.sem_alloc : memref<!tpu.dma_semaphore, #tpu.memory_space<semaphore_mem>>
      %dma_start3A_112 = arith.constant 0 : i32
      %dma_start3A_113 = tpu.memref_slice %arg9[%add3A_28, %dma_start3A_112] : memref<10000x128xf32, #tpu.memory_space<vmem_shared>> -> memref<80x128xf32, #tpu.memory_space<vmem_shared>>
      %dma_start3A_114 = arith.constant 0 : i32
      %dma_start3A_115 = tpu.memref_slice %arg9[%add3A_28, %dma_start3A_114] : memref<10000x128xf32, #tpu.memory_space<vmem_shared>> -> memref<80x128xf32, #tpu.memory_space<vmem_shared>>
      tpu.enqueue_dma source(%arg7 : memref<80x128xf32, #tpu.memory_space<vmem>>) target(%dma_start3A_115 : memref<80x128xf32, #tpu.memory_space<vmem_shared>>) target_semaphore(%run_scoped3A_111 : memref<!tpu.dma_semaphore, #tpu.memory_space<semaphore_mem>>)
      %dma_wait3A_116 = arith.constant 0 : i32
      %dma_wait3A_117 = tpu.memref_slice %arg9[%add3A_28, %dma_wait3A_116] : memref<10000x128xf32, #tpu.memory_space<vmem_shared>> -> memref<80x128xf32, #tpu.memory_space<vmem_shared>>
      %dma_wait3A_118 = arith.constant 0 : i32
      %dma_wait3A_119 = tpu.memref_slice %arg9[%add3A_28, %dma_wait3A_118] : memref<10000x128xf32, #tpu.memory_space<vmem_shared>> -> memref<80x128xf32, #tpu.memory_space<vmem_shared>>
      tpu.wait_dma2 semaphore(%run_scoped3A_111 : memref<!tpu.dma_semaphore, #tpu.memory_space<semaphore_mem>>) src(%arg7 : memref<80x128xf32, #tpu.memory_space<vmem>>) dst(%dma_wait3A_119 : memref<80x128xf32, #tpu.memory_space<vmem_shared>>)
      tpu.yield
    }) : () -> ()
    %mul3A_29 = arith.constant 625 : i32
    %mul3A_30 = arith.muli %arg1, %mul3A_29 : i32
    %add3A_31 = arith.constant 240 : i32
    %add3A_32 = arith.addi %mul3A_30, %add3A_31 : i32
    "tpu.region"() ({
      %run_scoped3A_111 = tpu.sem_alloc : memref<!tpu.dma_semaphore, #tpu.memory_space<semaphore_mem>>
      %dma_start3A_112 = arith.constant 0 : i32
      %dma_start3A_113 = tpu.memref_slice %arg9[%add3A_32, %dma_start3A_112] : memref<10000x128xf32, #tpu.memory_space<vmem_shared>> -> memref<80x128xf32, #tpu.memory_space<vmem_shared>>
      %dma_start3A_114 = arith.constant 0 : i32
      %dma_start3A_115 = tpu.memref_slice %arg9[%add3A_32, %dma_start3A_114] : memref<10000x128xf32, #tpu.memory_space<vmem_shared>> -> memref<80x128xf32, #tpu.memory_space<vmem_shared>>
      tpu.enqueue_dma source(%arg7 : memref<80x128xf32, #tpu.memory_space<vmem>>) target(%dma_start3A_115 : memref<80x128xf32, #tpu.memory_space<vmem_shared>>) target_semaphore(%run_scoped3A_111 : memref<!tpu.dma_semaphore, #tpu.memory_space<semaphore_mem>>)
      %dma_wait3A_116 = arith.constant 0 : i32
      %dma_wait3A_117 = tpu.memref_slice %arg9[%add3A_32, %dma_wait3A_116] : memref<10000x128xf32, #tpu.memory_space<vmem_shared>> -> memref<80x128xf32, #tpu.memory_space<vmem_shared>>
      %dma_wait3A_118 = arith.constant 0 : i32
      %dma_wait3A_119 = tpu.memref_slice %arg9[%add3A_32, %dma_wait3A_118] : memref<10000x128xf32, #tpu.memory_space<vmem_shared>> -> memref<80x128xf32, #tpu.memory_space<vmem_shared>>
      tpu.wait_dma2 semaphore(%run_scoped3A_111 : memref<!tpu.dma_semaphore, #tpu.memory_space<semaphore_mem>>) src(%arg7 : memref<80x128xf32, #tpu.memory_space<vmem>>) dst(%dma_wait3A_119 : memref<80x128xf32, #tpu.memory_space<vmem_shared>>)
      tpu.yield
    }) : () -> ()
    %mul3A_33 = arith.constant 625 : i32
    %mul3A_34 = arith.muli %arg1, %mul3A_33 : i32
    %add3A_35 = arith.constant 320 : i32
    %add3A_36 = arith.addi %mul3A_34, %add3A_35 : i32
    "tpu.region"() ({
      %run_scoped3A_111 = tpu.sem_alloc : memref<!tpu.dma_semaphore, #tpu.memory_space<semaphore_mem>>
      %dma_start3A_112 = arith.constant 0 : i32
      %dma_start3A_113 = tpu.memref_slice %arg9[%add3A_36, %dma_start3A_112] : memref<10000x128xf32, #tpu.memory_space<vmem_shared>> -> memref<80x128xf32, #tpu.memory_space<vmem_shared>>
      %dma_start3A_114 = arith.constant 0 : i32
      %dma_start3A_115 = tpu.memref_slice %arg9[%add3A_36, %dma_start3A_114] : memref<10000x128xf32, #tpu.memory_space<vmem_shared>> -> memref<80x128xf32, #tpu.memory_space<vmem_shared>>
      tpu.enqueue_dma source(%arg7 : memref<80x128xf32, #tpu.memory_space<vmem>>) target(%dma_start3A_115 : memref<80x128xf32, #tpu.memory_space<vmem_shared>>) target_semaphore(%run_scoped3A_111 : memref<!tpu.dma_semaphore, #tpu.memory_space<semaphore_mem>>)
      %dma_wait3A_116 = arith.constant 0 : i32
      %dma_wait3A_117 = tpu.memref_slice %arg9[%add3A_36, %dma_wait3A_116] : memref<10000x128xf32, #tpu.memory_space<vmem_shared>> -> memref<80x128xf32, #tpu.memory_space<vmem_shared>>
      %dma_wait3A_118 = arith.constant 0 : i32
      %dma_wait3A_119 = tpu.memref_slice %arg9[%add3A_36, %dma_wait3A_118] : memref<10000x128xf32, #tpu.memory_space<vmem_shared>> -> memref<80x128xf32, #tpu.memory_space<vmem_shared>>
      tpu.wait_dma2 semaphore(%run_scoped3A_111 : memref<!tpu.dma_semaphore, #tpu.memory_space<semaphore_mem>>) src(%arg7 : memref<80x128xf32, #tpu.memory_space<vmem>>) dst(%dma_wait3A_119 : memref<80x128xf32, #tpu.memory_space<vmem_shared>>)
      tpu.yield
    }) : () -> ()
    %mul3A_37 = arith.constant 625 : i32
    %mul3A_38 = arith.muli %arg1, %mul3A_37 : i32
    %add3A_39 = arith.constant 400 : i32
    %add3A_40 = arith.addi %mul3A_38, %add3A_39 : i32
    "tpu.region"() ({
      %run_scoped3A_111 = tpu.sem_alloc : memref<!tpu.dma_semaphore, #tpu.memory_space<semaphore_mem>>
      %dma_start3A_112 = arith.constant 0 : i32
      %dma_start3A_113 = tpu.memref_slice %arg9[%add3A_40, %dma_start3A_112] : memref<10000x128xf32, #tpu.memory_space<vmem_shared>> -> memref<80x128xf32, #tpu.memory_space<vmem_shared>>
      %dma_start3A_114 = arith.constant 0 : i32
      %dma_start3A_115 = tpu.memref_slice %arg9[%add3A_40, %dma_start3A_114] : memref<10000x128xf32, #tpu.memory_space<vmem_shared>> -> memref<80x128xf32, #tpu.memory_space<vmem_shared>>
      tpu.enqueue_dma source(%arg7 : memref<80x128xf32, #tpu.memory_space<vmem>>) target(%dma_start3A_115 : memref<80x128xf32, #tpu.memory_space<vmem_shared>>) target_semaphore(%run_scoped3A_111 : memref<!tpu.dma_semaphore, #tpu.memory_space<semaphore_mem>>)
      %dma_wait3A_116 = arith.constant 0 : i32
      %dma_wait3A_117 = tpu.memref_slice %arg9[%add3A_40, %dma_wait3A_116] : memref<10000x128xf32, #tpu.memory_space<vmem_shared>> -> memref<80x128xf32, #tpu.memory_space<vmem_shared>>
      %dma_wait3A_118 = arith.constant 0 : i32
      %dma_wait3A_119 = tpu.memref_slice %arg9[%add3A_40, %dma_wait3A_118] : memref<10000x128xf32, #tpu.memory_space<vmem_shared>> -> memref<80x128xf32, #tpu.memory_space<vmem_shared>>
      tpu.wait_dma2 semaphore(%run_scoped3A_111 : memref<!tpu.dma_semaphore, #tpu.memory_space<semaphore_mem>>) src(%arg7 : memref<80x128xf32, #tpu.memory_space<vmem>>) dst(%dma_wait3A_119 : memref<80x128xf32, #tpu.memory_space<vmem_shared>>)
      tpu.yield
    }) : () -> ()
    %mul3A_41 = arith.constant 625 : i32
    %mul3A_42 = arith.muli %arg1, %mul3A_41 : i32
    %add3A_43 = arith.constant 480 : i32
    %add3A_44 = arith.addi %mul3A_42, %add3A_43 : i32
    "tpu.region"() ({
      %run_scoped3A_111 = tpu.sem_alloc : memref<!tpu.dma_semaphore, #tpu.memory_space<semaphore_mem>>
      %dma_start3A_112 = arith.constant 0 : i32
      %dma_start3A_113 = tpu.memref_slice %arg9[%add3A_44, %dma_start3A_112] : memref<10000x128xf32, #tpu.memory_space<vmem_shared>> -> memref<80x128xf32, #tpu.memory_space<vmem_shared>>
      %dma_start3A_114 = arith.constant 0 : i32
      %dma_start3A_115 = tpu.memref_slice %arg9[%add3A_44, %dma_start3A_114] : memref<10000x128xf32, #tpu.memory_space<vmem_shared>> -> memref<80x128xf32, #tpu.memory_space<vmem_shared>>
      tpu.enqueue_dma source(%arg7 : memref<80x128xf32, #tpu.memory_space<vmem>>) target(%dma_start3A_115 : memref<80x128xf32, #tpu.memory_space<vmem_shared>>) target_semaphore(%run_scoped3A_111 : memref<!tpu.dma_semaphore, #tpu.memory_space<semaphore_mem>>)
      %dma_wait3A_116 = arith.constant 0 : i32
      %dma_wait3A_117 = tpu.memref_slice %arg9[%add3A_44, %dma_wait3A_116] : memref<10000x128xf32, #tpu.memory_space<vmem_shared>> -> memref<80x128xf32, #tpu.memory_space<vmem_shared>>
      %dma_wait3A_118 = arith.constant 0 : i32
      %dma_wait3A_119 = tpu.memref_slice %arg9[%add3A_44, %dma_wait3A_118] : memref<10000x128xf32, #tpu.memory_space<vmem_shared>> -> memref<80x128xf32, #tpu.memory_space<vmem_shared>>
      tpu.wait_dma2 semaphore(%run_scoped3A_111 : memref<!tpu.dma_semaphore, #tpu.memory_space<semaphore_mem>>) src(%arg7 : memref<80x128xf32, #tpu.memory_space<vmem>>) dst(%dma_wait3A_119 : memref<80x128xf32, #tpu.memory_space<vmem_shared>>)
      tpu.yield
    }) : () -> ()
    %mul3A_45 = arith.constant 625 : i32
    %mul3A_46 = arith.muli %arg1, %mul3A_45 : i32
    %add3A_47 = arith.constant 625 : i32
    %add3A_48 = arith.addi %mul3A_46, %add3A_47 : i32
    %sub3A = arith.constant 65 : i32
    %sub3A_49 = arith.subi %add3A_48, %sub3A : i32
    "tpu.region"() ({
      %run_scoped3A_111 = tpu.sem_alloc : memref<!tpu.dma_semaphore, #tpu.memory_space<semaphore_mem>>
      %dma_start3A_112 = arith.constant 0 : i32
      %dma_start3A_113 = arith.constant 0 : i32
      %dma_start3A_114 = tpu.memref_slice %arg7[%dma_start3A_112, %dma_start3A_113] : memref<80x128xf32, #tpu.memory_space<vmem>> -> memref<65x128xf32, #tpu.memory_space<vmem>>
      %dma_start3A_115 = arith.constant 0 : i32
      %dma_start3A_116 = tpu.memref_slice %arg9[%sub3A_49, %dma_start3A_115] : memref<10000x128xf32, #tpu.memory_space<vmem_shared>> -> memref<65x128xf32, #tpu.memory_space<vmem_shared>>
      %dma_start3A_117 = arith.constant 0 : i32
      %dma_start3A_118 = tpu.memref_slice %arg9[%sub3A_49, %dma_start3A_117] : memref<10000x128xf32, #tpu.memory_space<vmem_shared>> -> memref<65x128xf32, #tpu.memory_space<vmem_shared>>
      %dma_start3A_119 = arith.constant 0 : i32
      %dma_start3A_120 = arith.constant 0 : i32
      %dma_start3A_121 = tpu.memref_slice %arg7[%dma_start3A_119, %dma_start3A_120] : memref<80x128xf32, #tpu.memory_space<vmem>> -> memref<65x128xf32, #tpu.memory_space<vmem>>
      tpu.enqueue_dma source(%dma_start3A_121 : memref<65x128xf32, #tpu.memory_space<vmem>>) target(%dma_start3A_118 : memref<65x128xf32, #tpu.memory_space<vmem_shared>>) target_semaphore(%run_scoped3A_111 : memref<!tpu.dma_semaphore, #tpu.memory_space<semaphore_mem>>)
      %dma_wait3A_122 = arith.constant 0 : i32
      %dma_wait3A_123 = arith.constant 0 : i32
      %dma_wait3A_124 = tpu.memref_slice %arg7[%dma_wait3A_122, %dma_wait3A_123] : memref<80x128xf32, #tpu.memory_space<vmem>> -> memref<65x128xf32, #tpu.memory_space<vmem>>
      %dma_wait3A_125 = arith.constant 0 : i32
      %dma_wait3A_126 = tpu.memref_slice %arg9[%sub3A_49, %dma_wait3A_125] : memref<10000x128xf32, #tpu.memory_space<vmem_shared>> -> memref<65x128xf32, #tpu.memory_space<vmem_shared>>
      %dma_wait3A_127 = arith.constant 0 : i32
      %dma_wait3A_128 = tpu.memref_slice %arg9[%sub3A_49, %dma_wait3A_127] : memref<10000x128xf32, #tpu.memory_space<vmem_shared>> -> memref<65x128xf32, #tpu.memory_space<vmem_shared>>
      %dma_wait3A_129 = arith.constant 0 : i32
      %dma_wait3A_130 = arith.constant 0 : i32
      %dma_wait3A_131 = tpu.memref_slice %arg7[%dma_wait3A_129, %dma_wait3A_130] : memref<80x128xf32, #tpu.memory_space<vmem>> -> memref<65x128xf32, #tpu.memory_space<vmem>>
      tpu.wait_dma2 semaphore(%run_scoped3A_111 : memref<!tpu.dma_semaphore, #tpu.memory_space<semaphore_mem>>) src(%dma_wait3A_131 : memref<65x128xf32, #tpu.memory_space<vmem>>) dst(%dma_wait3A_128 : memref<65x128xf32, #tpu.memory_space<vmem_shared>>)
      tpu.yield
    }) : () -> ()
    %barrier3A = arith.constant 0 : index
    tpu.barrier barrier_id(%barrier3A)
    %dma_wait3A = arith.constant 0 : i32
    %dma_wait3A_50 = tpu.memref_slice %arg2[%dma_wait3A, %mul3A_2] : memref<2x320000xi32, #tpu.memory_space<hbm>> -> memref<1x5040xi32, #tpu.memory_space<hbm>>
    %dma_wait3A_51 = tpu.memref_squeeze %dma_wait3A_50 : memref<1x5040xi32, #tpu.memory_space<hbm>> -> memref<5040xi32, #tpu.memory_space<hbm>>
    %dma_wait3A_52 = tpu.memref_slice %arg2[%dma_wait3A, %mul3A_2] : memref<2x320000xi32, #tpu.memory_space<hbm>> -> memref<1x5040xi32, #tpu.memory_space<hbm>>
    %dma_wait3A_53 = tpu.memref_squeeze %dma_wait3A_52 : memref<1x5040xi32, #tpu.memory_space<hbm>> -> memref<5040xi32, #tpu.memory_space<hbm>>
    tpu.wait_dma2 semaphore(%arg12 : memref<!tpu.dma_semaphore, #tpu.memory_space<semaphore_mem>>) src(%dma_wait3A_53 : memref<5040xi32, #tpu.memory_space<hbm>>) dst(%arg5 : memref<5040xi32, #tpu.memory_space<vmem>>)
    %dma_wait3A_54 = arith.constant 1 : i32
    %dma_wait3A_55 = tpu.memref_slice %arg2[%dma_wait3A_54, %mul3A_2] : memref<2x320000xi32, #tpu.memory_space<hbm>> -> memref<1x5040xi32, #tpu.memory_space<hbm>>
    %dma_wait3A_56 = tpu.memref_squeeze %dma_wait3A_55 : memref<1x5040xi32, #tpu.memory_space<hbm>> -> memref<5040xi32, #tpu.memory_space<hbm>>
    %dma_wait3A_57 = tpu.memref_slice %arg2[%dma_wait3A_54, %mul3A_2] : memref<2x320000xi32, #tpu.memory_space<hbm>> -> memref<1x5040xi32, #tpu.memory_space<hbm>>
    %dma_wait3A_58 = tpu.memref_squeeze %dma_wait3A_57 : memref<1x5040xi32, #tpu.memory_space<hbm>> -> memref<5040xi32, #tpu.memory_space<hbm>>
    tpu.wait_dma2 semaphore(%arg13 : memref<!tpu.dma_semaphore, #tpu.memory_space<semaphore_mem>>) src(%dma_wait3A_58 : memref<5040xi32, #tpu.memory_space<hbm>>) dst(%arg6 : memref<5040xi32, #tpu.memory_space<vmem>>)
    %dma_start3A_59 = arith.constant 0 : i32
    %dma_start3A_60 = tpu.memref_slice %arg5[%dma_start3A_59] : memref<5040xi32, #tpu.memory_space<vmem>> -> memref<80xi32, #tpu.memory_space<vmem>>
    %dma_start3A_61 = arith.constant 0 : i32
    %dma_start3A_62 = arith.constant 0 : i32
    %dma_start3A_63 = tpu.memref_slice %arg3[%dma_start3A_61, %dma_start3A_62] : memref<10000x128xf32, #tpu.memory_space<hbm>> -> memref<10000x128xf32, #tpu.memory_space<hbm>>
    tpu.enqueue_indirect_dma source(%dma_start3A_63 : memref<10000x128xf32, #tpu.memory_space<hbm>>) target(%arg7 : memref<80x128xf32, #tpu.memory_space<vmem>>) offsets(%dma_start3A_60 : memref<80xi32, #tpu.memory_space<vmem>>) semaphore(%arg10 : memref<!tpu.dma_semaphore, #tpu.memory_space<semaphore_mem>>)
    %scan3A_64 = arith.constant 0 : i32
    %scan3A_65 = arith.constant 0 : i32
    %scan3A_66 = arith.constant 31 : i32
    %scan3A_67 = arith.addi %scan3A_65, %scan3A_66 : i32
    %scan3A_68 = arith.constant 1 : i32
    scf.for %scan3A_111 = %scan3A_65 to %scan3A_67 step %scan3A_68  : i32 {
      %mul3A_112 = arith.constant 2 : i32
      %mul3A_113 = arith.muli %mul3A_112, %scan3A_111 : i32
      %add3A_114 = arith.constant 1 : i32
      %add3A_115 = arith.addi %mul3A_113, %add3A_114 : i32
      %mul3A_116 = arith.constant 80 : i32
      %mul3A_117 = arith.muli %add3A_115, %mul3A_116 : i32
      %dma_start3A_118 = tpu.memref_slice %arg5[%mul3A_117] : memref<5040xi32, #tpu.memory_space<vmem>> -> memref<80xi32, #tpu.memory_space<vmem>>
      %dma_start3A_119 = arith.constant 0 : i32
      %dma_start3A_120 = arith.constant 0 : i32
      %dma_start3A_121 = tpu.memref_slice %arg3[%dma_start3A_119, %dma_start3A_120] : memref<10000x128xf32, #tpu.memory_space<hbm>> -> memref<10000x128xf32, #tpu.memory_space<hbm>>
      tpu.enqueue_indirect_dma source(%dma_start3A_121 : memref<10000x128xf32, #tpu.memory_space<hbm>>) target(%arg8 : memref<80x128xf32, #tpu.memory_space<vmem>>) offsets(%dma_start3A_118 : memref<80xi32, #tpu.memory_space<vmem>>) semaphore(%arg11 : memref<!tpu.dma_semaphore, #tpu.memory_space<semaphore_mem>>)
      %dma_wait3A_122 = arith.constant 0 : i32
      %dma_wait3A_123 = tpu.memref_slice %arg5[%dma_wait3A_122] : memref<5040xi32, #tpu.memory_space<vmem>> -> memref<80xi32, #tpu.memory_space<vmem>>
      %dma_wait3A_124 = arith.constant 0 : i32
      %dma_wait3A_125 = arith.constant 0 : i32
      %dma_wait3A_126 = tpu.memref_slice %arg3[%dma_wait3A_124, %dma_wait3A_125] : memref<10000x128xf32, #tpu.memory_space<hbm>> -> memref<10000x128xf32, #tpu.memory_space<hbm>>
      tpu.wait_indirect_dma semaphore(%arg10 : memref<!tpu.dma_semaphore, #tpu.memory_space<semaphore_mem>>) src(%dma_wait3A_126 : memref<10000x128xf32, #tpu.memory_space<hbm>>) dst(%arg7 : memref<80x128xf32, #tpu.memory_space<vmem>>)
      %mul3A_127 = arith.constant 80 : i32
      %mul3A_128 = arith.muli %mul3A_113, %mul3A_127 : i32
      "tpu.region"() ({
        %run_scoped3A_146 = tpu.sem_alloc : memref<!tpu.dma_semaphore, #tpu.memory_space<semaphore_mem>>
        %dma_start3A_147 = tpu.memref_slice %arg6[%mul3A_128] : memref<5040xi32, #tpu.memory_space<vmem>> -> memref<80xi32, #tpu.memory_space<vmem>>
        %dma_start3A_148 = arith.constant 0 : i32
        %dma_start3A_149 = arith.constant 0 : i32
        %dma_start3A_150 = tpu.memref_slice %arg9[%dma_start3A_148, %dma_start3A_149] : memref<10000x128xf32, #tpu.memory_space<vmem_shared>> -> memref<10000x128xf32, #tpu.memory_space<vmem_shared>>
        tpu.enqueue_indirect_dma source(%arg7 : memref<80x128xf32, #tpu.memory_space<vmem>>) target(%dma_start3A_150 : memref<10000x128xf32, #tpu.memory_space<vmem_shared>>) offsets(%dma_start3A_147 : memref<80xi32, #tpu.memory_space<vmem>>) semaphore(%run_scoped3A_146 : memref<!tpu.dma_semaphore, #tpu.memory_space<semaphore_mem>>) {add = true}
        %dma_wait3A_151 = tpu.memref_slice %arg6[%mul3A_128] : memref<5040xi32, #tpu.memory_space<vmem>> -> memref<80xi32, #tpu.memory_space<vmem>>
        %dma_wait3A_152 = arith.constant 0 : i32
        %dma_wait3A_153 = arith.constant 0 : i32
        %dma_wait3A_154 = tpu.memref_slice %arg9[%dma_wait3A_152, %dma_wait3A_153] : memref<10000x128xf32, #tpu.memory_space<vmem_shared>> -> memref<10000x128xf32, #tpu.memory_space<vmem_shared>>
        tpu.wait_indirect_dma semaphore(%run_scoped3A_146 : memref<!tpu.dma_semaphore, #tpu.memory_space<semaphore_mem>>) src(%arg7 : memref<80x128xf32, #tpu.memory_space<vmem>>) dst(%dma_wait3A_154 : memref<10000x128xf32, #tpu.memory_space<vmem_shared>>)
        tpu.yield
      }) : () -> ()
      %add3A_129 = arith.constant 2 : i32
      %add3A_130 = arith.addi %mul3A_113, %add3A_129 : i32
      %mul3A_131 = arith.constant 80 : i32
      %mul3A_132 = arith.muli %add3A_130, %mul3A_131 : i32
      %dma_start3A_133 = tpu.memref_slice %arg5[%mul3A_132] : memref<5040xi32, #tpu.memory_space<vmem>> -> memref<80xi32, #tpu.memory_space<vmem>>
      %dma_start3A_134 = arith.constant 0 : i32
      %dma_start3A_135 = arith.constant 0 : i32
      %dma_start3A_136 = tpu.memref_slice %arg3[%dma_start3A_134, %dma_start3A_135] : memref<10000x128xf32, #tpu.memory_space<hbm>> -> memref<10000x128xf32, #tpu.memory_space<hbm>>
      tpu.enqueue_indirect_dma source(%dma_start3A_136 : memref<10000x128xf32, #tpu.memory_space<hbm>>) target(%arg7 : memref<80x128xf32, #tpu.memory_space<vmem>>) offsets(%dma_start3A_133 : memref<80xi32, #tpu.memory_space<vmem>>) semaphore(%arg10 : memref<!tpu.dma_semaphore, #tpu.memory_space<semaphore_mem>>)
      %dma_wait3A_137 = arith.constant 0 : i32
      %dma_wait3A_138 = tpu.memref_slice %arg5[%dma_wait3A_137] : memref<5040xi32, #tpu.memory_space<vmem>> -> memref<80xi32, #tpu.memory_space<vmem>>
      %dma_wait3A_139 = arith.constant 0 : i32
      %dma_wait3A_140 = arith.constant 0 : i32
      %dma_wait3A_141 = tpu.memref_slice %arg3[%dma_wait3A_139, %dma_wait3A_140] : memref<10000x128xf32, #tpu.memory_space<hbm>> -> memref<10000x128xf32, #tpu.memory_space<hbm>>
      tpu.wait_indirect_dma semaphore(%arg11 : memref<!tpu.dma_semaphore, #tpu.memory_space<semaphore_mem>>) src(%dma_wait3A_141 : memref<10000x128xf32, #tpu.memory_space<hbm>>) dst(%arg8 : memref<80x128xf32, #tpu.memory_space<vmem>>)
      %add3A_142 = arith.constant 1 : i32
      %add3A_143 = arith.addi %mul3A_113, %add3A_142 : i32
      %mul3A_144 = arith.constant 80 : i32
      %mul3A_145 = arith.muli %add3A_143, %mul3A_144 : i32
      "tpu.region"() ({
        %run_scoped3A_146 = tpu.sem_alloc : memref<!tpu.dma_semaphore, #tpu.memory_space<semaphore_mem>>
        %dma_start3A_147 = tpu.memref_slice %arg6[%mul3A_145] : memref<5040xi32, #tpu.memory_space<vmem>> -> memref<80xi32, #tpu.memory_space<vmem>>
        %dma_start3A_148 = arith.constant 0 : i32
        %dma_start3A_149 = arith.constant 0 : i32
        %dma_start3A_150 = tpu.memref_slice %arg9[%dma_start3A_148, %dma_start3A_149] : memref<10000x128xf32, #tpu.memory_space<vmem_shared>> -> memref<10000x128xf32, #tpu.memory_space<vmem_shared>>
        tpu.enqueue_indirect_dma source(%arg8 : memref<80x128xf32, #tpu.memory_space<vmem>>) target(%dma_start3A_150 : memref<10000x128xf32, #tpu.memory_space<vmem_shared>>) offsets(%dma_start3A_147 : memref<80xi32, #tpu.memory_space<vmem>>) semaphore(%run_scoped3A_146 : memref<!tpu.dma_semaphore, #tpu.memory_space<semaphore_mem>>) {add = true}
        %dma_wait3A_151 = tpu.memref_slice %arg6[%mul3A_145] : memref<5040xi32, #tpu.memory_space<vmem>> -> memref<80xi32, #tpu.memory_space<vmem>>
        %dma_wait3A_152 = arith.constant 0 : i32
        %dma_wait3A_153 = arith.constant 0 : i32
        %dma_wait3A_154 = tpu.memref_slice %arg9[%dma_wait3A_152, %dma_wait3A_153] : memref<10000x128xf32, #tpu.memory_space<vmem_shared>> -> memref<10000x128xf32, #tpu.memory_space<vmem_shared>>
        tpu.wait_indirect_dma semaphore(%run_scoped3A_146 : memref<!tpu.dma_semaphore, #tpu.memory_space<semaphore_mem>>) src(%arg8 : memref<80x128xf32, #tpu.memory_space<vmem>>) dst(%dma_wait3A_154 : memref<10000x128xf32, #tpu.memory_space<vmem_shared>>)
        tpu.yield
      }) : () -> ()
    }
    %scan3A_69 = arith.constant 31 : i32
    %dma_wait3A_70 = arith.constant 0 : i32
    %dma_wait3A_71 = tpu.memref_slice %arg5[%dma_wait3A_70] : memref<5040xi32, #tpu.memory_space<vmem>> -> memref<80xi32, #tpu.memory_space<vmem>>
    %dma_wait3A_72 = arith.constant 0 : i32
    %dma_wait3A_73 = arith.constant 0 : i32
    %dma_wait3A_74 = tpu.memref_slice %arg3[%dma_wait3A_72, %dma_wait3A_73] : memref<10000x128xf32, #tpu.memory_space<hbm>> -> memref<10000x128xf32, #tpu.memory_space<hbm>>
    tpu.wait_indirect_dma semaphore(%arg10 : memref<!tpu.dma_semaphore, #tpu.memory_space<semaphore_mem>>) src(%dma_wait3A_74 : memref<10000x128xf32, #tpu.memory_space<hbm>>) dst(%arg7 : memref<80x128xf32, #tpu.memory_space<vmem>>)
    "tpu.region"() ({
      %run_scoped3A_111 = tpu.sem_alloc : memref<!tpu.dma_semaphore, #tpu.memory_space<semaphore_mem>>
      %dma_start3A_112 = arith.constant 4960 : i32
      %dma_start3A_113 = tpu.memref_slice %arg6[%dma_start3A_112] : memref<5040xi32, #tpu.memory_space<vmem>> -> memref<80xi32, #tpu.memory_space<vmem>>
      %dma_start3A_114 = arith.constant 0 : i32
      %dma_start3A_115 = arith.constant 0 : i32
      %dma_start3A_116 = tpu.memref_slice %arg9[%dma_start3A_114, %dma_start3A_115] : memref<10000x128xf32, #tpu.memory_space<vmem_shared>> -> memref<10000x128xf32, #tpu.memory_space<vmem_shared>>
      tpu.enqueue_indirect_dma source(%arg7 : memref<80x128xf32, #tpu.memory_space<vmem>>) target(%dma_start3A_116 : memref<10000x128xf32, #tpu.memory_space<vmem_shared>>) offsets(%dma_start3A_113 : memref<80xi32, #tpu.memory_space<vmem>>) semaphore(%run_scoped3A_111 : memref<!tpu.dma_semaphore, #tpu.memory_space<semaphore_mem>>) {add = true}
      %dma_wait3A_117 = arith.constant 4960 : i32
      %dma_wait3A_118 = tpu.memref_slice %arg6[%dma_wait3A_117] : memref<5040xi32, #tpu.memory_space<vmem>> -> memref<80xi32, #tpu.memory_space<vmem>>
      %dma_wait3A_119 = arith.constant 0 : i32
      %dma_wait3A_120 = arith.constant 0 : i32
      %dma_wait3A_121 = tpu.memref_slice %arg9[%dma_wait3A_119, %dma_wait3A_120] : memref<10000x128xf32, #tpu.memory_space<vmem_shared>> -> memref<10000x128xf32, #tpu.memory_space<vmem_shared>>
      tpu.wait_indirect_dma semaphore(%run_scoped3A_111 : memref<!tpu.dma_semaphore, #tpu.memory_space<semaphore_mem>>) src(%arg7 : memref<80x128xf32, #tpu.memory_space<vmem>>) dst(%dma_wait3A_121 : memref<10000x128xf32, #tpu.memory_space<vmem_shared>>)
      tpu.yield
    }) : () -> ()
    %add3A_75 = arith.constant 5040 : i32
    %add3A_76 = arith.addi %mul3A_2, %add3A_75 : i32
    %run_scoped3A = arith.constant 0 : i32
    "tpu.region"() ({
      %run_scoped3A_111 = tpu.sem_alloc : memref<!tpu.dma_semaphore, #tpu.memory_space<semaphore_mem>>
      %dma_start3A_112 = arith.constant 0 : i32
      %dma_start3A_113 = tpu.memref_slice %arg5[%dma_start3A_112] : memref<5040xi32, #tpu.memory_space<vmem>> -> memref<4960xi32, #tpu.memory_space<vmem>>
      %dma_start3A_114 = tpu.memref_slice %arg2[%run_scoped3A, %add3A_76] : memref<2x320000xi32, #tpu.memory_space<hbm>> -> memref<1x4960xi32, #tpu.memory_space<hbm>>
      %dma_start3A_115 = tpu.memref_squeeze %dma_start3A_114 : memref<1x4960xi32, #tpu.memory_space<hbm>> -> memref<4960xi32, #tpu.memory_space<hbm>>
      %dma_start3A_116 = arith.constant 0 : i32
      %dma_start3A_117 = tpu.memref_slice %arg5[%dma_start3A_116] : memref<5040xi32, #tpu.memory_space<vmem>> -> memref<4960xi32, #tpu.memory_space<vmem>>
      %dma_start3A_118 = tpu.memref_slice %arg2[%run_scoped3A, %add3A_76] : memref<2x320000xi32, #tpu.memory_space<hbm>> -> memref<1x4960xi32, #tpu.memory_space<hbm>>
      %dma_start3A_119 = tpu.memref_squeeze %dma_start3A_118 : memref<1x4960xi32, #tpu.memory_space<hbm>> -> memref<4960xi32, #tpu.memory_space<hbm>>
      tpu.enqueue_dma source(%dma_start3A_119 : memref<4960xi32, #tpu.memory_space<hbm>>) target(%dma_start3A_117 : memref<4960xi32, #tpu.memory_space<vmem>>) target_semaphore(%run_scoped3A_111 : memref<!tpu.dma_semaphore, #tpu.memory_space<semaphore_mem>>)
      %dma_wait3A_120 = arith.constant 0 : i32
      %dma_wait3A_121 = tpu.memref_slice %arg5[%dma_wait3A_120] : memref<5040xi32, #tpu.memory_space<vmem>> -> memref<4960xi32, #tpu.memory_space<vmem>>
      %dma_wait3A_122 = tpu.memref_slice %arg2[%run_scoped3A, %add3A_76] : memref<2x320000xi32, #tpu.memory_space<hbm>> -> memref<1x4960xi32, #tpu.memory_space<hbm>>
      %dma_wait3A_123 = tpu.memref_squeeze %dma_wait3A_122 : memref<1x4960xi32, #tpu.memory_space<hbm>> -> memref<4960xi32, #tpu.memory_space<hbm>>
      %dma_wait3A_124 = arith.constant 0 : i32
      %dma_wait3A_125 = tpu.memref_slice %arg5[%dma_wait3A_124] : memref<5040xi32, #tpu.memory_space<vmem>> -> memref<4960xi32, #tpu.memory_space<vmem>>
      %dma_wait3A_126 = tpu.memref_slice %arg2[%run_scoped3A, %add3A_76] : memref<2x320000xi32, #tpu.memory_space<hbm>> -> memref<1x4960xi32, #tpu.memory_space<hbm>>
      %dma_wait3A_127 = tpu.memref_squeeze %dma_wait3A_126 : memref<1x4960xi32, #tpu.memory_space<hbm>> -> memref<4960xi32, #tpu.memory_space<hbm>>
      tpu.wait_dma2 semaphore(%run_scoped3A_111 : memref<!tpu.dma_semaphore, #tpu.memory_space<semaphore_mem>>) src(%dma_wait3A_127 : memref<4960xi32, #tpu.memory_space<hbm>>) dst(%dma_wait3A_125 : memref<4960xi32, #tpu.memory_space<vmem>>)
      tpu.yield
    }) : () -> ()
    %add3A_77 = arith.constant 5040 : i32
    %add3A_78 = arith.addi %mul3A_2, %add3A_77 : i32
    %run_scoped3A_79 = arith.constant 1 : i32
    "tpu.region"() ({
      %run_scoped3A_111 = tpu.sem_alloc : memref<!tpu.dma_semaphore, #tpu.memory_space<semaphore_mem>>
      %dma_start3A_112 = arith.constant 0 : i32
      %dma_start3A_113 = tpu.memref_slice %arg6[%dma_start3A_112] : memref<5040xi32, #tpu.memory_space<vmem>> -> memref<4960xi32, #tpu.memory_space<vmem>>
      %dma_start3A_114 = tpu.memref_slice %arg2[%run_scoped3A_79, %add3A_78] : memref<2x320000xi32, #tpu.memory_space<hbm>> -> memref<1x4960xi32, #tpu.memory_space<hbm>>
      %dma_start3A_115 = tpu.memref_squeeze %dma_start3A_114 : memref<1x4960xi32, #tpu.memory_space<hbm>> -> memref<4960xi32, #tpu.memory_space<hbm>>
      %dma_start3A_116 = arith.constant 0 : i32
      %dma_start3A_117 = tpu.memref_slice %arg6[%dma_start3A_116] : memref<5040xi32, #tpu.memory_space<vmem>> -> memref<4960xi32, #tpu.memory_space<vmem>>
      %dma_start3A_118 = tpu.memref_slice %arg2[%run_scoped3A_79, %add3A_78] : memref<2x320000xi32, #tpu.memory_space<hbm>> -> memref<1x4960xi32, #tpu.memory_space<hbm>>
      %dma_start3A_119 = tpu.memref_squeeze %dma_start3A_118 : memref<1x4960xi32, #tpu.memory_space<hbm>> -> memref<4960xi32, #tpu.memory_space<hbm>>
      tpu.enqueue_dma source(%dma_start3A_119 : memref<4960xi32, #tpu.memory_space<hbm>>) target(%dma_start3A_117 : memref<4960xi32, #tpu.memory_space<vmem>>) target_semaphore(%run_scoped3A_111 : memref<!tpu.dma_semaphore, #tpu.memory_space<semaphore_mem>>)
      %dma_wait3A_120 = arith.constant 0 : i32
      %dma_wait3A_121 = tpu.memref_slice %arg6[%dma_wait3A_120] : memref<5040xi32, #tpu.memory_space<vmem>> -> memref<4960xi32, #tpu.memory_space<vmem>>
      %dma_wait3A_122 = tpu.memref_slice %arg2[%run_scoped3A_79, %add3A_78] : memref<2x320000xi32, #tpu.memory_space<hbm>> -> memref<1x4960xi32, #tpu.memory_space<hbm>>
      %dma_wait3A_123 = tpu.memref_squeeze %dma_wait3A_122 : memref<1x4960xi32, #tpu.memory_space<hbm>> -> memref<4960xi32, #tpu.memory_space<hbm>>
      %dma_wait3A_124 = arith.constant 0 : i32
      %dma_wait3A_125 = tpu.memref_slice %arg6[%dma_wait3A_124] : memref<5040xi32, #tpu.memory_space<vmem>> -> memref<4960xi32, #tpu.memory_space<vmem>>
      %dma_wait3A_126 = tpu.memref_slice %arg2[%run_scoped3A_79, %add3A_78] : memref<2x320000xi32, #tpu.memory_space<hbm>> -> memref<1x4960xi32, #tpu.memory_space<hbm>>
      %dma_wait3A_127 = tpu.memref_squeeze %dma_wait3A_126 : memref<1x4960xi32, #tpu.memory_space<hbm>> -> memref<4960xi32, #tpu.memory_space<hbm>>
      tpu.wait_dma2 semaphore(%run_scoped3A_111 : memref<!tpu.dma_semaphore, #tpu.memory_space<semaphore_mem>>) src(%dma_wait3A_127 : memref<4960xi32, #tpu.memory_space<hbm>>) dst(%dma_wait3A_125 : memref<4960xi32, #tpu.memory_space<vmem>>)
      tpu.yield
    }) : () -> ()
    %dma_start3A_80 = arith.constant 0 : i32
    %dma_start3A_81 = tpu.memref_slice %arg5[%dma_start3A_80] : memref<5040xi32, #tpu.memory_space<vmem>> -> memref<80xi32, #tpu.memory_space<vmem>>
    %dma_start3A_82 = arith.constant 0 : i32
    %dma_start3A_83 = arith.constant 0 : i32
    %dma_start3A_84 = tpu.memref_slice %arg3[%dma_start3A_82, %dma_start3A_83] : memref<10000x128xf32, #tpu.memory_space<hbm>> -> memref<10000x128xf32, #tpu.memory_space<hbm>>
    tpu.enqueue_indirect_dma source(%dma_start3A_84 : memref<10000x128xf32, #tpu.memory_space<hbm>>) target(%arg7 : memref<80x128xf32, #tpu.memory_space<vmem>>) offsets(%dma_start3A_81 : memref<80xi32, #tpu.memory_space<vmem>>) semaphore(%arg10 : memref<!tpu.dma_semaphore, #tpu.memory_space<semaphore_mem>>)
    %scan3A_85 = arith.constant 0 : i32
    %scan3A_86 = arith.constant 0 : i32
    %scan3A_87 = arith.constant 30 : i32
    %scan3A_88 = arith.addi %scan3A_86, %scan3A_87 : i32
    %scan3A_89 = arith.constant 1 : i32
    scf.for %scan3A_111 = %scan3A_86 to %scan3A_88 step %scan3A_89  : i32 {
      %mul3A_112 = arith.constant 2 : i32
      %mul3A_113 = arith.muli %mul3A_112, %scan3A_111 : i32
      %add3A_114 = arith.constant 1 : i32
      %add3A_115 = arith.addi %mul3A_113, %add3A_114 : i32
      %mul3A_116 = arith.constant 80 : i32
      %mul3A_117 = arith.muli %add3A_115, %mul3A_116 : i32
      %dma_start3A_118 = tpu.memref_slice %arg5[%mul3A_117] : memref<5040xi32, #tpu.memory_space<vmem>> -> memref<80xi32, #tpu.memory_space<vmem>>
      %dma_start3A_119 = arith.constant 0 : i32
      %dma_start3A_120 = arith.constant 0 : i32
      %dma_start3A_121 = tpu.memref_slice %arg3[%dma_start3A_119, %dma_start3A_120] : memref<10000x128xf32, #tpu.memory_space<hbm>> -> memref<10000x128xf32, #tpu.memory_space<hbm>>
      tpu.enqueue_indirect_dma source(%dma_start3A_121 : memref<10000x128xf32, #tpu.memory_space<hbm>>) target(%arg8 : memref<80x128xf32, #tpu.memory_space<vmem>>) offsets(%dma_start3A_118 : memref<80xi32, #tpu.memory_space<vmem>>) semaphore(%arg11 : memref<!tpu.dma_semaphore, #tpu.memory_space<semaphore_mem>>)
      %dma_wait3A_122 = arith.constant 0 : i32
      %dma_wait3A_123 = tpu.memref_slice %arg5[%dma_wait3A_122] : memref<5040xi32, #tpu.memory_space<vmem>> -> memref<80xi32, #tpu.memory_space<vmem>>
      %dma_wait3A_124 = arith.constant 0 : i32
      %dma_wait3A_125 = arith.constant 0 : i32
      %dma_wait3A_126 = tpu.memref_slice %arg3[%dma_wait3A_124, %dma_wait3A_125] : memref<10000x128xf32, #tpu.memory_space<hbm>> -> memref<10000x128xf32, #tpu.memory_space<hbm>>
      tpu.wait_indirect_dma semaphore(%arg10 : memref<!tpu.dma_semaphore, #tpu.memory_space<semaphore_mem>>) src(%dma_wait3A_126 : memref<10000x128xf32, #tpu.memory_space<hbm>>) dst(%arg7 : memref<80x128xf32, #tpu.memory_space<vmem>>)
      %mul3A_127 = arith.constant 80 : i32
      %mul3A_128 = arith.muli %mul3A_113, %mul3A_127 : i32
      "tpu.region"() ({
        %run_scoped3A_146 = tpu.sem_alloc : memref<!tpu.dma_semaphore, #tpu.memory_space<semaphore_mem>>
        %dma_start3A_147 = tpu.memref_slice %arg6[%mul3A_128] : memref<5040xi32, #tpu.memory_space<vmem>> -> memref<80xi32, #tpu.memory_space<vmem>>
        %dma_start3A_148 = arith.constant 0 : i32
        %dma_start3A_149 = arith.constant 0 : i32
        %dma_start3A_150 = tpu.memref_slice %arg9[%dma_start3A_148, %dma_start3A_149] : memref<10000x128xf32, #tpu.memory_space<vmem_shared>> -> memref<10000x128xf32, #tpu.memory_space<vmem_shared>>
        tpu.enqueue_indirect_dma source(%arg7 : memref<80x128xf32, #tpu.memory_space<vmem>>) target(%dma_start3A_150 : memref<10000x128xf32, #tpu.memory_space<vmem_shared>>) offsets(%dma_start3A_147 : memref<80xi32, #tpu.memory_space<vmem>>) semaphore(%run_scoped3A_146 : memref<!tpu.dma_semaphore, #tpu.memory_space<semaphore_mem>>) {add = true}
        %dma_wait3A_151 = tpu.memref_slice %arg6[%mul3A_128] : memref<5040xi32, #tpu.memory_space<vmem>> -> memref<80xi32, #tpu.memory_space<vmem>>
        %dma_wait3A_152 = arith.constant 0 : i32
        %dma_wait3A_153 = arith.constant 0 : i32
        %dma_wait3A_154 = tpu.memref_slice %arg9[%dma_wait3A_152, %dma_wait3A_153] : memref<10000x128xf32, #tpu.memory_space<vmem_shared>> -> memref<10000x128xf32, #tpu.memory_space<vmem_shared>>
        tpu.wait_indirect_dma semaphore(%run_scoped3A_146 : memref<!tpu.dma_semaphore, #tpu.memory_space<semaphore_mem>>) src(%arg7 : memref<80x128xf32, #tpu.memory_space<vmem>>) dst(%dma_wait3A_154 : memref<10000x128xf32, #tpu.memory_space<vmem_shared>>)
        tpu.yield
      }) : () -> ()
      %add3A_129 = arith.constant 2 : i32
      %add3A_130 = arith.addi %mul3A_113, %add3A_129 : i32
      %mul3A_131 = arith.constant 80 : i32
      %mul3A_132 = arith.muli %add3A_130, %mul3A_131 : i32
      %dma_start3A_133 = tpu.memref_slice %arg5[%mul3A_132] : memref<5040xi32, #tpu.memory_space<vmem>> -> memref<80xi32, #tpu.memory_space<vmem>>
      %dma_start3A_134 = arith.constant 0 : i32
      %dma_start3A_135 = arith.constant 0 : i32
      %dma_start3A_136 = tpu.memref_slice %arg3[%dma_start3A_134, %dma_start3A_135] : memref<10000x128xf32, #tpu.memory_space<hbm>> -> memref<10000x128xf32, #tpu.memory_space<hbm>>
      tpu.enqueue_indirect_dma source(%dma_start3A_136 : memref<10000x128xf32, #tpu.memory_space<hbm>>) target(%arg7 : memref<80x128xf32, #tpu.memory_space<vmem>>) offsets(%dma_start3A_133 : memref<80xi32, #tpu.memory_space<vmem>>) semaphore(%arg10 : memref<!tpu.dma_semaphore, #tpu.memory_space<semaphore_mem>>)
      %dma_wait3A_137 = arith.constant 0 : i32
      %dma_wait3A_138 = tpu.memref_slice %arg5[%dma_wait3A_137] : memref<5040xi32, #tpu.memory_space<vmem>> -> memref<80xi32, #tpu.memory_space<vmem>>
      %dma_wait3A_139 = arith.constant 0 : i32
      %dma_wait3A_140 = arith.constant 0 : i32
      %dma_wait3A_141 = tpu.memref_slice %arg3[%dma_wait3A_139, %dma_wait3A_140] : memref<10000x128xf32, #tpu.memory_space<hbm>> -> memref<10000x128xf32, #tpu.memory_space<hbm>>
      tpu.wait_indirect_dma semaphore(%arg11 : memref<!tpu.dma_semaphore, #tpu.memory_space<semaphore_mem>>) src(%dma_wait3A_141 : memref<10000x128xf32, #tpu.memory_space<hbm>>) dst(%arg8 : memref<80x128xf32, #tpu.memory_space<vmem>>)
      %add3A_142 = arith.constant 1 : i32
      %add3A_143 = arith.addi %mul3A_113, %add3A_142 : i32
      %mul3A_144 = arith.constant 80 : i32
      %mul3A_145 = arith.muli %add3A_143, %mul3A_144 : i32
      "tpu.region"() ({
        %run_scoped3A_146 = tpu.sem_alloc : memref<!tpu.dma_semaphore, #tpu.memory_space<semaphore_mem>>
        %dma_start3A_147 = tpu.memref_slice %arg6[%mul3A_145] : memref<5040xi32, #tpu.memory_space<vmem>> -> memref<80xi32, #tpu.memory_space<vmem>>
        %dma_start3A_148 = arith.constant 0 : i32
        %dma_start3A_149 = arith.constant 0 : i32
        %dma_start3A_150 = tpu.memref_slice %arg9[%dma_start3A_148, %dma_start3A_149] : memref<10000x128xf32, #tpu.memory_space<vmem_shared>> -> memref<10000x128xf32, #tpu.memory_space<vmem_shared>>
        tpu.enqueue_indirect_dma source(%arg8 : memref<80x128xf32, #tpu.memory_space<vmem>>) target(%dma_start3A_150 : memref<10000x128xf32, #tpu.memory_space<vmem_shared>>) offsets(%dma_start3A_147 : memref<80xi32, #tpu.memory_space<vmem>>) semaphore(%run_scoped3A_146 : memref<!tpu.dma_semaphore, #tpu.memory_space<semaphore_mem>>) {add = true}
        %dma_wait3A_151 = tpu.memref_slice %arg6[%mul3A_145] : memref<5040xi32, #tpu.memory_space<vmem>> -> memref<80xi32, #tpu.memory_space<vmem>>
        %dma_wait3A_152 = arith.constant 0 : i32
        %dma_wait3A_153 = arith.constant 0 : i32
        %dma_wait3A_154 = tpu.memref_slice %arg9[%dma_wait3A_152, %dma_wait3A_153] : memref<10000x128xf32, #tpu.memory_space<vmem_shared>> -> memref<10000x128xf32, #tpu.memory_space<vmem_shared>>
        tpu.wait_indirect_dma semaphore(%run_scoped3A_146 : memref<!tpu.dma_semaphore, #tpu.memory_space<semaphore_mem>>) src(%arg8 : memref<80x128xf32, #tpu.memory_space<vmem>>) dst(%dma_wait3A_154 : memref<10000x128xf32, #tpu.memory_space<vmem_shared>>)
        tpu.yield
      }) : () -> ()
    }
    %scan3A_90 = arith.constant 30 : i32
    %dma_start3A_91 = arith.constant 4880 : i32
    %dma_start3A_92 = tpu.memref_slice %arg5[%dma_start3A_91] : memref<5040xi32, #tpu.memory_space<vmem>> -> memref<80xi32, #tpu.memory_space<vmem>>
    %dma_start3A_93 = arith.constant 0 : i32
    %dma_start3A_94 = arith.constant 0 : i32
    %dma_start3A_95 = tpu.memref_slice %arg3[%dma_start3A_93, %dma_start3A_94] : memref<10000x128xf32, #tpu.memory_space<hbm>> -> memref<10000x128xf32, #tpu.memory_space<hbm>>
    tpu.enqueue_indirect_dma source(%dma_start3A_95 : memref<10000x128xf32, #tpu.memory_space<hbm>>) target(%arg8 : memref<80x128xf32, #tpu.memory_space<vmem>>) offsets(%dma_start3A_92 : memref<80xi32, #tpu.memory_space<vmem>>) semaphore(%arg11 : memref<!tpu.dma_semaphore, #tpu.memory_space<semaphore_mem>>)
    %dma_wait3A_96 = arith.constant 0 : i32
    %dma_wait3A_97 = tpu.memref_slice %arg5[%dma_wait3A_96] : memref<5040xi32, #tpu.memory_space<vmem>> -> memref<80xi32, #tpu.memory_space<vmem>>
    %dma_wait3A_98 = arith.constant 0 : i32
    %dma_wait3A_99 = arith.constant 0 : i32
    %dma_wait3A_100 = tpu.memref_slice %arg3[%dma_wait3A_98, %dma_wait3A_99] : memref<10000x128xf32, #tpu.memory_space<hbm>> -> memref<10000x128xf32, #tpu.memory_space<hbm>>
    tpu.wait_indirect_dma semaphore(%arg10 : memref<!tpu.dma_semaphore, #tpu.memory_space<semaphore_mem>>) src(%dma_wait3A_100 : memref<10000x128xf32, #tpu.memory_space<hbm>>) dst(%arg7 : memref<80x128xf32, #tpu.memory_space<vmem>>)
    "tpu.region"() ({
      %run_scoped3A_111 = tpu.sem_alloc : memref<!tpu.dma_semaphore, #tpu.memory_space<semaphore_mem>>
      %dma_start3A_112 = arith.constant 4800 : i32
      %dma_start3A_113 = tpu.memref_slice %arg6[%dma_start3A_112] : memref<5040xi32, #tpu.memory_space<vmem>> -> memref<80xi32, #tpu.memory_space<vmem>>
      %dma_start3A_114 = arith.constant 0 : i32
      %dma_start3A_115 = arith.constant 0 : i32
      %dma_start3A_116 = tpu.memref_slice %arg9[%dma_start3A_114, %dma_start3A_115] : memref<10000x128xf32, #tpu.memory_space<vmem_shared>> -> memref<10000x128xf32, #tpu.memory_space<vmem_shared>>
      tpu.enqueue_indirect_dma source(%arg7 : memref<80x128xf32, #tpu.memory_space<vmem>>) target(%dma_start3A_116 : memref<10000x128xf32, #tpu.memory_space<vmem_shared>>) offsets(%dma_start3A_113 : memref<80xi32, #tpu.memory_space<vmem>>) semaphore(%run_scoped3A_111 : memref<!tpu.dma_semaphore, #tpu.memory_space<semaphore_mem>>) {add = true}
      %dma_wait3A_117 = arith.constant 4800 : i32
      %dma_wait3A_118 = tpu.memref_slice %arg6[%dma_wait3A_117] : memref<5040xi32, #tpu.memory_space<vmem>> -> memref<80xi32, #tpu.memory_space<vmem>>
      %dma_wait3A_119 = arith.constant 0 : i32
      %dma_wait3A_120 = arith.constant 0 : i32
      %dma_wait3A_121 = tpu.memref_slice %arg9[%dma_wait3A_119, %dma_wait3A_120] : memref<10000x128xf32, #tpu.memory_space<vmem_shared>> -> memref<10000x128xf32, #tpu.memory_space<vmem_shared>>
      tpu.wait_indirect_dma semaphore(%run_scoped3A_111 : memref<!tpu.dma_semaphore, #tpu.memory_space<semaphore_mem>>) src(%arg7 : memref<80x128xf32, #tpu.memory_space<vmem>>) dst(%dma_wait3A_121 : memref<10000x128xf32, #tpu.memory_space<vmem_shared>>)
      tpu.yield
    }) : () -> ()
    %dma_wait3A_101 = arith.constant 0 : i32
    %dma_wait3A_102 = tpu.memref_slice %arg5[%dma_wait3A_101] : memref<5040xi32, #tpu.memory_space<vmem>> -> memref<80xi32, #tpu.memory_space<vmem>>
    %dma_wait3A_103 = arith.constant 0 : i32
    %dma_wait3A_104 = arith.constant 0 : i32
    %dma_wait3A_105 = tpu.memref_slice %arg3[%dma_wait3A_103, %dma_wait3A_104] : memref<10000x128xf32, #tpu.memory_space<hbm>> -> memref<10000x128xf32, #tpu.memory_space<hbm>>
    tpu.wait_indirect_dma semaphore(%arg11 : memref<!tpu.dma_semaphore, #tpu.memory_space<semaphore_mem>>) src(%dma_wait3A_105 : memref<10000x128xf32, #tpu.memory_space<hbm>>) dst(%arg8 : memref<80x128xf32, #tpu.memory_space<vmem>>)
    "tpu.region"() ({
      %run_scoped3A_111 = tpu.sem_alloc : memref<!tpu.dma_semaphore, #tpu.memory_space<semaphore_mem>>
      %dma_start3A_112 = arith.constant 4880 : i32
      %dma_start3A_113 = tpu.memref_slice %arg6[%dma_start3A_112] : memref<5040xi32, #tpu.memory_space<vmem>> -> memref<80xi32, #tpu.memory_space<vmem>>
      %dma_start3A_114 = arith.constant 0 : i32
      %dma_start3A_115 = arith.constant 0 : i32
      %dma_start3A_116 = tpu.memref_slice %arg9[%dma_start3A_114, %dma_start3A_115] : memref<10000x128xf32, #tpu.memory_space<vmem_shared>> -> memref<10000x128xf32, #tpu.memory_space<vmem_shared>>
      tpu.enqueue_indirect_dma source(%arg8 : memref<80x128xf32, #tpu.memory_space<vmem>>) target(%dma_start3A_116 : memref<10000x128xf32, #tpu.memory_space<vmem_shared>>) offsets(%dma_start3A_113 : memref<80xi32, #tpu.memory_space<vmem>>) semaphore(%run_scoped3A_111 : memref<!tpu.dma_semaphore, #tpu.memory_space<semaphore_mem>>) {add = true}
      %dma_wait3A_117 = arith.constant 4880 : i32
      %dma_wait3A_118 = tpu.memref_slice %arg6[%dma_wait3A_117] : memref<5040xi32, #tpu.memory_space<vmem>> -> memref<80xi32, #tpu.memory_space<vmem>>
      %dma_wait3A_119 = arith.constant 0 : i32
      %dma_wait3A_120 = arith.constant 0 : i32
      %dma_wait3A_121 = tpu.memref_slice %arg9[%dma_wait3A_119, %dma_wait3A_120] : memref<10000x128xf32, #tpu.memory_space<vmem_shared>> -> memref<10000x128xf32, #tpu.memory_space<vmem_shared>>
      tpu.wait_indirect_dma semaphore(%run_scoped3A_111 : memref<!tpu.dma_semaphore, #tpu.memory_space<semaphore_mem>>) src(%arg8 : memref<80x128xf32, #tpu.memory_space<vmem>>) dst(%dma_wait3A_121 : memref<10000x128xf32, #tpu.memory_space<vmem_shared>>)
      tpu.yield
    }) : () -> ()
    %barrier3A_106 = arith.constant 0 : index
    tpu.barrier barrier_id(%barrier3A_106)
    %mul3A_107 = arith.constant 625 : i32
    %mul3A_108 = arith.muli %arg1, %mul3A_107 : i32
    %mul3A_109 = arith.constant 625 : i32
    %mul3A_110 = arith.muli %arg1, %mul3A_109 : i32
    "tpu.region"() ({
      %run_scoped3A_111 = tpu.sem_alloc : memref<!tpu.dma_semaphore, #tpu.memory_space<semaphore_mem>>
      %dma_start3A_112 = arith.constant 0 : i32
      %dma_start3A_113 = tpu.memref_slice %arg4[%arg0, %mul3A_110, %dma_start3A_112] : memref<2x10000x128xf32, #tpu.memory_space<hbm>> -> memref<1x625x128xf32, #tpu.memory_space<hbm>>
      %dma_start3A_114 = tpu.memref_squeeze %dma_start3A_113 : memref<1x625x128xf32, #tpu.memory_space<hbm>> -> memref<625x128xf32, #tpu.memory_space<hbm>>
      %dma_start3A_115 = arith.constant 0 : i32
      %dma_start3A_116 = tpu.memref_slice %arg9[%mul3A_108, %dma_start3A_115] : memref<10000x128xf32, #tpu.memory_space<vmem_shared>> -> memref<625x128xf32, #tpu.memory_space<vmem_shared>>
      tpu.enqueue_dma source(%dma_start3A_116 : memref<625x128xf32, #tpu.memory_space<vmem_shared>>) target(%dma_start3A_114 : memref<625x128xf32, #tpu.memory_space<hbm>>) target_semaphore(%run_scoped3A_111 : memref<!tpu.dma_semaphore, #tpu.memory_space<semaphore_mem>>)
      %dma_wait3A_117 = arith.constant 0 : i32
      %dma_wait3A_118 = tpu.memref_slice %arg4[%arg0, %mul3A_110, %dma_wait3A_117] : memref<2x10000x128xf32, #tpu.memory_space<hbm>> -> memref<1x625x128xf32, #tpu.memory_space<hbm>>
      %dma_wait3A_119 = tpu.memref_squeeze %dma_wait3A_118 : memref<1x625x128xf32, #tpu.memory_space<hbm>> -> memref<625x128xf32, #tpu.memory_space<hbm>>
      %dma_wait3A_120 = arith.constant 0 : i32
      %dma_wait3A_121 = tpu.memref_slice %arg9[%mul3A_108, %dma_wait3A_120] : memref<10000x128xf32, #tpu.memory_space<vmem_shared>> -> memref<625x128xf32, #tpu.memory_space<vmem_shared>>
      tpu.wait_dma2 semaphore(%run_scoped3A_111 : memref<!tpu.dma_semaphore, #tpu.memory_space<semaphore_mem>>) src(%dma_wait3A_121 : memref<625x128xf32, #tpu.memory_space<vmem_shared>>) dst(%dma_wait3A_119 : memref<625x128xf32, #tpu.memory_space<hbm>>)
      tpu.yield
    }) : () -> ()
    return
  }
}

module attributes {stable_mosaic.version = 14 : i64} {
  func.func @_tc1_body(%arg0: memref<10000x128xf32, #tpu.memory_space<vmem>>, %arg1: memref<2x10000x128xf32, #tpu.memory_space<vmem>>, %arg2: memref<2x10000x16xf32, #tpu.memory_space<vmem>>, %arg3: memref<128x128xf32, #tpu.memory_space<vmem>>, %arg4: memref<128x128xf32, #tpu.memory_space<vmem>>, %arg5: memref<128xf32, #tpu.memory_space<vmem>>, %arg6: memref<10000x128xf32, #tpu.memory_space<vmem>>, %arg7: memref<10000x1xf32, #tpu.memory_space<vmem>>) attributes {dimension_semantics = [], scalar_prefetch = 0 : i64, scratch_operands = 0 : i64, tpu.core_type = #tpu.core_type<tc>} {
    %get3A = arith.constant 0 : index
    %get3A_0 = arith.constant 0 : index
    %get3A_1 = arith.constant 0 : index
    %get3A_2 = vector.load %arg2[%get3A, %get3A_0, %get3A_1] : memref<2x10000x16xf32, #tpu.memory_space<vmem>>, vector<1x10000x1xf32>
    %get3A_3 = vector.shape_cast %get3A_2 : vector<1x10000x1xf32> to vector<10000x1xf32>
    %get3A_4 = arith.constant 1 : index
    %get3A_5 = arith.constant 0 : index
    %get3A_6 = arith.constant 0 : index
    %get3A_7 = vector.load %arg2[%get3A_4, %get3A_5, %get3A_6] : memref<2x10000x16xf32, #tpu.memory_space<vmem>>, vector<1x10000x1xf32>
    %get3A_8 = vector.shape_cast %get3A_7 : vector<1x10000x1xf32> to vector<10000x1xf32>
    %add3A = arith.addf %get3A_3, %get3A_8 : vector<10000x1xf32>
    %max3A = arith.constant 1.000000e+00 : f32
    %max3A_9 = vector.broadcast %max3A : f32 to vector<10000x1xf32>
    %max3A_10 = arith.maximumf %add3A, %max3A_9 : vector<10000x1xf32>
    %div3A = arith.constant 1.000000e+00 : f32
    %div3A_11 = vector.broadcast %div3A : f32 to vector<10000x1xf32>
    %div3A_12 = arith.divf %div3A_11, %max3A_10 : vector<10000x1xf32>
    %get3A_13 = arith.constant 0 : index
    %get3A_14 = arith.constant 0 : index
    %get3A_15 = arith.constant 0 : index
    %get3A_16 = vector.load %arg1[%get3A_13, %get3A_14, %get3A_15] : memref<2x10000x128xf32, #tpu.memory_space<vmem>>, vector<1x10000x128xf32>
    %get3A_17 = vector.shape_cast %get3A_16 : vector<1x10000x128xf32> to vector<10000x128xf32>
    %get3A_18 = arith.constant 1 : index
    %get3A_19 = arith.constant 0 : index
    %get3A_20 = arith.constant 0 : index
    %get3A_21 = vector.load %arg1[%get3A_18, %get3A_19, %get3A_20] : memref<2x10000x128xf32, #tpu.memory_space<vmem>>, vector<1x10000x128xf32>
    %get3A_22 = vector.shape_cast %get3A_21 : vector<1x10000x128xf32> to vector<10000x128xf32>
    %add3A_23 = arith.addf %get3A_17, %get3A_22 : vector<10000x128xf32>
    %mul3A = vector.broadcast %div3A_12 : vector<10000x1xf32> to vector<10000x128xf32>
    %mul3A_24 = arith.mulf %add3A_23, %mul3A : vector<10000x128xf32>
    %get3A_25 = arith.constant 0 : index
    %get3A_26 = arith.constant 0 : index
    %get3A_27 = vector.load %arg0[%get3A_25, %get3A_26] : memref<10000x128xf32, #tpu.memory_space<vmem>>, vector<10000x128xf32>
    %get3A_28 = arith.constant 0 : index
    %get3A_29 = arith.constant 0 : index
    %get3A_30 = vector.load %arg3[%get3A_28, %get3A_29] : memref<128x128xf32, #tpu.memory_space<vmem>>, vector<128x128xf32>
    %dot_general3A = arith.constant dense<0.000000e+00> : vector<10000x128xf32>
    %dot_general3A_31 = tpu.matmul %get3A_27, %get3A_30, %dot_general3A {dimension_numbers = #tpu.dot_dimension_numbers<[1], [0], [0], [1], [0, 0, 1, 1], [], []>, transpose_lhs_hint = false} : vector<10000x128xf32>, vector<128x128xf32>, vector<10000x128xf32> -> vector<10000x128xf32>
    %get3A_32 = arith.constant 0 : index
    %get3A_33 = arith.constant 0 : index
    %get3A_34 = vector.load %arg4[%get3A_32, %get3A_33] : memref<128x128xf32, #tpu.memory_space<vmem>>, vector<128x128xf32>
    %dot_general3A_35 = arith.constant dense<0.000000e+00> : vector<10000x128xf32>
    %dot_general3A_36 = tpu.matmul %mul3A_24, %get3A_34, %dot_general3A_35 {dimension_numbers = #tpu.dot_dimension_numbers<[1], [0], [0], [1], [0, 0, 1, 1], [], []>, transpose_lhs_hint = false} : vector<10000x128xf32>, vector<128x128xf32>, vector<10000x128xf32> -> vector<10000x128xf32>
    %add3A_37 = arith.addf %dot_general3A_31, %dot_general3A_36 : vector<10000x128xf32>
    %get3A_38 = arith.constant 0 : index
    %get3A_39 = vector.load %arg5[%get3A_38] : memref<128xf32, #tpu.memory_space<vmem>>, vector<128xf32>
    %broadcast_in_dim3A = vector.shape_cast %get3A_39 : vector<128xf32> to vector<1x128xf32>
    %add3A_40 = vector.broadcast %broadcast_in_dim3A : vector<1x128xf32> to vector<10000x128xf32>
    %add3A_41 = arith.addf %add3A_37, %add3A_40 : vector<10000x128xf32>
    %max3A_42 = arith.constant 0.000000e+00 : f32
    %max3A_43 = vector.broadcast %max3A_42 : f32 to vector<10000x128xf32>
    %max3A_44 = arith.maximumf %add3A_41, %max3A_43 : vector<10000x128xf32>
    %swap3A = arith.constant 0 : index
    %swap3A_45 = arith.constant 0 : index
    %swap3A_46 = vector.load %arg6[%swap3A, %swap3A_45] : memref<10000x128xf32, #tpu.memory_space<vmem>>, vector<10000x128xf32>
    tpu.vector_store %arg6[%swap3A, %swap3A_45], %max3A_44 {strides = array<i32>} : memref<10000x128xf32, #tpu.memory_space<vmem>>, vector<10000x128xf32>,
    %swap3A_47 = arith.constant 0 : index
    %swap3A_48 = arith.constant 0 : index
    %swap3A_49 = vector.load %arg7[%swap3A_47, %swap3A_48] : memref<10000x1xf32, #tpu.memory_space<vmem>>, vector<10000x1xf32>
    tpu.vector_store %arg7[%swap3A_47, %swap3A_48], %div3A_12 {strides = array<i32>} : memref<10000x1xf32, #tpu.memory_space<vmem>>, vector<10000x1xf32>,
    return
  }
}

module attributes {stable_mosaic.version = 14 : i64} {
  func.func @_tc2_body(%arg0: memref<10000x128xf32, #tpu.memory_space<vmem>>, %arg1: memref<2x10000x128xf32, #tpu.memory_space<vmem>>, %arg2: memref<10000x1xf32, #tpu.memory_space<vmem>>, %arg3: memref<128x128xf32, #tpu.memory_space<vmem>>, %arg4: memref<128x128xf32, #tpu.memory_space<vmem>>, %arg5: memref<128xf32, #tpu.memory_space<vmem>>, %arg6: memref<128x40xf32, #tpu.memory_space<vmem>>, %arg7: memref<40xf32, #tpu.memory_space<vmem>>, %arg8: memref<10000x40xf32, #tpu.memory_space<vmem>>) attributes {dimension_semantics = [], scalar_prefetch = 0 : i64, scratch_operands = 0 : i64, tpu.core_type = #tpu.core_type<tc>} {
    %get3A = arith.constant 0 : index
    %get3A_0 = arith.constant 0 : index
    %get3A_1 = arith.constant 0 : index
    %get3A_2 = vector.load %arg1[%get3A, %get3A_0, %get3A_1] : memref<2x10000x128xf32, #tpu.memory_space<vmem>>, vector<1x10000x128xf32>
    %get3A_3 = vector.shape_cast %get3A_2 : vector<1x10000x128xf32> to vector<10000x128xf32>
    %get3A_4 = arith.constant 1 : index
    %get3A_5 = arith.constant 0 : index
    %get3A_6 = arith.constant 0 : index
    %get3A_7 = vector.load %arg1[%get3A_4, %get3A_5, %get3A_6] : memref<2x10000x128xf32, #tpu.memory_space<vmem>>, vector<1x10000x128xf32>
    %get3A_8 = vector.shape_cast %get3A_7 : vector<1x10000x128xf32> to vector<10000x128xf32>
    %add3A = arith.addf %get3A_3, %get3A_8 : vector<10000x128xf32>
    %get3A_9 = arith.constant 0 : index
    %get3A_10 = arith.constant 0 : index
    %get3A_11 = vector.load %arg2[%get3A_9, %get3A_10] : memref<10000x1xf32, #tpu.memory_space<vmem>>, vector<10000x1xf32>
    %mul3A = vector.broadcast %get3A_11 : vector<10000x1xf32> to vector<10000x128xf32>
    %mul3A_12 = arith.mulf %add3A, %mul3A : vector<10000x128xf32>
    %get3A_13 = arith.constant 0 : index
    %get3A_14 = arith.constant 0 : index
    %get3A_15 = vector.load %arg0[%get3A_13, %get3A_14] : memref<10000x128xf32, #tpu.memory_space<vmem>>, vector<10000x128xf32>
    %get3A_16 = arith.constant 0 : index
    %get3A_17 = arith.constant 0 : index
    %get3A_18 = vector.load %arg3[%get3A_16, %get3A_17] : memref<128x128xf32, #tpu.memory_space<vmem>>, vector<128x128xf32>
    %dot_general3A = arith.constant dense<0.000000e+00> : vector<10000x128xf32>
    %dot_general3A_19 = tpu.matmul %get3A_15, %get3A_18, %dot_general3A {dimension_numbers = #tpu.dot_dimension_numbers<[1], [0], [0], [1], [0, 0, 1, 1], [], []>, transpose_lhs_hint = false} : vector<10000x128xf32>, vector<128x128xf32>, vector<10000x128xf32> -> vector<10000x128xf32>
    %get3A_20 = arith.constant 0 : index
    %get3A_21 = arith.constant 0 : index
    %get3A_22 = vector.load %arg4[%get3A_20, %get3A_21] : memref<128x128xf32, #tpu.memory_space<vmem>>, vector<128x128xf32>
    %dot_general3A_23 = arith.constant dense<0.000000e+00> : vector<10000x128xf32>
    %dot_general3A_24 = tpu.matmul %mul3A_12, %get3A_22, %dot_general3A_23 {dimension_numbers = #tpu.dot_dimension_numbers<[1], [0], [0], [1], [0, 0, 1, 1], [], []>, transpose_lhs_hint = false} : vector<10000x128xf32>, vector<128x128xf32>, vector<10000x128xf32> -> vector<10000x128xf32>
    %add3A_25 = arith.addf %dot_general3A_19, %dot_general3A_24 : vector<10000x128xf32>
    %get3A_26 = arith.constant 0 : index
    %get3A_27 = vector.load %arg5[%get3A_26] : memref<128xf32, #tpu.memory_space<vmem>>, vector<128xf32>
    %broadcast_in_dim3A = vector.shape_cast %get3A_27 : vector<128xf32> to vector<1x128xf32>
    %add3A_28 = vector.broadcast %broadcast_in_dim3A : vector<1x128xf32> to vector<10000x128xf32>
    %add3A_29 = arith.addf %add3A_25, %add3A_28 : vector<10000x128xf32>
    %get3A_30 = arith.constant 0 : index
    %get3A_31 = arith.constant 0 : index
    %get3A_32 = vector.load %arg6[%get3A_30, %get3A_31] : memref<128x40xf32, #tpu.memory_space<vmem>>, vector<128x40xf32>
    %dot_general3A_33 = arith.constant dense<0.000000e+00> : vector<10000x40xf32>
    %dot_general3A_34 = tpu.matmul %add3A_29, %get3A_32, %dot_general3A_33 {dimension_numbers = #tpu.dot_dimension_numbers<[1], [0], [0], [1], [0, 0, 1, 1], [], []>, transpose_lhs_hint = false} : vector<10000x128xf32>, vector<128x40xf32>, vector<10000x40xf32> -> vector<10000x40xf32>
    %get3A_35 = arith.constant 0 : index
    %get3A_36 = vector.load %arg7[%get3A_35] : memref<40xf32, #tpu.memory_space<vmem>>, vector<40xf32>
    %broadcast_in_dim3A_37 = vector.shape_cast %get3A_36 : vector<40xf32> to vector<1x40xf32>
    %add3A_38 = vector.broadcast %broadcast_in_dim3A_37 : vector<1x40xf32> to vector<10000x40xf32>
    %add3A_39 = arith.addf %dot_general3A_34, %add3A_38 : vector<10000x40xf32>
    %swap3A = arith.constant 0 : index
    %swap3A_40 = arith.constant 0 : index
    %swap3A_41 = vector.load %arg8[%swap3A, %swap3A_40] : memref<10000x40xf32, #tpu.memory_space<vmem>>, vector<10000x40xf32>
    tpu.vector_store %arg8[%swap3A, %swap3A_40], %add3A_39 {strides = array<i32>} : memref<10000x40xf32, #tpu.memory_space<vmem>>, vector<10000x40xf32>,
    return
  }
}

</mosaic_0001>

<sc_bundles>
// kernel: kernel.6.cloned.1.call-start
scs
__scs_entry_jumppad:
0x0: {  	(pc) =	sbr.rel $0x88, $3  }
0x1: {  	(tag) =	ssettag $0x0;
	lr =	simm.s32 $0x1  }
0x2: {  	[smem:$0x3F97] =	sst lr;
	_ =	strace $0xD0000000  }
0x3: {  	_ = 	snop  }
0x4: {  	_ = 	snop  }
0x5: {  	_ = 	snop  }
0x6: {  	_ = 	snop  }
0x7: {  	_ = 	snop  }
__scs_overlays_trampoline_lowered:
0x8: {  	[smem:$0x3FA6] =	sst s0  }
0x9: {  	[smem:$0x3FA7] =	sst s1  }
0xa: {  	[smem:$0x3FA8] =	sst s2  }
0xb: {  	[smem:$0x3FA9] =	sst s3  }
0xc: {  	[smem:$0x3FAA] =	sst s4  }
0xd: {  	[smem:$0x3FAB] =	sst s5  }
0xe: {  	[smem:$0x3FAC] =	sst s6  }
0xf: {  	[smem:$0x3FAD] =	sst s7  }
0x10: {  	[smem:$0x3FAE] =	sst s8  }
0x11: {  	[smem:$0x3FAF] =	sst s9;
	s0 =	simm.s32 @!p0 $0x0  }
0x12: {  	s1 =	sld [smem:$0x3F95];
	s0 =	simm.s32 @p0 $0x1  }
0x13: {  	[smem:$0x3FB0] =	sst s0;
	s0 =	simm.s32 @!p1 $0x0  }
0x14: {  	s2 =	sld [smem:$0x3F94];
	s0 =	simm.s32 @p1 $0x1  }
0x15: {  	[smem:$0x3FB1] =	sst s0;
	s0 =	simm.s32 @!p2 $0x0  }
0x16: {  	s3 =	sld [smem:$0x3FDB];
	s0 =	simm.s32 @p2 $0x1  }
0x17: {  	s4 =	simm.s32 $0x1BF5;
	[smem:$0x3FB3] =	sst s0  }
0x18: {  	s0 =	sld [smem:$0x3F96];
	_ =	swait.ge [sflag:s4], $0x0  }
0x19: {  	s7 =	sld [smem:$0x3F97]  }
0x1a: {  	s8 =	sadd.s32 $0xFFFFE003, lr  }
0x1b: {  	s9 =	sadd.s32 $0xFFFFFEF7, lr;
	s5 =	simm.s32 $0xFFFFFFFF;
	p2 =	slt.u32 s8, $0xFFFFF086  }
0x1c: {  	p1 =	slt.u32 s9, $0xF7A;
	s5 =	simm.s32 @!p2 $0x0  }
0x1d: {  	s5 =	simm.s32 @p1 $0x1;
	p0 =	seq.s32 s7, s2  }
0x1e: {  	s7 =	smul.u32 @!p0 $0xF7A, s2;
	p2 =	seq.s32 @!p0 s5, $0x0  }
0x1f: {  	s9 =	smul.u32 $0xF7A, s1;
	s8 =	simm.s32 @!p0 $0x1BF5;
	p2 =	por !p2, p0  }
0x20: {  	[sflag:s8] =	ssyncset.s32 @!p0 $0xFFFFF086;
	s6 =	sadd.s32 @!p0 s3, s7;
	s7 =	simm.s32 @!p0 $0x108  }
0x21: {  	s3 =	sadd.s32 s3, s9;
	s6 =	sadd.s32 @!p0 $0x88, s6;
	s7 =	simm.s32 @p2 $0x1082  }
0x22: {  	[simem:s7], [sflag:s8] =	dma.local @!p0 [hbm:s6], $0xF7A  }
0x23: {  	s9 =	sor.u32 $0xD0000000, s2;
	s6 =	simm.s32 $0x108;
	_ =	swait.ge @!p0 [sflag:s8], $0x0  }
0x24: {  	s3 =	sadd.s32 $0x88, s3;
	s6 =	simm.s32 @!p1 $0x1082;
	[sflag:s4] =	ssyncset.s32 $0xFFFFF086  }
0x25: {  	[simem:s6], [sflag:s4] =	dma.local [hbm:s3], $0xF7A  }
0x26: {  	[smem:$0x3F97] =	sst s1;
	(tag) =	ssettag s2;
	_ =	strace s9  }
0x27: {  	s1 =	sld [smem:$0x3FA7]  }
0x28: {  	s2 =	sld [smem:$0x3FA8]  }
0x29: {  	s4 =	sld [smem:$0x3FAA]  }
0x2a: {  	p0 =	seq.s32 s5, $0x0;
	s5 =	sld [smem:$0x3FAB]  }
0x2b: {  	s6 =	sld [smem:$0x3FAC]  }
0x2c: {  	s7 =	sld [smem:$0x3FAD]  }
0x2d: {  	s3 =	simm.s32 $0x108;
	s8 =	sld [smem:$0x3FAE]  }
0x2e: {  	s3 =	simm.s32 @!p0 $0x1082;
	s9 =	sld [smem:$0x3FAF]  }
0x2f: {  	lr =	sadd.s32 s0, s3;
	s0 =	sld [smem:$0x3FA6]  }
0x30: {  	s3 =	sld [smem:$0x3FA9]  }
0x31: {  	[smem:$0x3FB2] =	sst s10  }
0x32: {  	s10 =	sld [smem:$0x3FB0];
	_ =	sdelay $0x3  }
0x33: {  	p0 =	seq.s32 s10, $0x1;
	s10 =	sld [smem:$0x3FB2];
	_ =	sdelay $0x3  }
0x34: {  	[smem:$0x3FB2] =	sst s10  }
0x35: {  	s10 =	sld [smem:$0x3FB1];
	_ =	sdelay $0x3  }
0x36: {  	p1 =	seq.s32 s10, $0x1;
	s10 =	sld [smem:$0x3FB2];
	_ =	sdelay $0x3  }
0x37: {  	[smem:$0x3FB2] =	sst s10  }
0x38: {  	s10 =	sld [smem:$0x3FB3]  }
0x39: {  	_ = 	snop;
	(pc) =	sbr.ind lr, $3  }
0x3a: {  	_ = 	snop  }
0x3b: {  	_ = 	snop  }
0x3c: {  	p2 =	seq.s32 s10, $0x1;
	s10 =	sld [smem:$0x3FB2]  }
0x3d: {  	_ =	shalt  }
0x3e: {  	_ =	shalt  }
0x3f: {  	_ =	shalt  }
0x40: {  	_ =	shalt  }
0x41: {  	_ =	shalt  }
0x42: {  	_ =	shalt  }
0x43: {  	_ =	shalt  }
0x44: {  	_ =	shalt  }
0x45: {  	_ =	shalt  }
0x46: {  	_ =	shalt  }
0x47: {  	_ =	shalt  }
0x48: {  	_ =	shalt  }
0x49: {  	_ =	shalt  }
0x4a: {  	_ =	shalt  }
0x4b: {  	_ =	shalt  }
0x4c: {  	_ =	shalt  }
0x4d: {  	_ =	shalt  }
0x4e: {  	_ =	shalt  }
0x4f: {  	_ =	shalt  }
0x50: {  	_ =	shalt  }
0x51: {  	_ =	shalt  }
0x52: {  	_ =	shalt  }
0x53: {  	_ =	shalt  }
0x54: {  	_ =	shalt  }
0x55: {  	_ =	shalt  }
0x56: {  	_ =	shalt  }
0x57: {  	_ =	shalt  }
0x58: {  	_ =	shalt  }
0x59: {  	_ =	shalt  }
0x5a: {  	_ =	shalt  }
0x5b: {  	_ =	shalt  }
0x5c: {  	_ =	shalt  }
0x5d: {  	_ =	shalt  }
0x5e: {  	_ =	shalt  }
0x5f: {  	_ =	shalt  }
0x60: {  	_ =	shalt  }
0x61: {  	_ =	shalt  }
0x62: {  	_ =	shalt  }
0x63: {  	_ =	shalt  }
0x64: {  	_ =	shalt  }
0x65: {  	_ =	shalt  }
0x66: {  	_ =	shalt  }
0x67: {  	_ =	shalt  }
0x68: {  	_ =	shalt  }
0x69: {  	_ =	shalt  }
0x6a: {  	_ =	shalt  }
0x6b: {  	_ =	shalt  }
0x6c: {  	_ =	shalt  }
0x6d: {  	_ =	shalt  }
0x6e: {  	_ =	shalt  }
0x6f: {  	_ =	shalt  }
0x70: {  	_ =	shalt  }
0x71: {  	_ =	shalt  }
0x72: {  	_ =	shalt  }
0x73: {  	_ =	shalt  }
0x74: {  	_ =	shalt  }
0x75: {  	_ =	shalt  }
0x76: {  	_ =	shalt  }
0x77: {  	_ =	shalt  }
0x78: {  	_ =	shalt  }
0x79: {  	_ =	shalt  }
0x7a: {  	_ =	shalt  }
0x7b: {  	_ =	shalt  }
0x7c: {  	_ =	shalt  }
0x7d: {  	_ =	shalt  }
0x7e: {  	_ =	shalt  }
0x7f: {  	_ =	shalt  }
0x80: {  	_ =	shalt  }
0x81: {  	_ =	shalt  }
0x82: {  	_ =	shalt  }
0x83: {  	_ =	shalt  }
0x84: {  	_ =	shalt  }
0x85: {  	_ =	shalt  }
0x86: {  	_ =	shalt  }
0x87: {  	_ =	shalt  }
.Lfunc_end0:
.L_simem_size_0:
called_computation_lowered:
.L_overlay_start_0:
0x88: {  	s2 =	sld [smem:$0x3FD9]  }
0x89: {  	s3 =	sld [smem:$0x3FFE];
	_ =	sdelay $0x1  }
0x8a: {  	s1 =	srdreg.scid  }
0x8b: {  	s0 =	sand.u32 $0x1, s1  }
0x8c: {  	s17 =	sshll.u32 s0, $0xA;
	s2 =	sadd.s32 s3, s2  }
0x8d: {  	s2 =	sadd.s32 s2, s17  }
0x8e: {  	[smem:$0x3FBE] =	sst s2  }
0x8f: {  	_ = 	snop  }
0x90: {  	s2 =	sld [smem:$0x3FC9]  }
0x91: {  	s18 =	sld [smem:$0x3FD0];
	(tm) =	ssettm $0x1  }
0x92: {  	s4 =	sld [smem:$0x3FFB];
	_ =	sdelay $0x3  }
0x93: {  	_ =	strace s4  }
0x94: {  	s4 =	sld [smem:$0x3FFC];
	_ =	sdelay $0x3  }
0x95: {  	_ =	strace s4  }
0x96: {  	s4 =	sld [smem:$0x3FFD];
	_ =	sdelay $0x3  }
0x97: {  	_ =	strace s4  }
0x98: {  	_ =	strace $0x8FFFFFFF  }
0x99: {  	s19 =	sld [smem:$0x3FDB];
	_ =	sdelay $0x1  }
0x9a: {  	s5 =	simm.s32 $_scs_section_size  }
0x9b: {  	s6 =	simm.s32 $_size__tile_overlayer_lowered;
	s7 =	simm.s32 $_tile_overlayer_lowered  }
0x9c: {  	s22 =	simm.s32 $0x1BFF;
	s21 =	sshll.u32 s7, $0x1;
	s4 =	sadd.s32 s5, s19  }
0x9d: {  	s8 =	simm.s32 $0x0;
	s20 =	sshll.u32 s6, $0x1;
	s6 =	sadd.s32 s21, s4  }
0x9e: {  	[timem:s8], [sflag:s22] =	dma.local [hbm:s6], s20  }
0x9f: {  	_ =	swait.ge [sflag:s22], s20  }
0xa0: {  	s5 =	ssub.s32 $0x0, s20;
	[sflag:s22] =	ssyncset.done $0x0  }
0xa1: {  	[sflag:s22] =	ssyncadd.s32 s5;
	_ =	sdelay $0x1  }
0xa2: {  	s23 =	simm.s32 $0x1B8B  }
0xa3: {  	_ =	swait.ge [sflag:s23], $0x1  }
0xa4: {  	[sflag:s23] =	ssyncset.done $0x0  }
0xa5: {  	s25 =	simm.s32 $0x1B8E;
	s24 =	sld [smem:$0x3FFE];
	[sflag:s23] =	ssyncadd.s32 $0xFFFFFFFF  }
0xa6: {  	s26 =	simm.s32 $execute0_lowered;
	[smem:$0x3FD2] =	sst s25  }
0xa7: {  	s6 =	sshll.u32 s26, $0x1;
	_ =	strace $0x80000046;
	[dreg:$0x1] =	wrdreg $0xFFFFFFFF  }
0xa8: {  	s28 =	simm.s32 $_size_execute0_lowered;
	s4 =	sadd.s32 s4, s6;
	[dreg:$0x0] =	wrdreg $0x0  }
0xa9: {  	s6 =	sshll.u32 s28, $0x1;
	[dreg:$0x2] =	wrdreg s4  }
0xaa: {  	[dreg:$0x3] =	wrdreg s6  }
0xab: {  	[dreg:$0x4] =	wrdreg $0xC0  }
0xac: {  	_ =	task [dreg:s8], $0x5FFFF  }
0xad: {  	[dreg:$0x1] =	wrdreg $0xFFFFFFFF  }
0xae: {  	[dreg:$0x0] =	wrdreg $0x60  }
0xaf: {  	[dreg:$0x2] =	wrdreg s24  }
0xb0: {  	[dreg:$0x3] =	wrdreg s2  }
0xb1: {  	[dreg:$0x4] =	wrdreg s18  }
0xb2: {  	[dreg:$0x5] =	wrdreg $0x77600  }
0xb3: {  	[dreg:$0x6] =	wrdreg $0x1B4E00  }
0xb4: {  	[dreg:$0x7] =	wrdreg $0x9  }
0xb5: {  	_ =	task.clear_ibuf [dreg:s8], $0x8FFFF;
	_ =	strace $0x90000046  }
0xb6: {  	s29 =	simm.s32 $0x9;
	_ =	strace $0x80000048  }
0xb7: {  	_ =	swait.ge [sflag:s29], $0x1  }
0xb8: {  	[sflag:s29] =	ssyncadd.s32 $0xFFFFFFFF  }
0xb9: {  	_ =	strace $0x90000048  }
0xba: {  	_ =	sfence  }
0xbb: {  	s30 =	sld [smem:$0x0];
	_ =	sdelay $0x2  }
0xbc: {  	s31 =	sshll.u32 s1, $0xD;
	s1 =	sshrl.u32 s1, $0x2  }
0xbd: {  	s3 =	sand.u32 $0x4000, s31;
	s1 =	sadd.s32 s1, s30  }
0xbe: {  	s0 =	sor.u32 s3, s0;
	s1 =	sshll.u32 s1, $0x11  }
0xbf: {  	s0 =	sor.u32 s1, s0  }
0xc0: {  	s0 =	sadd.s32 $0x8F2B, s0  }
0xc1: {  	[sflag:s0] =	ssyncadd.remote.s32 $0x1  }
0xc2: {  	_ =	sfence.sel $0xFFFF  }
0xc3: {  	[dreg:$0x0] =	wrdreg $0xFFFFFFFF;
	(pc) =	sbr.abs _section_cstart, $3  }
0xc4: {  	[dreg:$0x1] =	wrdreg $0xFFFFFFFF  }
0xc5: {  	_ =	task.clear_ibuf [dreg:s8], $0x2FFFF;
	_ =	strace $0x9FFFFFFF  }
0xc6: {  	(tm) =	ssettm $0x7FFFFFFF  }
0xc7: {  	_ =	shalt  }
tec
execute0_lowered:
.L_overlay_start_1:
0x0: {  	(tag) =	ssettag $0x1  }
0x1: {  	s0 =	rddreg [dreg:$0x0]  }
0x2: {  	s2 =	srdreg.scid;
	s1 =	rddreg [dreg:$0x1]  }
0x3: {  	s5 =	rddreg [dreg:$0x2];
	s15 =	stileid.u32  }
0x4: {  	s3 =	rddreg [dreg:$0x3];
	s8 =	simm.s32 $0x0;
	s7 =	smul.u32 $0x13880, s15  }
0x5: {  	s30 =	simm.s32 $0x13B0;
	s31 =	simm.s32 $0x2760;
	s11 =	smul.u32 $0x271, s15  }
0x6: {  	s2 =	sand.u32 $0x1, s2;
	[smem:$0x7FF] =	sst s8;
	s23 =	smul.u32 $0x2710, s15  }
0x7: {  	s4 =	sshll.u32 s2, $0x4;
	s26 =	smul.u32 $0x138800, s2;
	s9 =	ssub.s32 $0x2, s2  }
0x8: {  	s2 =	smul.u32 $0x27100, s2;
	s6 =	sor.u32 s15, s4;
	s4 =	rddreg [dreg:$0x4]  }
0x9: {  	_ =	strace $0x80000047;
	s10 =	sshrl.u32 s9, $0x1;
	s18 =	sadd.s32 $0xA0, s11  }
0xa: {  	s14 =	sadd.s32 $0xF0, s11;
	s22 =	sadd.s32 $0x140, s11;
	s16 =	sadd.s32 $0x190, s11  }
0xb: {  	s17 =	sadd.s32 $0x1E0, s11;
	s6 =	smul.u32 $0x2710, s6;
	s8 =	sadd.s32 s7, s26  }
0xc: {  	s13 =	sshll.u32 s18, $0x7;
	s21 =	sshll.u32 s14, $0x7;
	s24 =	sshll.u32 s22, $0x7  }
0xd: {  	s25 =	sshll.u32 s16, $0x7;
	s26 =	sshll.u32 s17, $0x7;
	s2 =	sadd.s32 s23, s2  }
0xe: {  	s18 =	sshll.u32 s18, $0x4;
	s8 =	sshrl.u32 s8, $0x3;
	s20 =	sadd.s32 s13, s3  }
0xf: {  	s15 =	sadd.s32 s24, s3;
	s2 =	sshrl.u32 s2, $0x3;
	[dreg:$0x7] =	wrdreg s20  }
0x10: {  	s24 =	sshll.u32 s17, $0x4;
	s6 =	sshrl.u32 s6, $0x3;
	[dreg:$0x9] =	wrdreg s15  }
0x11: {  	s15 =	sadd.s32 s25, s3;
	s2 =	sadd.s32 s5, s2;
	s20 =	sshll.u32 s22, $0x4  }
0x12: {  	s12 =	sadd.s32 s6, s0;
	s0 =	sadd.s32 s8, s0;
	s8 =	ssub.s32 s9, s10  }
0x13: {  	s6 =	sadd.s32 s7, s3;
	s9 =	sadd.s32 $0x50, s11;
	[dreg:$0xa] =	wrdreg s15  }
0x14: {  	s15 =	sadd.s32 s26, s3;
	s11 =	sadd.s32 $0x230, s11;
	[dreg:$0xc] =	wrdreg s2  }
0x15: {  	s22 =	sadd.s32 s20, s4;
	s26 =	sadd.s32 s24, s4;
	s19 =	sshll.u32 s9, $0x7  }
0x16: {  	[dreg:$0xb] =	wrdreg s15;
	s5 =	sshll.u32 s11, $0x7;
	s7 =	sshll.u32 s9, $0x4  }
0x17: {  	s15 =	sadd.s32 s23, s4;
	[dreg:$0x11] =	wrdreg s22;
	s23 =	sshll.u32 s16, $0x4  }
0x18: {  	s25 =	sshll.u32 s11, $0x4;
	[dreg:$0x13] =	wrdreg s26;
	s24 =	sadd.s32 $0xC640, s12  }
0x19: {  	s26 =	sadd.s32 $0xC8B6, s12;
	s28 =	sadd.s32 $0x16400, s0;
	s29 =	smax.u32 s8, $0x1  }
0x1a: {  	s0 =	simm.s32 $0x1AFE0;
	s8 =	simm.s32 $0x50;
	s9 =	simm.s32 $0x4F60  }
0x1b: {  	s11 =	simm.s32 $0x2;
	s16 =	simm.s32 $0x0;
	s10 =	sadd.s32 s19, s3  }
0x1c: {  	s2 =	sadd.s32 s5, s3;
	s13 =	sadd.s32 s7, s4;
	[dreg:$0x6] =	wrdreg s10  }
0x1d: {  	s19 =	sshll.u32 s14, $0x4;
	s22 =	sadd.s32 s25, s4;
	[dreg:$0xd] =	wrdreg s2  }
0x1e: {  	s25 =	sadd.s32 $0x2C76, s12;
	s10 =	sadd.s32 s21, s3;
	[dreg:$0xe] =	wrdreg s13  }
0x1f: {  	s5 =	simm.s32 $0x3;
	s2 =	sadd.s32 s18, s4;
	[dreg:$0x8] =	wrdreg s10  }
0x20: {  	s7 =	simm.s32 $0x4;
	s21 =	sadd.s32 s19, s4;
	[dreg:$0xf] =	wrdreg s2  }
0x21: {  	s14 =	simm.s32 $0x26C0;
	s13 =	simm.s32 $0x2670;
	[dreg:$0x10] =	wrdreg s21  }
0x22: {  	s2 =	sadd.s32 s23, s4;
	s23 =	sadd.s32 $0x2A00, s12;
	s10 =	simm.s32 $0x1  }
0x23: {  	v0 =	vimm.f32 $0.0e+00;
	v1 =	vimm.f32 $1.000000000e+00;
	s12 =	simm.s32 $0x2710;
	[dreg:$0x12] =	wrdreg s2;
	s2 =	simm.s32 $0x5  }
.LBB2_1:
0x24: {  	s17 =	simm.s32 $0x0  }
0x25: {  	[tilespmem:s17], [sflag:$0x3] =	stream.linear.gather [hbm4b:s23+s17], $0x13B0, $0x38;
	[tilespmem:$0x1DBF0] =	vst v63  }
0x26: {  	_ = 	snop  }
0x27: {  	[tilespmem:s30], [sflag:$0x4] =	stream.linear.gather [hbm4b:s24+s17], $0x13B0, $0x38;
	[tilespmem:$0x1DBF0] =	vst v63  }
0x28: {  	s18 =	simm.s32 $0x200;
	s17 =	simm.s32 $0x0  }
.LBB2_2:
0x29: {  	p0 =	sne.s32 s18, $0x9E00;
	[tilespmem:s17+$0x27D0] =	vst v0  }
0x2a: {  	[tilespmem:s17+$0x2760] =	vst v0  }
0x2b: {  	[tilespmem:s17+$0x2770] =	vst v0  }
.Ltmp0:
0x2c: {  	[tilespmem:s17+$0x2780] =	vst v0;
	(pc) =	sbr.rel @p0 .LBB2_2-.Ltmp0, $4  }
0x2d: {  	[tilespmem:s17+$0x2790] =	vst v0  }
0x2e: {  	[tilespmem:s17+$0x27A0] =	vst v0  }
0x2f: {  	[tilespmem:s17+$0x27B0] =	vst v0  }
0x30: {  	[tilespmem:s17+$0x27C0] =	vst v0;
	s17 =	sshra.s32 s18, $0x2;
	s18 =	sadd.s32 $0x200, s18  }
0x31: {  	[tilespmem:s17+$0x27D0] =	vst v0  }
0x32: {  	[tilespmem:s17+$0x2760] =	vst v0  }
0x33: {  	[tilespmem:s17+$0x2770] =	vst v0  }
0x34: {  	[tilespmem:s17+$0x2780] =	vst v0  }
0x35: {  	[tilespmem:s17+$0x2790] =	vst v0  }
0x36: {  	[tilespmem:s17+$0x27A0] =	vst v0  }
0x37: {  	[tilespmem:s17+$0x27B0] =	vst v0  }
0x38: {  	[tilespmem:s17+$0x27C0] =	vst v0  }
0x39: {  	[spmem:s6] =	stream.linear.scatter [tilespmem:s31], [sflag:$0x5], $0x2800, $0x38;
	[tilespmem:$0x1DBF0] =	vst v63  }
0x3a: {  	_ =	swait.ge [sflag:s2], $0x2800  }
0x3b: {  	[sflag:s2] =	ssyncset.done $0x0  }
0x3c: {  	s19 =	rddreg [dreg:$0x6];
	[sflag:s2] =	ssyncadd.s32 $0xFFFFD800  }
0x3d: {  	[spmem:s19] =	stream.linear.scatter [tilespmem:s31], [sflag:$0x5], $0x2800, $0x38;
	[tilespmem:$0x1DBF0] =	vst v63  }
0x3e: {  	_ =	swait.ge [sflag:s2], $0x2800  }
0x3f: {  	[sflag:s2] =	ssyncset.done $0x0  }
0x40: {  	s20 =	rddreg [dreg:$0x7];
	[sflag:s2] =	ssyncadd.s32 $0xFFFFD800  }
0x41: {  	[spmem:s20] =	stream.linear.scatter [tilespmem:s31], [sflag:$0x5], $0x2800, $0x38;
	[tilespmem:$0x1DBF0] =	vst v63  }
0x42: {  	_ =	swait.ge [sflag:s2], $0x2800  }
0x43: {  	[sflag:s2] =	ssyncset.done $0x0  }
0x44: {  	s21 =	rddreg [dreg:$0x8];
	[sflag:s2] =	ssyncadd.s32 $0xFFFFD800  }
0x45: {  	[spmem:s21] =	stream.linear.scatter [tilespmem:s31], [sflag:$0x5], $0x2800, $0x38;
	[tilespmem:$0x1DBF0] =	vst v63  }
0x46: {  	_ =	swait.ge [sflag:s2], $0x2800  }
0x47: {  	[sflag:s2] =	ssyncset.done $0x0  }
0x48: {  	s18 =	rddreg [dreg:$0x9];
	[sflag:s2] =	ssyncadd.s32 $0xFFFFD800  }
0x49: {  	[spmem:s18] =	stream.linear.scatter [tilespmem:s31], [sflag:$0x5], $0x2800, $0x38;
	[tilespmem:$0x1DBF0] =	vst v63  }
0x4a: {  	_ =	swait.ge [sflag:s2], $0x2800  }
0x4b: {  	[sflag:s2] =	ssyncset.done $0x0  }
0x4c: {  	s19 =	rddreg [dreg:$0xa];
	[sflag:s2] =	ssyncadd.s32 $0xFFFFD800  }
0x4d: {  	[spmem:s19] =	stream.linear.scatter [tilespmem:s31], [sflag:$0x5], $0x2800, $0x38;
	[tilespmem:$0x1DBF0] =	vst v63  }
0x4e: {  	_ =	swait.ge [sflag:s2], $0x2800  }
0x4f: {  	[sflag:s2] =	ssyncset.done $0x0  }
0x50: {  	s20 =	rddreg [dreg:$0xb];
	[sflag:s2] =	ssyncadd.s32 $0xFFFFD800  }
0x51: {  	[spmem:s20] =	stream.linear.scatter [tilespmem:s31], [sflag:$0x5], $0x2800, $0x38;
	[tilespmem:$0x1DBF0] =	vst v63  }
0x52: {  	_ =	swait.ge [sflag:s2], $0x2800  }
0x53: {  	[sflag:s2] =	ssyncset.done $0x0  }
0x54: {  	s21 =	rddreg [dreg:$0xd];
	[sflag:s2] =	ssyncadd.s32 $0xFFFFD800  }
0x55: {  	[spmem:s21] =	stream.linear.scatter [tilespmem:s31], [sflag:$0x5], $0x2080, $0x38;
	[tilespmem:$0x1DBF0] =	vst v63  }
0x56: {  	_ =	swait.ge [sflag:s2], $0x2080  }
0x57: {  	[sflag:s2] =	ssyncset.done $0x0  }
0x58: {  	s17 =	simm.s32 $0x40;
	s18 =	simm.s32 $0x0;
	[sflag:s2] =	ssyncadd.s32 $0xFFFFDF80  }
.LBB2_4:
0x59: {  	p0 =	sne.s32 s17, $0x13C0;
	[tilespmem:s18+$0x1AFE0] =	vst v0;
	s18 =	smov.u32 s17;
	s17 =	sadd.s32 $0x40, s17  }
.Ltmp1:
0x5a: {  	(pc) =	sbr.rel @p0 .LBB2_4-.Ltmp1, $2  }
0x5b: {  	_ =	sdelay $0x2  }
0x5c: {  	s18 =	sshra.s32 s18, $0x2  }
0x5d: {  	[tilespmem:s18+$0x1AFE0] =	vst v0  }
0x5e: {  	[spmem:s15] =	stream.linear.scatter [tilespmem:s0], [sflag:$0x5], $0x500, $0x38;
	[tilespmem:$0x1DBF0] =	vst v63  }
0x5f: {  	_ =	swait.ge [sflag:s2], $0x500  }
0x60: {  	[sflag:s2] =	ssyncset.done $0x0  }
0x61: {  	s17 =	rddreg [dreg:$0xe];
	[sflag:s2] =	ssyncadd.s32 $0xFFFFFB00  }
0x62: {  	[spmem:s17] =	stream.linear.scatter [tilespmem:s0], [sflag:$0x5], $0x500, $0x38;
	[tilespmem:$0x1DBF0] =	vst v63  }
0x63: {  	_ =	swait.ge [sflag:s2], $0x500  }
0x64: {  	[sflag:s2] =	ssyncset.done $0x0  }
0x65: {  	s21 =	rddreg [dreg:$0xf];
	[sflag:s2] =	ssyncadd.s32 $0xFFFFFB00  }
0x66: {  	[spmem:s21] =	stream.linear.scatter [tilespmem:s0], [sflag:$0x5], $0x500, $0x38;
	[tilespmem:$0x1DBF0] =	vst v63  }
0x67: {  	_ =	swait.ge [sflag:s2], $0x500  }
0x68: {  	[sflag:s2] =	ssyncset.done $0x0  }
0x69: {  	s18 =	rddreg [dreg:$0x10];
	[sflag:s2] =	ssyncadd.s32 $0xFFFFFB00  }
0x6a: {  	[spmem:s18] =	stream.linear.scatter [tilespmem:s0], [sflag:$0x5], $0x500, $0x38;
	[tilespmem:$0x1DBF0] =	vst v63  }
0x6b: {  	_ =	swait.ge [sflag:s2], $0x500  }
0x6c: {  	[sflag:s2] =	ssyncset.done $0x0  }
0x6d: {  	s19 =	rddreg [dreg:$0x11];
	[sflag:s2] =	ssyncadd.s32 $0xFFFFFB00  }
0x6e: {  	[spmem:s19] =	stream.linear.scatter [tilespmem:s0], [sflag:$0x5], $0x500, $0x38;
	[tilespmem:$0x1DBF0] =	vst v63  }
0x6f: {  	_ =	swait.ge [sflag:s2], $0x500  }
0x70: {  	[sflag:s2] =	ssyncset.done $0x0  }
0x71: {  	s20 =	rddreg [dreg:$0x12];
	[sflag:s2] =	ssyncadd.s32 $0xFFFFFB00  }
0x72: {  	[spmem:s20] =	stream.linear.scatter [tilespmem:s0], [sflag:$0x5], $0x500, $0x38;
	[tilespmem:$0x1DBF0] =	vst v63  }
0x73: {  	_ =	swait.ge [sflag:s2], $0x500  }
0x74: {  	[sflag:s2] =	ssyncset.done $0x0  }
0x75: {  	s21 =	rddreg [dreg:$0x13];
	[sflag:s2] =	ssyncadd.s32 $0xFFFFFB00  }
0x76: {  	[spmem:s21] =	stream.linear.scatter [tilespmem:s0], [sflag:$0x5], $0x500, $0x38;
	[tilespmem:$0x1DBF0] =	vst v63  }
0x77: {  	_ =	swait.ge [sflag:s2], $0x500  }
0x78: {  	[sflag:s2] =	ssyncset.done $0x0  }
0x79: {  	[sflag:s2] =	ssyncadd.s32 $0xFFFFFB00  }
0x7a: {  	[spmem:s22] =	stream.linear.scatter [tilespmem:s0], [sflag:$0x5], $0x410, $0x38;
	[tilespmem:$0x1DBF0] =	vst v63  }
0x7b: {  	_ =	swait.ge [sflag:s2], $0x410  }
0x7c: {  	[sflag:s2] =	ssyncset.done $0x0  }
0x7d: {  	s17 =	simm.s32 $0x40;
	s18 =	simm.s32 $0x0;
	[sflag:s2] =	ssyncadd.s32 $0xFFFFFBF0  }
.LBB2_6:
0x7e: {  	p0 =	sne.s32 s17, $0x13C0;
	[tilespmem:s18+$0x1AFE0] =	vst v1;
	s18 =	smov.u32 s17;
	s17 =	sadd.s32 $0x40, s17  }
.Ltmp2:
0x7f: {  	(pc) =	sbr.rel @p0 .LBB2_6-.Ltmp2, $2  }
0x80: {  	_ =	sdelay $0x2  }
0x81: {  	s18 =	sshra.s32 s18, $0x2  }
0x82: {  	[tilespmem:s18+$0x1AFE0] =	vst v1  }
0x83: {  	[bflag:$0x0] =	sbarrier.arrive $0xFFFF  }
0x84: {  	_ =	swait.ge [sflag:s5], $0x13B0  }
0x85: {  	[sflag:s5] =	ssyncset.done $0x0  }
0x86: {  	[sflag:s5] =	ssyncadd.s32 $0xFFFFEC50  }
0x87: {  	_ =	swait.ge [sflag:s7], $0x13B0  }
0x88: {  	[sflag:s7] =	ssyncset.done $0x0  }
0x89: {  	s17 =	simm.s32 $0x0;
	[sflag:s7] =	ssyncadd.s32 $0xFFFFEC50  }
0x8a: {  	[tilespmem:s31], [sflag:$0x1] =	stream.indirect.gather [hbm4b:s1+s8], $0x80, s17, s8, $0xb8;
	[tilespmem:$0x1DBF0] =	vst v63  }
0x8b: {  	s18 =	simm.s32 $0x50  }
0x8c: {  	[tilespmem:s9], [sflag:$0x2] =	stream.indirect.gather [hbm4b:s1+s8], $0x80, s18, s8, $0xb8;
	[tilespmem:$0x1DBF0] =	vst v63  }
0x8d: {  	_ =	swait.ge [sflag:s10], $0x2800  }
0x8e: {  	[sflag:s10] =	ssyncset.done $0x0  }
0x8f: {  	s19 =	simm.s32 $0x13B0;
	[sflag:s10] =	ssyncadd.s32 $0xFFFFD800  }
0x90: {  	[spmem:s3] =	stream.indirect.scatter.add.f32 [tilespmem:s31], [sflag:$0x5], $0x80, s19, s8, $0xb8;
	[tilespmem:$0x1DBF0] =	vst v63  }
0x91: {  	_ =	swait.ge [sflag:s2], $0x2800  }
0x92: {  	[sflag:s2] =	ssyncset.done $0x0  }
0x93: {  	[sflag:s2] =	ssyncadd.s32 $0xFFFFD800  }
0x94: {  	[spmem:s4] =	stream.indirect.scatter.add.f32 [tilespmem:s0], [sflag:$0x5], $0x10, s19, s8, $0xb8;
	[tilespmem:$0x1DBF0] =	vst v63  }
0x95: {  	_ =	swait.ge [sflag:s2], $0x500  }
0x96: {  	[sflag:s2] =	ssyncset.done $0x0  }
0x97: {  	s20 =	simm.s32 $0xA0;
	[sflag:s2] =	ssyncadd.s32 $0xFFFFFB00  }
0x98: {  	[tilespmem:s31], [sflag:$0x1] =	stream.indirect.gather [hbm4b:s1+s8], $0x80, s20, s8, $0xb8;
	[tilespmem:$0x1DBF0] =	vst v63  }
0x99: {  	_ =	swait.ge [sflag:s11], $0x2800  }
0x9a: {  	[sflag:s11] =	ssyncset.done $0x0  }
0x9b: {  	s21 =	simm.s32 $0x1400;
	[sflag:s11] =	ssyncadd.s32 $0xFFFFD800  }
0x9c: {  	[spmem:s3] =	stream.indirect.scatter.add.f32 [tilespmem:s9], [sflag:$0x5], $0x80, s21, s8, $0xb8;
	[tilespmem:$0x1DBF0] =	vst v63  }
0x9d: {  	_ =	swait.ge [sflag:s2], $0x2800  }
0x9e: {  	[sflag:s2] =	ssyncset.done $0x0  }
0x9f: {  	[sflag:s2] =	ssyncadd.s32 $0xFFFFD800  }
0xa0: {  	[spmem:s4] =	stream.indirect.scatter.add.f32 [tilespmem:s0], [sflag:$0x5], $0x10, s21, s8, $0xb8;
	[tilespmem:$0x1DBF0] =	vst v63  }
0xa1: {  	_ =	swait.ge [sflag:s2], $0x500  }
0xa2: {  	s17 =	simm.s32 $0xA0;
	s18 =	simm.s32 $0x500;
	[sflag:s2] =	ssyncset.done $0x0  }
.LBB2_8:
0xa3: {  	s19 =	sadd.s32 $0x50, s17  }
0xa4: {  	[sflag:s2] =	ssyncadd.s32 $0xFFFFFB00;
	s20 =	smov.u32 s18;
	s21 =	sadd.s32 $0x280, s18  }
0xa5: {  	[tilespmem:s9], [sflag:$0x2] =	stream.indirect.gather [hbm4b:s1+s8], $0x80, s19, s8, $0xb8;
	[tilespmem:$0x1DBF0] =	vst v63  }
0xa6: {  	p0 =	sne.s32 s18, $0x4B00;
	_ =	swait.ge [sflag:s10], $0x2800  }
0xa7: {  	[sflag:s10] =	ssyncset.done $0x0  }
0xa8: {  	s18 =	sadd.s32 $0x13B0, s17;
	[sflag:s10] =	ssyncadd.s32 $0xFFFFD800  }
0xa9: {  	[spmem:s3] =	stream.indirect.scatter.add.f32 [tilespmem:s31], [sflag:$0x5], $0x80, s18, s8, $0xb8;
	[tilespmem:$0x1DBF0] =	vst v63  }
0xaa: {  	_ =	swait.ge [sflag:s2], $0x2800  }
0xab: {  	[sflag:s2] =	ssyncset.done $0x0  }
0xac: {  	[sflag:s2] =	ssyncadd.s32 $0xFFFFD800  }
0xad: {  	[spmem:s4] =	stream.indirect.scatter.add.f32 [tilespmem:s0], [sflag:$0x5], $0x10, s18, s8, $0xb8;
	[tilespmem:$0x1DBF0] =	vst v63  }
0xae: {  	_ =	swait.ge [sflag:s2], $0x500  }
0xaf: {  	[sflag:s2] =	ssyncset.done $0x0  }
0xb0: {  	s18 =	sadd.s32 $0xA0, s17;
	[sflag:s2] =	ssyncadd.s32 $0xFFFFFB00  }
0xb1: {  	[tilespmem:s31], [sflag:$0x1] =	stream.indirect.gather [hbm4b:s1+s8], $0x80, s18, s8, $0xb8;
	[tilespmem:$0x1DBF0] =	vst v63  }
0xb2: {  	_ =	swait.ge [sflag:s11], $0x2800  }
0xb3: {  	[sflag:s11] =	ssyncset.done $0x0  }
0xb4: {  	s17 =	sadd.s32 $0x1400, s17;
	[sflag:s11] =	ssyncadd.s32 $0xFFFFD800  }
0xb5: {  	[spmem:s3] =	stream.indirect.scatter.add.f32 [tilespmem:s9], [sflag:$0x5], $0x80, s17, s8, $0xb8;
	[tilespmem:$0x1DBF0] =	vst v63  }
0xb6: {  	_ =	swait.ge [sflag:s2], $0x2800  }
.Ltmp3:
0xb7: {  	[sflag:s2] =	ssyncset.done $0x0;
	(pc) =	sbr.rel @p0 .LBB2_8-.Ltmp3, $4  }
0xb8: {  	[sflag:s2] =	ssyncadd.s32 $0xFFFFD800  }
0xb9: {  	[spmem:s4] =	stream.indirect.scatter.add.f32 [tilespmem:s0], [sflag:$0x5], $0x10, s17, s8, $0xb8;
	[tilespmem:$0x1DBF0] =	vst v63  }
0xba: {  	_ =	swait.ge [sflag:s2], $0x500  }
0xbb: {  	s18 =	smov.u32 s21;
	s17 =	sshra.s32 s20, $0x2;
	[sflag:s2] =	ssyncset.done $0x0  }
0xbc: {  	s18 =	sadd.s32 $0x50, s17;
	[sflag:s2] =	ssyncadd.s32 $0xFFFFFB00  }
0xbd: {  	[tilespmem:s9], [sflag:$0x2] =	stream.indirect.gather [hbm4b:s1+s8], $0x80, s18, s8, $0xb8;
	[tilespmem:$0x1DBF0] =	vst v63  }
0xbe: {  	_ =	swait.ge [sflag:s10], $0x2800  }
0xbf: {  	[sflag:s10] =	ssyncset.done $0x0  }
0xc0: {  	s21 =	sadd.s32 $0x13B0, s17;
	[sflag:s10] =	ssyncadd.s32 $0xFFFFD800  }
0xc1: {  	[spmem:s3] =	stream.indirect.scatter.add.f32 [tilespmem:s31], [sflag:$0x5], $0x80, s21, s8, $0xb8;
	[tilespmem:$0x1DBF0] =	vst v63  }
0xc2: {  	_ =	swait.ge [sflag:s2], $0x2800  }
0xc3: {  	[sflag:s2] =	ssyncset.done $0x0  }
0xc4: {  	[sflag:s2] =	ssyncadd.s32 $0xFFFFD800  }
0xc5: {  	[spmem:s4] =	stream.indirect.scatter.add.f32 [tilespmem:s0], [sflag:$0x5], $0x10, s21, s8, $0xb8;
	[tilespmem:$0x1DBF0] =	vst v63  }
0xc6: {  	_ =	swait.ge [sflag:s2], $0x500  }
0xc7: {  	[sflag:s2] =	ssyncset.done $0x0  }
0xc8: {  	s19 =	sadd.s32 $0xA0, s17;
	[sflag:s2] =	ssyncadd.s32 $0xFFFFFB00  }
0xc9: {  	[tilespmem:s31], [sflag:$0x1] =	stream.indirect.gather [hbm4b:s1+s8], $0x80, s19, s8, $0xb8;
	[tilespmem:$0x1DBF0] =	vst v63  }
0xca: {  	_ =	swait.ge [sflag:s11], $0x2800  }
0xcb: {  	[sflag:s11] =	ssyncset.done $0x0  }
0xcc: {  	s20 =	sadd.s32 $0x1400, s17;
	[sflag:s11] =	ssyncadd.s32 $0xFFFFD800  }
0xcd: {  	[spmem:s3] =	stream.indirect.scatter.add.f32 [tilespmem:s9], [sflag:$0x5], $0x80, s20, s8, $0xb8;
	[tilespmem:$0x1DBF0] =	vst v63  }
0xce: {  	_ =	swait.ge [sflag:s2], $0x2800  }
0xcf: {  	[sflag:s2] =	ssyncset.done $0x0  }
0xd0: {  	[sflag:s2] =	ssyncadd.s32 $0xFFFFD800  }
0xd1: {  	[spmem:s4] =	stream.indirect.scatter.add.f32 [tilespmem:s0], [sflag:$0x5], $0x10, s20, s8, $0xb8;
	[tilespmem:$0x1DBF0] =	vst v63  }
0xd2: {  	_ =	swait.ge [sflag:s2], $0x500  }
0xd3: {  	[sflag:s2] =	ssyncset.done $0x0  }
0xd4: {  	[sflag:s2] =	ssyncadd.s32 $0xFFFFFB00  }
0xd5: {  	_ =	swait.ge [sflag:s10], $0x2800  }
0xd6: {  	[sflag:s10] =	ssyncset.done $0x0  }
0xd7: {  	[sflag:s10] =	ssyncadd.s32 $0xFFFFD800  }
0xd8: {  	[spmem:s3] =	stream.indirect.scatter.add.f32 [tilespmem:s31], [sflag:$0x5], $0x80, s12, s8, $0xb8;
	[tilespmem:$0x1DBF0] =	vst v63  }
0xd9: {  	_ =	swait.ge [sflag:s2], $0x2800  }
0xda: {  	[sflag:s2] =	ssyncset.done $0x0  }
0xdb: {  	[sflag:s2] =	ssyncadd.s32 $0xFFFFD800  }
0xdc: {  	[spmem:s4] =	stream.indirect.scatter.add.f32 [tilespmem:s0], [sflag:$0x5], $0x10, s12, s8, $0xb8;
	[tilespmem:$0x1DBF0] =	vst v63  }
0xdd: {  	_ =	swait.ge [sflag:s2], $0x500  }
0xde: {  	[sflag:s2] =	ssyncset.done $0x0  }
0xdf: {  	s21 =	simm.s32 $0x0;
	[sflag:s2] =	ssyncadd.s32 $0xFFFFFB00  }
0xe0: {  	[tilespmem:s21], [sflag:$0x5] =	stream.linear.gather [hbm4b:s25+s21], $0x1360, $0x38;
	[tilespmem:$0x1DBF0] =	vst v63  }
0xe1: {  	_ =	swait.ge [sflag:s2], $0x1360  }
0xe2: {  	[sflag:s2] =	ssyncset.done $0x0  }
0xe3: {  	[sflag:s2] =	ssyncadd.s32 $0xFFFFECA0  }
0xe4: {  	[tilespmem:s30], [sflag:$0x5] =	stream.linear.gather [hbm4b:s26+s21], $0x1360, $0x38;
	[tilespmem:$0x1DBF0] =	vst v63  }
0xe5: {  	_ =	swait.ge [sflag:s2], $0x1360  }
0xe6: {  	[sflag:s2] =	ssyncset.done $0x0  }
0xe7: {  	[sflag:s2] =	ssyncadd.s32 $0xFFFFECA0  }
0xe8: {  	[tilespmem:s31], [sflag:$0x1] =	stream.indirect.gather [hbm4b:s1+s8], $0x80, s21, s8, $0xb8;
	[tilespmem:$0x1DBF0] =	vst v63  }
0xe9: {  	s18 =	simm.s32 $0x50  }
0xea: {  	[tilespmem:s9], [sflag:$0x2] =	stream.indirect.gather [hbm4b:s1+s8], $0x80, s18, s8, $0xb8;
	[tilespmem:$0x1DBF0] =	vst v63  }
0xeb: {  	_ =	swait.ge [sflag:s10], $0x2800  }
0xec: {  	[sflag:s10] =	ssyncset.done $0x0  }
0xed: {  	s19 =	simm.s32 $0x13B0;
	[sflag:s10] =	ssyncadd.s32 $0xFFFFD800  }
0xee: {  	[spmem:s3] =	stream.indirect.scatter.add.f32 [tilespmem:s31], [sflag:$0x5], $0x80, s19, s8, $0xb8;
	[tilespmem:$0x1DBF0] =	vst v63  }
0xef: {  	_ =	swait.ge [sflag:s2], $0x2800  }
0xf0: {  	[sflag:s2] =	ssyncset.done $0x0  }
0xf1: {  	[sflag:s2] =	ssyncadd.s32 $0xFFFFD800  }
0xf2: {  	[spmem:s4] =	stream.indirect.scatter.add.f32 [tilespmem:s0], [sflag:$0x5], $0x10, s19, s8, $0xb8;
	[tilespmem:$0x1DBF0] =	vst v63  }
0xf3: {  	_ =	swait.ge [sflag:s2], $0x500  }
0xf4: {  	[sflag:s2] =	ssyncset.done $0x0  }
0xf5: {  	s20 =	simm.s32 $0xA0;
	[sflag:s2] =	ssyncadd.s32 $0xFFFFFB00  }
0xf6: {  	[tilespmem:s31], [sflag:$0x1] =	stream.indirect.gather [hbm4b:s1+s8], $0x80, s20, s8, $0xb8;
	[tilespmem:$0x1DBF0] =	vst v63  }
0xf7: {  	_ =	swait.ge [sflag:s11], $0x2800  }
0xf8: {  	[sflag:s11] =	ssyncset.done $0x0  }
0xf9: {  	s21 =	simm.s32 $0x1400;
	[sflag:s11] =	ssyncadd.s32 $0xFFFFD800  }
0xfa: {  	[spmem:s3] =	stream.indirect.scatter.add.f32 [tilespmem:s9], [sflag:$0x5], $0x80, s21, s8, $0xb8;
	[tilespmem:$0x1DBF0] =	vst v63  }
0xfb: {  	_ =	swait.ge [sflag:s2], $0x2800  }
0xfc: {  	[sflag:s2] =	ssyncset.done $0x0  }
0xfd: {  	[sflag:s2] =	ssyncadd.s32 $0xFFFFD800  }
0xfe: {  	[spmem:s4] =	stream.indirect.scatter.add.f32 [tilespmem:s0], [sflag:$0x5], $0x10, s21, s8, $0xb8;
	[tilespmem:$0x1DBF0] =	vst v63  }
0xff: {  	_ =	swait.ge [sflag:s2], $0x500  }
0x100: {  	s17 =	simm.s32 $0xA0;
	s18 =	simm.s32 $0x500;
	[sflag:s2] =	ssyncset.done $0x0  }
.LBB2_10:
0x101: {  	s19 =	sadd.s32 $0x50, s17  }
0x102: {  	[sflag:s2] =	ssyncadd.s32 $0xFFFFFB00;
	s20 =	smov.u32 s18;
	s21 =	sadd.s32 $0x280, s18  }
0x103: {  	[tilespmem:s9], [sflag:$0x2] =	stream.indirect.gather [hbm4b:s1+s8], $0x80, s19, s8, $0xb8;
	[tilespmem:$0x1DBF0] =	vst v63  }
0x104: {  	p0 =	sne.s32 s18, $0x4880;
	_ =	swait.ge [sflag:s10], $0x2800  }
0x105: {  	[sflag:s10] =	ssyncset.done $0x0  }
0x106: {  	s18 =	sadd.s32 $0x13B0, s17;
	[sflag:s10] =	ssyncadd.s32 $0xFFFFD800  }
0x107: {  	[spmem:s3] =	stream.indirect.scatter.add.f32 [tilespmem:s31], [sflag:$0x5], $0x80, s18, s8, $0xb8;
	[tilespmem:$0x1DBF0] =	vst v63  }
0x108: {  	_ =	swait.ge [sflag:s2], $0x2800  }
0x109: {  	[sflag:s2] =	ssyncset.done $0x0  }
0x10a: {  	[sflag:s2] =	ssyncadd.s32 $0xFFFFD800  }
0x10b: {  	[spmem:s4] =	stream.indirect.scatter.add.f32 [tilespmem:s0], [sflag:$0x5], $0x10, s18, s8, $0xb8;
	[tilespmem:$0x1DBF0] =	vst v63  }
0x10c: {  	_ =	swait.ge [sflag:s2], $0x500  }
0x10d: {  	[sflag:s2] =	ssyncset.done $0x0  }
0x10e: {  	s18 =	sadd.s32 $0xA0, s17;
	[sflag:s2] =	ssyncadd.s32 $0xFFFFFB00  }
0x10f: {  	[tilespmem:s31], [sflag:$0x1] =	stream.indirect.gather [hbm4b:s1+s8], $0x80, s18, s8, $0xb8;
	[tilespmem:$0x1DBF0] =	vst v63  }
0x110: {  	_ =	swait.ge [sflag:s11], $0x2800  }
0x111: {  	[sflag:s11] =	ssyncset.done $0x0  }
0x112: {  	s17 =	sadd.s32 $0x1400, s17;
	[sflag:s11] =	ssyncadd.s32 $0xFFFFD800  }
0x113: {  	[spmem:s3] =	stream.indirect.scatter.add.f32 [tilespmem:s9], [sflag:$0x5], $0x80, s17, s8, $0xb8;
	[tilespmem:$0x1DBF0] =	vst v63  }
0x114: {  	_ =	swait.ge [sflag:s2], $0x2800  }
.Ltmp4:
0x115: {  	[sflag:s2] =	ssyncset.done $0x0;
	(pc) =	sbr.rel @p0 .LBB2_10-.Ltmp4, $4  }
0x116: {  	[sflag:s2] =	ssyncadd.s32 $0xFFFFD800  }
0x117: {  	[spmem:s4] =	stream.indirect.scatter.add.f32 [tilespmem:s0], [sflag:$0x5], $0x10, s17, s8, $0xb8;
	[tilespmem:$0x1DBF0] =	vst v63  }
0x118: {  	_ =	swait.ge [sflag:s2], $0x500  }
0x119: {  	s18 =	smov.u32 s21;
	s17 =	sshra.s32 s20, $0x2;
	[sflag:s2] =	ssyncset.done $0x0  }
0x11a: {  	s18 =	sadd.s32 $0x50, s17;
	[sflag:s2] =	ssyncadd.s32 $0xFFFFFB00  }
0x11b: {  	[tilespmem:s9], [sflag:$0x2] =	stream.indirect.gather [hbm4b:s1+s8], $0x80, s18, s8, $0xb8;
	[tilespmem:$0x1DBF0] =	vst v63  }
0x11c: {  	_ =	swait.ge [sflag:s10], $0x2800  }
0x11d: {  	[sflag:s10] =	ssyncset.done $0x0  }
0x11e: {  	s19 =	sadd.s32 $0x13B0, s17;
	[sflag:s10] =	ssyncadd.s32 $0xFFFFD800  }
0x11f: {  	[spmem:s3] =	stream.indirect.scatter.add.f32 [tilespmem:s31], [sflag:$0x5], $0x80, s19, s8, $0xb8;
	[tilespmem:$0x1DBF0] =	vst v63  }
0x120: {  	_ =	swait.ge [sflag:s2], $0x2800  }
0x121: {  	[sflag:s2] =	ssyncset.done $0x0  }
0x122: {  	[sflag:s2] =	ssyncadd.s32 $0xFFFFD800  }
0x123: {  	[spmem:s4] =	stream.indirect.scatter.add.f32 [tilespmem:s0], [sflag:$0x5], $0x10, s19, s8, $0xb8;
	[tilespmem:$0x1DBF0] =	vst v63  }
0x124: {  	_ =	swait.ge [sflag:s2], $0x500  }
0x125: {  	[sflag:s2] =	ssyncset.done $0x0  }
0x126: {  	s20 =	sadd.s32 $0xA0, s17;
	[sflag:s2] =	ssyncadd.s32 $0xFFFFFB00  }
0x127: {  	[tilespmem:s31], [sflag:$0x1] =	stream.indirect.gather [hbm4b:s1+s8], $0x80, s20, s8, $0xb8;
	[tilespmem:$0x1DBF0] =	vst v63  }
0x128: {  	_ =	swait.ge [sflag:s11], $0x2800  }
0x129: {  	[sflag:s11] =	ssyncset.done $0x0  }
0x12a: {  	s21 =	sadd.s32 $0x1400, s17;
	[sflag:s11] =	ssyncadd.s32 $0xFFFFD800  }
0x12b: {  	[spmem:s3] =	stream.indirect.scatter.add.f32 [tilespmem:s9], [sflag:$0x5], $0x80, s21, s8, $0xb8;
	[tilespmem:$0x1DBF0] =	vst v63  }
0x12c: {  	_ =	swait.ge [sflag:s2], $0x2800  }
0x12d: {  	[sflag:s2] =	ssyncset.done $0x0  }
0x12e: {  	[sflag:s2] =	ssyncadd.s32 $0xFFFFD800  }
0x12f: {  	[spmem:s4] =	stream.indirect.scatter.add.f32 [tilespmem:s0], [sflag:$0x5], $0x10, s21, s8, $0xb8;
	[tilespmem:$0x1DBF0] =	vst v63  }
0x130: {  	_ =	swait.ge [sflag:s2], $0x500  }
0x131: {  	[sflag:s2] =	ssyncset.done $0x0  }
0x132: {  	s18 =	simm.s32 $0x1310;
	[sflag:s2] =	ssyncadd.s32 $0xFFFFFB00  }
0x133: {  	[tilespmem:s9], [sflag:$0x2] =	stream.indirect.gather [hbm4b:s1+s8], $0x80, s18, s8, $0xb8;
	[tilespmem:$0x1DBF0] =	vst v63  }
0x134: {  	_ =	swait.ge [sflag:s10], $0x2800  }
0x135: {  	[sflag:s10] =	ssyncset.done $0x0  }
0x136: {  	[sflag:s10] =	ssyncadd.s32 $0xFFFFD800  }
0x137: {  	[spmem:s3] =	stream.indirect.scatter.add.f32 [tilespmem:s31], [sflag:$0x5], $0x80, s13, s8, $0xb8;
	[tilespmem:$0x1DBF0] =	vst v63  }
0x138: {  	_ =	swait.ge [sflag:s2], $0x2800  }
0x139: {  	[sflag:s2] =	ssyncset.done $0x0  }
0x13a: {  	[sflag:s2] =	ssyncadd.s32 $0xFFFFD800  }
0x13b: {  	[spmem:s4] =	stream.indirect.scatter.add.f32 [tilespmem:s0], [sflag:$0x5], $0x10, s13, s8, $0xb8;
	[tilespmem:$0x1DBF0] =	vst v63  }
0x13c: {  	_ =	swait.ge [sflag:s2], $0x500  }
0x13d: {  	[sflag:s2] =	ssyncset.done $0x0  }
0x13e: {  	[sflag:s2] =	ssyncadd.s32 $0xFFFFFB00  }
0x13f: {  	_ =	swait.ge [sflag:s11], $0x2800  }
0x140: {  	[sflag:s11] =	ssyncset.done $0x0  }
0x141: {  	[sflag:s11] =	ssyncadd.s32 $0xFFFFD800  }
0x142: {  	[spmem:s3] =	stream.indirect.scatter.add.f32 [tilespmem:s9], [sflag:$0x5], $0x80, s14, s8, $0xb8;
	[tilespmem:$0x1DBF0] =	vst v63  }
0x143: {  	_ =	swait.ge [sflag:s2], $0x2800  }
0x144: {  	[sflag:s2] =	ssyncset.done $0x0  }
0x145: {  	[sflag:s2] =	ssyncadd.s32 $0xFFFFD800  }
0x146: {  	[spmem:s4] =	stream.indirect.scatter.add.f32 [tilespmem:s0], [sflag:$0x5], $0x10, s14, s8, $0xb8;
	[tilespmem:$0x1DBF0] =	vst v63  }
0x147: {  	_ =	swait.ge [sflag:s2], $0x500  }
0x148: {  	s19 =	stileid.u32;
	[sflag:s2] =	ssyncset.done $0x0  }
0x149: {  	s17 =	sshll.u32 s19, $0x6;
	[sflag:s2] =	ssyncadd.s32 $0xFFFFFB00  }
0x14a: {  	s17 =	sor.u32 $0x1C05, s17;
	s20 =	sshrl.u32 s6, $0x3;
	[bflag:$0x0] =	sbarrier.arrive $0xFFFF  }
0x14b: {  	[hbm:s28], [sflag:s17] =	dma.local [spmem:s20], $0x2710  }
0x14c: {  	s16 =	sadd.s32 $0x1, s16;
	_ =	swait.ge [sflag:s2], $0x2710  }
0x14d: {  	p0 =	sne.s32 s16, s29;
	s21 =	sshrl.u32 s15, $0x3;
	[sflag:s2] =	ssyncset.done $0x0  }
.Ltmp5:
0x14e: {  	s19 =	rddreg [dreg:$0xc];
	[sflag:s2] =	ssyncadd.s32 $0xFFFFD8F0;
	(pc) =	sbr.rel @p0 .LBB2_1-.Ltmp5, $4  }
0x14f: {  	[hbm:s19], [sflag:s17] =	dma.local [spmem:s21], $0x4E2  }
0x150: {  	_ =	swait.ge [sflag:s2], $0x4E2  }
0x151: {  	[sflag:s2] =	ssyncset.done $0x0  }
0x152: {  	[sflag:s2] =	ssyncadd.s32 $0xFFFFFB1E  }
0x153: {  	_ =	sfence.sel $0x180000  }
0x154: {  	[bflag:$0x0] =	sbarrier.arrive $0xFFFF  }
0x155: {  	_ =	strace $0x90000047  }
0x156: {  	s0 =	stileid.u32;
	[bflag:$0x2] =	sbarrier.arrive $0xFFFF  }
0x157: {  	p0 =	sne.s32 s0, $0x0;
	s0 =	rddreg [dreg:$0x5]  }
0x158: {  	s0 =	sadd.s32 @!p0 $0x100000, s0  }
0x159: {  	[sflag:s0] =	ssyncadd.tile.s32 @!p0 $0x1;
	_ =	shalt  }
.Lfunc_end2:
_tile_overlayer_lowered:
.L_overlay_start_2:
0x15a: {  	(tag) =	ssettag $0x2  }
0x15b: {  	s0 =	rddreg [dreg:$0x0];
	s2 =	stileid.u32  }
0x15c: {  	s1 =	rddreg [dreg:$0x1];
	p0 =	sne.s32 s2, $0x0  }
0x15d: {  	s3 =	rddreg [dreg:$0x2];
	[bflag:$0x3] =	sbarrier.arrive $0xFFFF;
	s2 =	simm.s32 @!p0 $0x1C05  }
0x15e: {  	[timem:s3], [sflag:s2] =	dma.local @!p0 [hbm:s0], s1  }
0x15f: {  	s0 =	simm.s32 @!p0 $0x5  }
0x160: {  	_ =	swait.ge @!p0 [sflag:s0], s1  }
0x161: {  	s1 =	ssub.s32 @!p0 $0x0, s1;
	[sflag:s0] =	ssyncset.done @!p0 $0x0  }
0x162: {  	[sflag:s0] =	ssyncadd.s32 @!p0 s1  }
0x163: {  	[bflag:$0x3] =	sbarrier.arrive $0xFFFF  }
0x164: {  	_ =	shalt  }

// kernel: kernel.9.cloned.1.call-start
scs
__scs_entry_jumppad:
0x0: {  	(pc) =	sbr.rel $0x88, $3  }
0x1: {  	(tag) =	ssettag $0x0;
	lr =	simm.s32 $0x1  }
0x2: {  	[smem:$0x3F97] =	sst lr;
	_ =	strace $0xD0000000  }
0x3: {  	_ = 	snop  }
0x4: {  	_ = 	snop  }
0x5: {  	_ = 	snop  }
0x6: {  	_ = 	snop  }
0x7: {  	_ = 	snop  }
__scs_overlays_trampoline_lowered:
0x8: {  	[smem:$0x3FA6] =	sst s0  }
0x9: {  	[smem:$0x3FA7] =	sst s1  }
0xa: {  	[smem:$0x3FA8] =	sst s2  }
0xb: {  	[smem:$0x3FA9] =	sst s3  }
0xc: {  	[smem:$0x3FAA] =	sst s4  }
0xd: {  	[smem:$0x3FAB] =	sst s5  }
0xe: {  	[smem:$0x3FAC] =	sst s6  }
0xf: {  	[smem:$0x3FAD] =	sst s7  }
0x10: {  	[smem:$0x3FAE] =	sst s8  }
0x11: {  	[smem:$0x3FAF] =	sst s9;
	s0 =	simm.s32 @!p0 $0x0  }
0x12: {  	s1 =	sld [smem:$0x3F95];
	s0 =	simm.s32 @p0 $0x1  }
0x13: {  	[smem:$0x3FB0] =	sst s0;
	s0 =	simm.s32 @!p1 $0x0  }
0x14: {  	s2 =	sld [smem:$0x3F94];
	s0 =	simm.s32 @p1 $0x1  }
0x15: {  	[smem:$0x3FB1] =	sst s0;
	s0 =	simm.s32 @!p2 $0x0  }
0x16: {  	s3 =	sld [smem:$0x3FDB];
	s0 =	simm.s32 @p2 $0x1  }
0x17: {  	s4 =	simm.s32 $0x1BF5;
	[smem:$0x3FB3] =	sst s0  }
0x18: {  	s0 =	sld [smem:$0x3F96];
	_ =	swait.ge [sflag:s4], $0x0  }
0x19: {  	s7 =	sld [smem:$0x3F97]  }
0x1a: {  	s8 =	sadd.s32 $0xFFFFE003, lr  }
0x1b: {  	s9 =	sadd.s32 $0xFFFFFEF7, lr;
	s5 =	simm.s32 $0xFFFFFFFF;
	p2 =	slt.u32 s8, $0xFFFFF086  }
0x1c: {  	p1 =	slt.u32 s9, $0xF7A;
	s5 =	simm.s32 @!p2 $0x0  }
0x1d: {  	s5 =	simm.s32 @p1 $0x1;
	p0 =	seq.s32 s7, s2  }
0x1e: {  	s7 =	smul.u32 @!p0 $0xF7A, s2;
	p2 =	seq.s32 @!p0 s5, $0x0  }
0x1f: {  	s9 =	smul.u32 $0xF7A, s1;
	s8 =	simm.s32 @!p0 $0x1BF5;
	p2 =	por !p2, p0  }
0x20: {  	[sflag:s8] =	ssyncset.s32 @!p0 $0xFFFFF086;
	s6 =	sadd.s32 @!p0 s3, s7;
	s7 =	simm.s32 @!p0 $0x108  }
0x21: {  	s3 =	sadd.s32 s3, s9;
	s6 =	sadd.s32 @!p0 $0x88, s6;
	s7 =	simm.s32 @p2 $0x1082  }
0x22: {  	[simem:s7], [sflag:s8] =	dma.local @!p0 [hbm:s6], $0xF7A  }
0x23: {  	s9 =	sor.u32 $0xD0000000, s2;
	s6 =	simm.s32 $0x108;
	_ =	swait.ge @!p0 [sflag:s8], $0x0  }
0x24: {  	s3 =	sadd.s32 $0x88, s3;
	s6 =	simm.s32 @!p1 $0x1082;
	[sflag:s4] =	ssyncset.s32 $0xFFFFF086  }
0x25: {  	[simem:s6], [sflag:s4] =	dma.local [hbm:s3], $0xF7A  }
0x26: {  	[smem:$0x3F97] =	sst s1;
	(tag) =	ssettag s2;
	_ =	strace s9  }
0x27: {  	s1 =	sld [smem:$0x3FA7]  }
0x28: {  	s2 =	sld [smem:$0x3FA8]  }
0x29: {  	s4 =	sld [smem:$0x3FAA]  }
0x2a: {  	p0 =	seq.s32 s5, $0x0;
	s5 =	sld [smem:$0x3FAB]  }
0x2b: {  	s6 =	sld [smem:$0x3FAC]  }
0x2c: {  	s7 =	sld [smem:$0x3FAD]  }
0x2d: {  	s3 =	simm.s32 $0x108;
	s8 =	sld [smem:$0x3FAE]  }
0x2e: {  	s3 =	simm.s32 @!p0 $0x1082;
	s9 =	sld [smem:$0x3FAF]  }
0x2f: {  	lr =	sadd.s32 s0, s3;
	s0 =	sld [smem:$0x3FA6]  }
0x30: {  	s3 =	sld [smem:$0x3FA9]  }
0x31: {  	[smem:$0x3FB2] =	sst s10  }
0x32: {  	s10 =	sld [smem:$0x3FB0];
	_ =	sdelay $0x3  }
0x33: {  	p0 =	seq.s32 s10, $0x1;
	s10 =	sld [smem:$0x3FB2];
	_ =	sdelay $0x3  }
0x34: {  	[smem:$0x3FB2] =	sst s10  }
0x35: {  	s10 =	sld [smem:$0x3FB1];
	_ =	sdelay $0x3  }
0x36: {  	p1 =	seq.s32 s10, $0x1;
	s10 =	sld [smem:$0x3FB2];
	_ =	sdelay $0x3  }
0x37: {  	[smem:$0x3FB2] =	sst s10  }
0x38: {  	s10 =	sld [smem:$0x3FB3]  }
0x39: {  	_ = 	snop;
	(pc) =	sbr.ind lr, $3  }
0x3a: {  	_ = 	snop  }
0x3b: {  	_ = 	snop  }
0x3c: {  	p2 =	seq.s32 s10, $0x1;
	s10 =	sld [smem:$0x3FB2]  }
0x3d: {  	_ =	shalt  }
0x3e: {  	_ =	shalt  }
0x3f: {  	_ =	shalt  }
0x40: {  	_ =	shalt  }
0x41: {  	_ =	shalt  }
0x42: {  	_ =	shalt  }
0x43: {  	_ =	shalt  }
0x44: {  	_ =	shalt  }
0x45: {  	_ =	shalt  }
0x46: {  	_ =	shalt  }
0x47: {  	_ =	shalt  }
0x48: {  	_ =	shalt  }
0x49: {  	_ =	shalt  }
0x4a: {  	_ =	shalt  }
0x4b: {  	_ =	shalt  }
0x4c: {  	_ =	shalt  }
0x4d: {  	_ =	shalt  }
0x4e: {  	_ =	shalt  }
0x4f: {  	_ =	shalt  }
0x50: {  	_ =	shalt  }
0x51: {  	_ =	shalt  }
0x52: {  	_ =	shalt  }
0x53: {  	_ =	shalt  }
0x54: {  	_ =	shalt  }
0x55: {  	_ =	shalt  }
0x56: {  	_ =	shalt  }
0x57: {  	_ =	shalt  }
0x58: {  	_ =	shalt  }
0x59: {  	_ =	shalt  }
0x5a: {  	_ =	shalt  }
0x5b: {  	_ =	shalt  }
0x5c: {  	_ =	shalt  }
0x5d: {  	_ =	shalt  }
0x5e: {  	_ =	shalt  }
0x5f: {  	_ =	shalt  }
0x60: {  	_ =	shalt  }
0x61: {  	_ =	shalt  }
0x62: {  	_ =	shalt  }
0x63: {  	_ =	shalt  }
0x64: {  	_ =	shalt  }
0x65: {  	_ =	shalt  }
0x66: {  	_ =	shalt  }
0x67: {  	_ =	shalt  }
0x68: {  	_ =	shalt  }
0x69: {  	_ =	shalt  }
0x6a: {  	_ =	shalt  }
0x6b: {  	_ =	shalt  }
0x6c: {  	_ =	shalt  }
0x6d: {  	_ =	shalt  }
0x6e: {  	_ =	shalt  }
0x6f: {  	_ =	shalt  }
0x70: {  	_ =	shalt  }
0x71: {  	_ =	shalt  }
0x72: {  	_ =	shalt  }
0x73: {  	_ =	shalt  }
0x74: {  	_ =	shalt  }
0x75: {  	_ =	shalt  }
0x76: {  	_ =	shalt  }
0x77: {  	_ =	shalt  }
0x78: {  	_ =	shalt  }
0x79: {  	_ =	shalt  }
0x7a: {  	_ =	shalt  }
0x7b: {  	_ =	shalt  }
0x7c: {  	_ =	shalt  }
0x7d: {  	_ =	shalt  }
0x7e: {  	_ =	shalt  }
0x7f: {  	_ =	shalt  }
0x80: {  	_ =	shalt  }
0x81: {  	_ =	shalt  }
0x82: {  	_ =	shalt  }
0x83: {  	_ =	shalt  }
0x84: {  	_ =	shalt  }
0x85: {  	_ =	shalt  }
0x86: {  	_ =	shalt  }
0x87: {  	_ =	shalt  }
.Lfunc_end0:
.L_simem_size_0:
called_computation.1_lowered:
.L_overlay_start_0:
0x88: {  	s2 =	sld [smem:$0x3FD9]  }
0x89: {  	s3 =	sld [smem:$0x3FFE];
	_ =	sdelay $0x1  }
0x8a: {  	s1 =	srdreg.scid  }
0x8b: {  	s0 =	sand.u32 $0x1, s1  }
0x8c: {  	s16 =	sshll.u32 s0, $0xA;
	s2 =	sadd.s32 s3, s2  }
0x8d: {  	s2 =	sadd.s32 s2, s16  }
0x8e: {  	[smem:$0x3FBE] =	sst s2  }
0x8f: {  	_ = 	snop  }
0x90: {  	(tm) =	ssettm $0x1  }
0x91: {  	s17 =	sld [smem:$0x3FFB];
	_ =	sdelay $0x3  }
0x92: {  	_ =	strace s17  }
0x93: {  	s2 =	sld [smem:$0x3FFC];
	_ =	sdelay $0x3  }
0x94: {  	_ =	strace s2  }
0x95: {  	s2 =	sld [smem:$0x3FFD];
	_ =	sdelay $0x3  }
0x96: {  	_ =	strace s2  }
0x97: {  	_ =	strace $0x8FFFFFFF  }
0x98: {  	s18 =	sld [smem:$0x3FDB];
	_ =	sdelay $0x1  }
0x99: {  	s19 =	simm.s32 $_scs_section_size  }
0x9a: {  	s4 =	simm.s32 $_size__tile_overlayer_lowered;
	s5 =	simm.s32 $_tile_overlayer_lowered  }
0x9b: {  	s22 =	simm.s32 $0x1BFF;
	s21 =	sshll.u32 s5, $0x1;
	s2 =	sadd.s32 s19, s18  }
0x9c: {  	s6 =	simm.s32 $0x0;
	s20 =	sshll.u32 s4, $0x1;
	s4 =	sadd.s32 s21, s2  }
0x9d: {  	[timem:s6], [sflag:s22] =	dma.local [hbm:s4], s20  }
0x9e: {  	_ =	swait.ge [sflag:s22], s20  }
0x9f: {  	s3 =	ssub.s32 $0x0, s20;
	[sflag:s22] =	ssyncset.done $0x0  }
0xa0: {  	[sflag:s22] =	ssyncadd.s32 s3;
	_ =	sdelay $0x1  }
0xa1: {  	s23 =	simm.s32 $0x1B8B  }
0xa2: {  	_ =	swait.ge [sflag:s23], $0x1  }
0xa3: {  	[sflag:s23] =	ssyncset.done $0x0  }
0xa4: {  	s25 =	simm.s32 $0x1B8E;
	s24 =	sld [smem:$0x3FFE];
	[sflag:s23] =	ssyncadd.s32 $0xFFFFFFFF  }
0xa5: {  	s26 =	simm.s32 $execute0_lowered;
	[smem:$0x3FD2] =	sst s25  }
0xa6: {  	s4 =	sshll.u32 s26, $0x1;
	_ =	strace $0x80000049;
	[dreg:$0x1] =	wrdreg $0xFFFFFFFF  }
0xa7: {  	s28 =	simm.s32 $_size_execute0_lowered;
	s2 =	sadd.s32 s2, s4;
	[dreg:$0x0] =	wrdreg $0x0  }
0xa8: {  	s4 =	sshll.u32 s28, $0x1;
	[dreg:$0x2] =	wrdreg s2  }
0xa9: {  	[dreg:$0x3] =	wrdreg s4  }
0xaa: {  	[dreg:$0x4] =	wrdreg $0xC0  }
0xab: {  	_ =	task [dreg:s6], $0x5FFFF  }
0xac: {  	[dreg:$0x1] =	wrdreg $0xFFFFFFFF  }
0xad: {  	[dreg:$0x0] =	wrdreg $0x60  }
0xae: {  	[dreg:$0x2] =	wrdreg s24  }
0xaf: {  	[dreg:$0x3] =	wrdreg $0x77600  }
0xb0: {  	[dreg:$0x4] =	wrdreg $0x9  }
0xb1: {  	_ =	task.clear_ibuf [dreg:s6], $0x5FFFF;
	_ =	strace $0x90000049  }
0xb2: {  	s29 =	simm.s32 $0x9;
	_ =	strace $0x8000004B  }
0xb3: {  	_ =	swait.ge [sflag:s29], $0x1  }
0xb4: {  	[sflag:s29] =	ssyncadd.s32 $0xFFFFFFFF  }
0xb5: {  	_ =	strace $0x9000004B  }
0xb6: {  	_ =	sfence  }
0xb7: {  	s30 =	sld [smem:$0x0];
	_ =	sdelay $0x2  }
0xb8: {  	s31 =	sshll.u32 s1, $0xD;
	s1 =	sshrl.u32 s1, $0x2  }
0xb9: {  	s3 =	sand.u32 $0x4000, s31;
	s1 =	sadd.s32 s1, s30  }
0xba: {  	s0 =	sor.u32 s3, s0;
	s1 =	sshll.u32 s1, $0x11  }
0xbb: {  	s0 =	sor.u32 s1, s0  }
0xbc: {  	s0 =	sadd.s32 $0x8F2B, s0  }
0xbd: {  	[sflag:s0] =	ssyncadd.remote.s32 $0x1  }
0xbe: {  	_ =	sfence.sel $0xFFFF  }
0xbf: {  	[dreg:$0x0] =	wrdreg $0xFFFFFFFF;
	(pc) =	sbr.abs _section_cstart, $3  }
0xc0: {  	[dreg:$0x1] =	wrdreg $0xFFFFFFFF  }
0xc1: {  	_ =	task.clear_ibuf [dreg:s6], $0x2FFFF;
	_ =	strace $0x9FFFFFFF  }
0xc2: {  	(tm) =	ssettm $0x7FFFFFFF  }
0xc3: {  	_ =	shalt  }
tec
execute0_lowered:
.L_overlay_start_1:
0x0: {  	(tag) =	ssettag $0x1  }
0x1: {  	s0 =	srdreg.scid;
	s5 =	rddreg [dreg:$0x0]  }
0x2: {  	s3 =	stileid.u32;
	s2 =	rddreg [dreg:$0x1]  }
0x3: {  	s4 =	simm.s32 $0x0;
	s19 =	simm.s32 $0x13B0;
	s20 =	simm.s32 $0x2760  }
0x4: {  	s21 =	simm.s32 $0x5;
	s22 =	simm.s32 $0x3;
	s23 =	simm.s32 $0x4  }
0x5: {  	s24 =	simm.s32 $0x50;
	s25 =	simm.s32 $0x4F60;
	s26 =	simm.s32 $0x1  }
0x6: {  	s28 =	simm.s32 $0x2;
	s0 =	sand.u32 $0x1, s0;
	s7 =	smul.u32 $0x13880, s3  }
0x7: {  	[smem:$0x7FF] =	sst s4;
	s8 =	smul.u32 $0x4E200, s3;
	s4 =	sadd.s32 $0x16400, s5  }
0x8: {  	s1 =	sshll.u32 s0, $0x4;
	s29 =	smul.u32 $0x138800, s0;
	s0 =	ssub.s32 $0x2, s0  }
0x9: {  	_ =	strace $0x8000004A;
	s1 =	sor.u32 s3, s1;
	s30 =	sshrl.u32 s0, $0x1  }
0xa: {  	s31 =	sshrl.u32 s8, $0x2;
	s1 =	smul.u32 $0x2710, s1;
	s6 =	sadd.s32 s7, s29  }
0xb: {  	s0 =	ssub.s32 s0, s30;
	s14 =	sadd.s32 s31, s2;
	s7 =	sadd.s32 s7, s2  }
0xc: {  	s6 =	sshrl.u32 s6, $0x3;
	s8 =	sadd.s32 $0x2800, s14;
	s9 =	sadd.s32 $0x5000, s14  }
0xd: {  	s10 =	sadd.s32 $0x7800, s14;
	s11 =	sadd.s32 $0xA000, s14;
	s12 =	sadd.s32 $0xC800, s14  }
0xe: {  	s13 =	sadd.s32 $0xF000, s14;
	s14 =	sadd.s32 $0x11800, s14;
	s1 =	sshrl.u32 s1, $0x3  }
0xf: {  	s18 =	smax.u32 s0, $0x1;
	s17 =	sadd.s32 s6, s5;
	s1 =	sadd.s32 s1, s5  }
0x10: {  	s0 =	simm.s32 $0x0;
	s17 =	sadd.s32 $0x3D600, s17;
	s5 =	sadd.s32 $0x2A00, s1  }
0x11: {  	v0 =	vimm.f32 $0.0e+00;
	s6 =	sadd.s32 $0xC640, s1;
	s15 =	sadd.s32 $0x2C76, s1;
	s16 =	sadd.s32 $0xC8B6, s1  }
.LBB2_1:
0x12: {  	s1 =	simm.s32 $0x0  }
0x13: {  	[tilespmem:s1], [sflag:$0x3] =	stream.linear.gather [hbm4b:s5+s1], $0x13B0, $0x38;
	[tilespmem:$0x1AFE0] =	vst v63  }
0x14: {  	s29 =	simm.s32 $0x0;
	s30 =	simm.s32 $0x200  }
0x15: {  	[tilespmem:s19], [sflag:$0x4] =	stream.linear.gather [hbm4b:s6+s1], $0x13B0, $0x38;
	[tilespmem:$0x1AFE0] =	vst v63  }
.LBB2_2:
0x16: {  	p0 =	sne.s32 s30, $0x9E00;
	[tilespmem:s29+$0x27D0] =	vst v0  }
0x17: {  	[tilespmem:s29+$0x2760] =	vst v0  }
0x18: {  	[tilespmem:s29+$0x2770] =	vst v0  }
.Ltmp0:
0x19: {  	[tilespmem:s29+$0x2780] =	vst v0;
	(pc) =	sbr.rel @p0 .LBB2_2-.Ltmp0, $4  }
0x1a: {  	[tilespmem:s29+$0x2790] =	vst v0  }
0x1b: {  	[tilespmem:s29+$0x27A0] =	vst v0  }
0x1c: {  	[tilespmem:s29+$0x27B0] =	vst v0  }
0x1d: {  	[tilespmem:s29+$0x27C0] =	vst v0;
	s29 =	sshra.s32 s30, $0x2;
	s30 =	sadd.s32 $0x200, s30  }
0x1e: {  	[tilespmem:s29+$0x27D0] =	vst v0  }
0x1f: {  	[tilespmem:s29+$0x2760] =	vst v0  }
0x20: {  	[tilespmem:s29+$0x2770] =	vst v0  }
0x21: {  	[tilespmem:s29+$0x2780] =	vst v0  }
0x22: {  	[tilespmem:s29+$0x2790] =	vst v0  }
0x23: {  	[tilespmem:s29+$0x27A0] =	vst v0  }
0x24: {  	[tilespmem:s29+$0x27B0] =	vst v0  }
0x25: {  	[tilespmem:s29+$0x27C0] =	vst v0  }
0x26: {  	[spmem:s7] =	stream.linear.scatter [tilespmem:s20], [sflag:$0x5], $0x2800, $0x38;
	[tilespmem:$0x1AFE0] =	vst v63  }
0x27: {  	_ =	swait.ge [sflag:s21], $0x2800  }
0x28: {  	[sflag:s21] =	ssyncset.done $0x0  }
0x29: {  	[sflag:s21] =	ssyncadd.s32 $0xFFFFD800  }
0x2a: {  	[spmem:s8] =	stream.linear.scatter [tilespmem:s20], [sflag:$0x5], $0x2800, $0x38;
	[tilespmem:$0x1AFE0] =	vst v63  }
0x2b: {  	_ =	swait.ge [sflag:s21], $0x2800  }
0x2c: {  	[sflag:s21] =	ssyncset.done $0x0  }
0x2d: {  	[sflag:s21] =	ssyncadd.s32 $0xFFFFD800  }
0x2e: {  	[spmem:s9] =	stream.linear.scatter [tilespmem:s20], [sflag:$0x5], $0x2800, $0x38;
	[tilespmem:$0x1AFE0] =	vst v63  }
0x2f: {  	_ =	swait.ge [sflag:s21], $0x2800  }
0x30: {  	[sflag:s21] =	ssyncset.done $0x0  }
0x31: {  	[sflag:s21] =	ssyncadd.s32 $0xFFFFD800  }
0x32: {  	[spmem:s10] =	stream.linear.scatter [tilespmem:s20], [sflag:$0x5], $0x2800, $0x38;
	[tilespmem:$0x1AFE0] =	vst v63  }
0x33: {  	_ =	swait.ge [sflag:s21], $0x2800  }
0x34: {  	[sflag:s21] =	ssyncset.done $0x0  }
0x35: {  	[sflag:s21] =	ssyncadd.s32 $0xFFFFD800  }
0x36: {  	[spmem:s11] =	stream.linear.scatter [tilespmem:s20], [sflag:$0x5], $0x2800, $0x38;
	[tilespmem:$0x1AFE0] =	vst v63  }
0x37: {  	_ =	swait.ge [sflag:s21], $0x2800  }
0x38: {  	[sflag:s21] =	ssyncset.done $0x0  }
0x39: {  	[sflag:s21] =	ssyncadd.s32 $0xFFFFD800  }
0x3a: {  	[spmem:s12] =	stream.linear.scatter [tilespmem:s20], [sflag:$0x5], $0x2800, $0x38;
	[tilespmem:$0x1AFE0] =	vst v63  }
0x3b: {  	_ =	swait.ge [sflag:s21], $0x2800  }
0x3c: {  	[sflag:s21] =	ssyncset.done $0x0  }
0x3d: {  	[sflag:s21] =	ssyncadd.s32 $0xFFFFD800  }
0x3e: {  	[spmem:s13] =	stream.linear.scatter [tilespmem:s20], [sflag:$0x5], $0x2800, $0x38;
	[tilespmem:$0x1AFE0] =	vst v63  }
0x3f: {  	_ =	swait.ge [sflag:s21], $0x2800  }
0x40: {  	[sflag:s21] =	ssyncset.done $0x0  }
0x41: {  	[sflag:s21] =	ssyncadd.s32 $0xFFFFD800  }
0x42: {  	[spmem:s14] =	stream.linear.scatter [tilespmem:s20], [sflag:$0x5], $0x2080, $0x38;
	[tilespmem:$0x1AFE0] =	vst v63  }
0x43: {  	_ =	swait.ge [sflag:s21], $0x2080  }
0x44: {  	[sflag:s21] =	ssyncset.done $0x0  }
0x45: {  	[sflag:s21] =	ssyncadd.s32 $0xFFFFDF80  }
0x46: {  	[bflag:$0x0] =	sbarrier.arrive $0xFFFF  }
0x47: {  	_ =	swait.ge [sflag:s22], $0x13B0  }
0x48: {  	[sflag:s22] =	ssyncset.done $0x0  }
0x49: {  	[sflag:s22] =	ssyncadd.s32 $0xFFFFEC50  }
0x4a: {  	_ =	swait.ge [sflag:s23], $0x13B0  }
0x4b: {  	[sflag:s23] =	ssyncset.done $0x0  }
0x4c: {  	s29 =	simm.s32 $0x0;
	[sflag:s23] =	ssyncadd.s32 $0xFFFFEC50  }
0x4d: {  	[tilespmem:s20], [sflag:$0x1] =	stream.indirect.gather [hbm4b:s4+s24], $0x80, s29, s24, $0xb8;
	[tilespmem:$0x1AFE0] =	vst v63  }
0x4e: {  	s29 =	simm.s32 $0x50  }
0x4f: {  	[tilespmem:s25], [sflag:$0x2] =	stream.indirect.gather [hbm4b:s4+s24], $0x80, s29, s24, $0xb8;
	[tilespmem:$0x1AFE0] =	vst v63  }
0x50: {  	_ =	swait.ge [sflag:s26], $0x2800  }
0x51: {  	[sflag:s26] =	ssyncset.done $0x0  }
0x52: {  	s29 =	simm.s32 $0x13B0;
	[sflag:s26] =	ssyncadd.s32 $0xFFFFD800  }
0x53: {  	[spmem:s2] =	stream.indirect.scatter.add.f32 [tilespmem:s20], [sflag:$0x5], $0x80, s29, s24, $0xb8;
	[tilespmem:$0x1AFE0] =	vst v63  }
0x54: {  	_ =	swait.ge [sflag:s21], $0x2800  }
0x55: {  	[sflag:s21] =	ssyncset.done $0x0  }
0x56: {  	s29 =	simm.s32 $0xA0;
	[sflag:s21] =	ssyncadd.s32 $0xFFFFD800  }
0x57: {  	[tilespmem:s20], [sflag:$0x1] =	stream.indirect.gather [hbm4b:s4+s24], $0x80, s29, s24, $0xb8;
	[tilespmem:$0x1AFE0] =	vst v63  }
0x58: {  	_ =	swait.ge [sflag:s28], $0x2800  }
0x59: {  	[sflag:s28] =	ssyncset.done $0x0  }
0x5a: {  	s29 =	simm.s32 $0x1400;
	[sflag:s28] =	ssyncadd.s32 $0xFFFFD800  }
0x5b: {  	[spmem:s2] =	stream.indirect.scatter.add.f32 [tilespmem:s25], [sflag:$0x5], $0x80, s29, s24, $0xb8;
	[tilespmem:$0x1AFE0] =	vst v63  }
0x5c: {  	_ =	swait.ge [sflag:s21], $0x2800  }
0x5d: {  	s30 =	simm.s32 $0x500;
	s29 =	simm.s32 $0xA0;
	[sflag:s21] =	ssyncset.done $0x0  }
.LBB2_4:
0x5e: {  	s31 =	sadd.s32 $0x50, s29  }
0x5f: {  	[sflag:s21] =	ssyncadd.s32 $0xFFFFD800;
	s1 =	smov.u32 s30;
	s3 =	sadd.s32 $0x280, s30  }
0x60: {  	[tilespmem:s25], [sflag:$0x2] =	stream.indirect.gather [hbm4b:s4+s24], $0x80, s31, s24, $0xb8;
	[tilespmem:$0x1AFE0] =	vst v63  }
0x61: {  	p0 =	sne.s32 s30, $0x4B00;
	_ =	swait.ge [sflag:s26], $0x2800  }
0x62: {  	[sflag:s26] =	ssyncset.done $0x0  }
0x63: {  	s30 =	sadd.s32 $0x13B0, s29;
	[sflag:s26] =	ssyncadd.s32 $0xFFFFD800  }
0x64: {  	[spmem:s2] =	stream.indirect.scatter.add.f32 [tilespmem:s20], [sflag:$0x5], $0x80, s30, s24, $0xb8;
	[tilespmem:$0x1AFE0] =	vst v63  }
0x65: {  	_ =	swait.ge [sflag:s21], $0x2800  }
0x66: {  	[sflag:s21] =	ssyncset.done $0x0  }
0x67: {  	s30 =	sadd.s32 $0xA0, s29;
	[sflag:s21] =	ssyncadd.s32 $0xFFFFD800  }
0x68: {  	[tilespmem:s20], [sflag:$0x1] =	stream.indirect.gather [hbm4b:s4+s24], $0x80, s30, s24, $0xb8;
	[tilespmem:$0x1AFE0] =	vst v63  }
0x69: {  	_ =	swait.ge [sflag:s28], $0x2800  }
.Ltmp1:
0x6a: {  	[sflag:s28] =	ssyncset.done $0x0;
	(pc) =	sbr.rel @p0 .LBB2_4-.Ltmp1, $4  }
0x6b: {  	s29 =	sadd.s32 $0x1400, s29;
	[sflag:s28] =	ssyncadd.s32 $0xFFFFD800  }
0x6c: {  	[spmem:s2] =	stream.indirect.scatter.add.f32 [tilespmem:s25], [sflag:$0x5], $0x80, s29, s24, $0xb8;
	[tilespmem:$0x1AFE0] =	vst v63  }
0x6d: {  	_ =	swait.ge [sflag:s21], $0x2800  }
0x6e: {  	s30 =	smov.u32 s3;
	s29 =	sshra.s32 s1, $0x2;
	[sflag:s21] =	ssyncset.done $0x0  }
0x6f: {  	s1 =	sadd.s32 $0x50, s29;
	[sflag:s21] =	ssyncadd.s32 $0xFFFFD800  }
0x70: {  	[tilespmem:s25], [sflag:$0x2] =	stream.indirect.gather [hbm4b:s4+s24], $0x80, s1, s24, $0xb8;
	[tilespmem:$0x1AFE0] =	vst v63  }
0x71: {  	_ =	swait.ge [sflag:s26], $0x2800  }
0x72: {  	[sflag:s26] =	ssyncset.done $0x0  }
0x73: {  	s31 =	sadd.s32 $0x13B0, s29;
	[sflag:s26] =	ssyncadd.s32 $0xFFFFD800  }
0x74: {  	[spmem:s2] =	stream.indirect.scatter.add.f32 [tilespmem:s20], [sflag:$0x5], $0x80, s31, s24, $0xb8;
	[tilespmem:$0x1AFE0] =	vst v63  }
0x75: {  	_ =	swait.ge [sflag:s21], $0x2800  }
0x76: {  	[sflag:s21] =	ssyncset.done $0x0  }
0x77: {  	s3 =	sadd.s32 $0xA0, s29;
	[sflag:s21] =	ssyncadd.s32 $0xFFFFD800  }
0x78: {  	[tilespmem:s20], [sflag:$0x1] =	stream.indirect.gather [hbm4b:s4+s24], $0x80, s3, s24, $0xb8;
	[tilespmem:$0x1AFE0] =	vst v63  }
0x79: {  	_ =	swait.ge [sflag:s28], $0x2800  }
0x7a: {  	[sflag:s28] =	ssyncset.done $0x0  }
0x7b: {  	s31 =	sadd.s32 $0x1400, s29;
	[sflag:s28] =	ssyncadd.s32 $0xFFFFD800  }
0x7c: {  	[spmem:s2] =	stream.indirect.scatter.add.f32 [tilespmem:s25], [sflag:$0x5], $0x80, s31, s24, $0xb8;
	[tilespmem:$0x1AFE0] =	vst v63  }
0x7d: {  	_ =	swait.ge [sflag:s21], $0x2800  }
0x7e: {  	[sflag:s21] =	ssyncset.done $0x0  }
0x7f: {  	[sflag:s21] =	ssyncadd.s32 $0xFFFFD800  }
0x80: {  	_ =	swait.ge [sflag:s26], $0x2800  }
0x81: {  	[sflag:s26] =	ssyncset.done $0x0  }
0x82: {  	s3 =	simm.s32 $0x2710;
	[sflag:s26] =	ssyncadd.s32 $0xFFFFD800  }
0x83: {  	[spmem:s2] =	stream.indirect.scatter.add.f32 [tilespmem:s20], [sflag:$0x5], $0x80, s3, s24, $0xb8;
	[tilespmem:$0x1AFE0] =	vst v63  }
0x84: {  	_ =	swait.ge [sflag:s21], $0x2800  }
0x85: {  	[sflag:s21] =	ssyncset.done $0x0  }
0x86: {  	s31 =	simm.s32 $0x0;
	[sflag:s21] =	ssyncadd.s32 $0xFFFFD800  }
0x87: {  	[tilespmem:s31], [sflag:$0x5] =	stream.linear.gather [hbm4b:s15+s31], $0x1360, $0x38;
	[tilespmem:$0x1AFE0] =	vst v63  }
0x88: {  	_ =	swait.ge [sflag:s21], $0x1360  }
0x89: {  	[sflag:s21] =	ssyncset.done $0x0  }
0x8a: {  	[sflag:s21] =	ssyncadd.s32 $0xFFFFECA0  }
0x8b: {  	[tilespmem:s19], [sflag:$0x5] =	stream.linear.gather [hbm4b:s16+s31], $0x1360, $0x38;
	[tilespmem:$0x1AFE0] =	vst v63  }
0x8c: {  	_ =	swait.ge [sflag:s21], $0x1360  }
0x8d: {  	[sflag:s21] =	ssyncset.done $0x0  }
0x8e: {  	[sflag:s21] =	ssyncadd.s32 $0xFFFFECA0  }
0x8f: {  	[tilespmem:s20], [sflag:$0x1] =	stream.indirect.gather [hbm4b:s4+s24], $0x80, s31, s24, $0xb8;
	[tilespmem:$0x1AFE0] =	vst v63  }
0x90: {  	s3 =	simm.s32 $0x50  }
0x91: {  	[tilespmem:s25], [sflag:$0x2] =	stream.indirect.gather [hbm4b:s4+s24], $0x80, s3, s24, $0xb8;
	[tilespmem:$0x1AFE0] =	vst v63  }
0x92: {  	_ =	swait.ge [sflag:s26], $0x2800  }
0x93: {  	[sflag:s26] =	ssyncset.done $0x0  }
0x94: {  	s31 =	simm.s32 $0x13B0;
	[sflag:s26] =	ssyncadd.s32 $0xFFFFD800  }
0x95: {  	[spmem:s2] =	stream.indirect.scatter.add.f32 [tilespmem:s20], [sflag:$0x5], $0x80, s31, s24, $0xb8;
	[tilespmem:$0x1AFE0] =	vst v63  }
0x96: {  	_ =	swait.ge [sflag:s21], $0x2800  }
0x97: {  	[sflag:s21] =	ssyncset.done $0x0  }
0x98: {  	s3 =	simm.s32 $0xA0;
	[sflag:s21] =	ssyncadd.s32 $0xFFFFD800  }
0x99: {  	[tilespmem:s20], [sflag:$0x1] =	stream.indirect.gather [hbm4b:s4+s24], $0x80, s3, s24, $0xb8;
	[tilespmem:$0x1AFE0] =	vst v63  }
0x9a: {  	_ =	swait.ge [sflag:s28], $0x2800  }
0x9b: {  	[sflag:s28] =	ssyncset.done $0x0  }
0x9c: {  	s31 =	simm.s32 $0x1400;
	[sflag:s28] =	ssyncadd.s32 $0xFFFFD800  }
0x9d: {  	[spmem:s2] =	stream.indirect.scatter.add.f32 [tilespmem:s25], [sflag:$0x5], $0x80, s31, s24, $0xb8;
	[tilespmem:$0x1AFE0] =	vst v63  }
0x9e: {  	_ =	swait.ge [sflag:s21], $0x2800  }
0x9f: {  	s30 =	simm.s32 $0x500;
	s29 =	simm.s32 $0xA0;
	[sflag:s21] =	ssyncset.done $0x0  }
.LBB2_6:
0xa0: {  	s1 =	sadd.s32 $0x50, s29  }
0xa1: {  	[sflag:s21] =	ssyncadd.s32 $0xFFFFD800;
	s3 =	smov.u32 s30;
	s31 =	sadd.s32 $0x280, s30  }
0xa2: {  	[tilespmem:s25], [sflag:$0x2] =	stream.indirect.gather [hbm4b:s4+s24], $0x80, s1, s24, $0xb8;
	[tilespmem:$0x1AFE0] =	vst v63  }
0xa3: {  	p0 =	sne.s32 s30, $0x4880;
	_ =	swait.ge [sflag:s26], $0x2800  }
0xa4: {  	[sflag:s26] =	ssyncset.done $0x0  }
0xa5: {  	s1 =	sadd.s32 $0x13B0, s29;
	[sflag:s26] =	ssyncadd.s32 $0xFFFFD800  }
0xa6: {  	[spmem:s2] =	stream.indirect.scatter.add.f32 [tilespmem:s20], [sflag:$0x5], $0x80, s1, s24, $0xb8;
	[tilespmem:$0x1AFE0] =	vst v63  }
0xa7: {  	_ =	swait.ge [sflag:s21], $0x2800  }
0xa8: {  	[sflag:s21] =	ssyncset.done $0x0  }
0xa9: {  	s1 =	sadd.s32 $0xA0, s29;
	[sflag:s21] =	ssyncadd.s32 $0xFFFFD800  }
0xaa: {  	[tilespmem:s20], [sflag:$0x1] =	stream.indirect.gather [hbm4b:s4+s24], $0x80, s1, s24, $0xb8;
	[tilespmem:$0x1AFE0] =	vst v63  }
0xab: {  	_ =	swait.ge [sflag:s28], $0x2800  }
.Ltmp2:
0xac: {  	[sflag:s28] =	ssyncset.done $0x0;
	(pc) =	sbr.rel @p0 .LBB2_6-.Ltmp2, $4  }
0xad: {  	s1 =	sadd.s32 $0x1400, s29;
	[sflag:s28] =	ssyncadd.s32 $0xFFFFD800  }
0xae: {  	[spmem:s2] =	stream.indirect.scatter.add.f32 [tilespmem:s25], [sflag:$0x5], $0x80, s1, s24, $0xb8;
	[tilespmem:$0x1AFE0] =	vst v63  }
0xaf: {  	_ =	swait.ge [sflag:s21], $0x2800  }
0xb0: {  	s30 =	smov.u32 s31;
	s29 =	sshra.s32 s3, $0x2;
	[sflag:s21] =	ssyncset.done $0x0  }
0xb1: {  	s1 =	sadd.s32 $0x50, s29;
	[sflag:s21] =	ssyncadd.s32 $0xFFFFD800  }
0xb2: {  	[tilespmem:s25], [sflag:$0x2] =	stream.indirect.gather [hbm4b:s4+s24], $0x80, s1, s24, $0xb8;
	[tilespmem:$0x1AFE0] =	vst v63  }
0xb3: {  	_ =	swait.ge [sflag:s26], $0x2800  }
0xb4: {  	[sflag:s26] =	ssyncset.done $0x0  }
0xb5: {  	s3 =	sadd.s32 $0x13B0, s29;
	[sflag:s26] =	ssyncadd.s32 $0xFFFFD800  }
0xb6: {  	[spmem:s2] =	stream.indirect.scatter.add.f32 [tilespmem:s20], [sflag:$0x5], $0x80, s3, s24, $0xb8;
	[tilespmem:$0x1AFE0] =	vst v63  }
0xb7: {  	_ =	swait.ge [sflag:s21], $0x2800  }
0xb8: {  	[sflag:s21] =	ssyncset.done $0x0  }
0xb9: {  	s30 =	sadd.s32 $0xA0, s29;
	[sflag:s21] =	ssyncadd.s32 $0xFFFFD800  }
0xba: {  	[tilespmem:s20], [sflag:$0x1] =	stream.indirect.gather [hbm4b:s4+s24], $0x80, s30, s24, $0xb8;
	[tilespmem:$0x1AFE0] =	vst v63  }
0xbb: {  	_ =	swait.ge [sflag:s28], $0x2800  }
0xbc: {  	[sflag:s28] =	ssyncset.done $0x0  }
0xbd: {  	s31 =	sadd.s32 $0x1400, s29;
	[sflag:s28] =	ssyncadd.s32 $0xFFFFD800  }
0xbe: {  	[spmem:s2] =	stream.indirect.scatter.add.f32 [tilespmem:s25], [sflag:$0x5], $0x80, s31, s24, $0xb8;
	[tilespmem:$0x1AFE0] =	vst v63  }
0xbf: {  	_ =	swait.ge [sflag:s21], $0x2800  }
0xc0: {  	[sflag:s21] =	ssyncset.done $0x0  }
0xc1: {  	s3 =	simm.s32 $0x1310;
	[sflag:s21] =	ssyncadd.s32 $0xFFFFD800  }
0xc2: {  	[tilespmem:s25], [sflag:$0x2] =	stream.indirect.gather [hbm4b:s4+s24], $0x80, s3, s24, $0xb8;
	[tilespmem:$0x1AFE0] =	vst v63  }
0xc3: {  	_ =	swait.ge [sflag:s26], $0x2800  }
0xc4: {  	[sflag:s26] =	ssyncset.done $0x0  }
0xc5: {  	s29 =	simm.s32 $0x2670;
	[sflag:s26] =	ssyncadd.s32 $0xFFFFD800  }
0xc6: {  	[spmem:s2] =	stream.indirect.scatter.add.f32 [tilespmem:s20], [sflag:$0x5], $0x80, s29, s24, $0xb8;
	[tilespmem:$0x1AFE0] =	vst v63  }
0xc7: {  	_ =	swait.ge [sflag:s21], $0x2800  }
0xc8: {  	[sflag:s21] =	ssyncset.done $0x0  }
0xc9: {  	[sflag:s21] =	ssyncadd.s32 $0xFFFFD800  }
0xca: {  	_ =	swait.ge [sflag:s28], $0x2800  }
0xcb: {  	[sflag:s28] =	ssyncset.done $0x0  }
0xcc: {  	s30 =	simm.s32 $0x26C0;
	[sflag:s28] =	ssyncadd.s32 $0xFFFFD800  }
0xcd: {  	[spmem:s2] =	stream.indirect.scatter.add.f32 [tilespmem:s25], [sflag:$0x5], $0x80, s30, s24, $0xb8;
	[tilespmem:$0x1AFE0] =	vst v63  }
0xce: {  	s31 =	stileid.u32;
	_ =	swait.ge [sflag:s21], $0x2800  }
0xcf: {  	s0 =	sadd.s32 $0x1, s0;
	s1 =	sshll.u32 s31, $0x6;
	[sflag:s21] =	ssyncset.done $0x0  }
0xd0: {  	p0 =	sne.s32 s0, s18;
	s1 =	sor.u32 $0x1C05, s1;
	[sflag:s21] =	ssyncadd.s32 $0xFFFFD800  }
.Ltmp3:
0xd1: {  	s3 =	sshrl.u32 s7, $0x3;
	[bflag:$0x0] =	sbarrier.arrive $0xFFFF;
	(pc) =	sbr.rel @p0 .LBB2_1-.Ltmp3, $4  }
0xd2: {  	[hbm:s17], [sflag:s1] =	dma.local [spmem:s3], $0x2710  }
0xd3: {  	_ =	swait.ge [sflag:s21], $0x2710  }
0xd4: {  	[sflag:s21] =	ssyncset.done $0x0  }
0xd5: {  	[sflag:s21] =	ssyncadd.s32 $0xFFFFD8F0  }
0xd6: {  	_ =	sfence.sel $0x180000  }
0xd7: {  	[bflag:$0x0] =	sbarrier.arrive $0xFFFF  }
0xd8: {  	_ =	strace $0x9000004A  }
0xd9: {  	s0 =	stileid.u32;
	[bflag:$0x2] =	sbarrier.arrive $0xFFFF  }
0xda: {  	p0 =	sne.s32 s0, $0x0;
	s0 =	rddreg [dreg:$0x2]  }
0xdb: {  	s0 =	sadd.s32 @!p0 $0x100000, s0  }
0xdc: {  	[sflag:s0] =	ssyncadd.tile.s32 @!p0 $0x1;
	_ =	shalt  }
.Lfunc_end2:
_tile_overlayer_lowered:
.L_overlay_start_2:
0xdd: {  	(tag) =	ssettag $0x2  }
0xde: {  	s0 =	rddreg [dreg:$0x0];
	s2 =	stileid.u32  }
0xdf: {  	s1 =	rddreg [dreg:$0x1];
	p0 =	sne.s32 s2, $0x0  }
0xe0: {  	s3 =	rddreg [dreg:$0x2];
	[bflag:$0x3] =	sbarrier.arrive $0xFFFF;
	s2 =	simm.s32 @!p0 $0x1C05  }
0xe1: {  	[timem:s3], [sflag:s2] =	dma.local @!p0 [hbm:s0], s1  }
0xe2: {  	s0 =	simm.s32 @!p0 $0x5  }
0xe3: {  	_ =	swait.ge @!p0 [sflag:s0], s1  }
0xe4: {  	s1 =	ssub.s32 @!p0 $0x0, s1;
	[sflag:s0] =	ssyncset.done @!p0 $0x0  }
0xe5: {  	[sflag:s0] =	ssyncadd.s32 @!p0 s1  }
0xe6: {  	[bflag:$0x3] =	sbarrier.arrive $0xFFFF  }
0xe7: {  	_ =	shalt  }

</sc_bundles>
